<compile_context>
chip_gen: v7x
topology: tpu7x:2x2x1
jax: 0.10.2.dev20260603
libtpu: 0.0.44.dev20260713+nightly
codegen_flags: <defaults>
</compile_context>

<pallas_src>
import functools

import jax
import jax.numpy as jnp
from jax import lax
from jax.experimental import pallas as pl
from jax.experimental.pallas import tpu as pltpu
from jax.experimental.pallas import tpu_sc as plsc

N_NODES = 10000
K_NBR = 32
D_FEAT = 128
TOPK = 8
NUM_WORKERS = 32
N_PAD = 10240
TC_BLK = 5120
N_GROUPS = 79
GROUPS_PER_W = 3


def _tc_prep_body(f_ref, w_ref, b_ref, nt_ref, s1_ref, s2_ref, ng_ref):
  f = f_ref[...]
  w1 = w_ref[0:128, :]
  w2 = w_ref[128:256, :]
  s1 = jnp.dot(f, w1, preferred_element_type=jnp.float32) + b_ref[0, 0]
  s2 = jnp.dot(f, w2, preferred_element_type=jnp.float32)
  s1_ref[...] = jnp.reshape(s1, (TC_BLK // 128, 128))
  s2_ref[...] = jnp.reshape(s2, (TC_BLK // 128, 128))
  nb = jnp.clip(nt_ref[...], 0, N_NODES - 1)
  ng_ref[...] = jnp.transpose(
      jnp.reshape(nb, (K_NBR, TC_BLK // 128, 128)), (1, 0, 2))


def _sc_topk_body(s1_hbm, s2_hbm, ng_hbm, vals_hbm, ids_hbm,
                  slab_v, s1_v, s2_v, ov_v, oi_v):
  w = lax.axis_index("s") * 2 + lax.axis_index("c")

  pltpu.sync_copy(s2_hbm.at[pl.ds(0, N_NODES)], s2_v)
  pltpu.sync_copy(s1_hbm, s1_v)

  iota = lax.iota(jnp.int32, 16)
  lo_mask = iota < 8
  iota16 = iota

  def do_group(t):
    j = w + NUM_WORKERS * t

    @pl.when(j < N_GROUPS)
    def _():
      pltpu.sync_copy(ng_hbm.at[j], slab_v)

      @plsc.parallel_loop(0, 128, step=1, unroll=8)
      def _row(r):
        ri = jnp.full((16,), 0, jnp.int32) + r
        i0 = plsc.load_gather(slab_v, [iota16, ri])
        i1 = plsc.load_gather(slab_v, [iota16 + 16, ri])
        g0 = plsc.load_gather(s2_v, [i0])
        g1 = plsc.load_gather(s2_v, [i1])
        cv = plsc.load_gather(s1_v, [ri + j * 128])
        x0 = g0 + cv
        x1 = g1 + cv
        imp0 = jnp.exp(jnp.where(x0 > 0, x0, x0 * jnp.float32(0.01)))
        imp1 = jnp.exp(jnp.where(x1 > 0, x1, x1 * jnp.float32(0.01)))
        k0, v0 = plsc.sort_key_val(imp0, i0, descending=True)
        k1, v1 = plsc.sort_key_val(imp1, i1, descending=False)
        km = jnp.where(lo_mask, k0, k1)
        vm = jnp.where(lo_mask, v0, v1)
        kf, vf = plsc.sort_key_val(km, vm, descending=True)
        plsc.store_scatter(ov_v, [iota16, ri], kf, mask=lo_mask)
        plsc.store_scatter(oi_v, [iota16, ri], vf, mask=lo_mask)

      pltpu.sync_copy(ov_v, vals_hbm.at[j])
      pltpu.sync_copy(oi_v, ids_hbm.at[j])

  for t in range(GROUPS_PER_W):
    do_group(t)


_sc_topk = functools.partial(
    pl.kernel,
    out_type=(
        jax.ShapeDtypeStruct((N_GROUPS, TOPK, 128), jnp.float32),
        jax.ShapeDtypeStruct((N_GROUPS, TOPK, 128), jnp.int32),
    ),
    mesh=plsc.VectorSubcoreMesh(core_axis_name="c", subcore_axis_name="s"),
    scratch_types=[
        pltpu.VMEM((K_NBR, 128), jnp.int32),
        pltpu.VMEM((N_PAD,), jnp.float32),
        pltpu.VMEM((N_NODES,), jnp.float32),
        pltpu.VMEM((TOPK, 128), jnp.float32),
        pltpu.VMEM((TOPK, 128), jnp.int32),
    ],
    compiler_params=pltpu.CompilerParams(needs_layout_passes=False),
)(_sc_topk_body)


@jax.jit
def kernel(node_features, neighbors, node_indices, W, b):
  del node_indices
  n_blocks = N_PAD // TC_BLK
  s1_2d, s2_2d, nbr_g = pl.pallas_call(
      _tc_prep_body,
      grid=(n_blocks,),
      in_specs=[
          pl.BlockSpec((TC_BLK, D_FEAT), lambda i: (i, 0)),
          pl.BlockSpec((2 * D_FEAT, 1), lambda i: (0, 0)),
          pl.BlockSpec((1, 1), lambda i: (0, 0)),
          pl.BlockSpec((K_NBR, TC_BLK), lambda i: (0, i)),
      ],
      out_specs=(
          pl.BlockSpec((TC_BLK // 128, 128), lambda i: (i, 0)),
          pl.BlockSpec((TC_BLK // 128, 128), lambda i: (i, 0)),
          pl.BlockSpec((TC_BLK // 128, K_NBR, 128), lambda i: (i, 0, 0)),
      ),
      out_shape=(
          jax.ShapeDtypeStruct((N_PAD // 128, 128), jnp.float32),
          jax.ShapeDtypeStruct((N_PAD // 128, 128), jnp.float32),
          jax.ShapeDtypeStruct((N_PAD // 128, K_NBR, 128), jnp.int32),
      ),
  )(node_features, W, jnp.reshape(b, (1, 1)), jnp.transpose(neighbors))
  vals3d, ids3d = _sc_topk(
      jnp.reshape(s1_2d, (N_PAD,)), jnp.reshape(s2_2d, (N_PAD,)), nbr_g)
  top_vals = jnp.reshape(
      jnp.swapaxes(vals3d, 1, 2), (N_GROUPS * 128, TOPK))[:N_NODES]
  top_ids = jnp.reshape(
      jnp.swapaxes(ids3d, 1, 2), (N_GROUPS * 128, TOPK))[:N_NODES]
  return top_vals, top_ids

# --- scband reference (transcript-rebuilt; emitter-appended) ---
"""Pipeline reference for scband-neighbor-selection-76330158784614 (READ-ONLY COPY).

The authoritative reference and input builder live on the scoring server;
editing this copy changes nothing except your own understanding.
"""

import jax, jax.numpy as jnp
import numpy as np

N, K, D = 10000, 32, 128
TOPK = 8


def setup_inputs(seed: int = 0) -> dict:
    key = jax.random.key(seed)
    k1, k2, k3, k4 = jax.random.split(key, 4)
    node_features = jax.random.normal(k1, (N, D), dtype=jnp.float32)
    neighbors = jax.random.randint(k2, (N, K), 0, N, dtype=jnp.int32)
    node_indices = jnp.arange(N, dtype=jnp.int32)
    # Learned params of nn.Linear(2*input_dim, 1)
    W = jax.random.normal(k3, (2 * D, 1), dtype=jnp.float32) / jnp.sqrt(2.0 * D)
    b = jax.random.normal(k4, (1,), dtype=jnp.float32) * 0.01
    return {"node_features": node_features, "neighbors": neighbors, "node_indices": node_indices, "W": W, "b": b}


def reference(node_features, neighbors, node_indices, W, b):
    # Gather per-center neighbor lists and features
    nbrs = jnp.take(neighbors, node_indices, axis=0)            # [B, K] int
    center_feat = jnp.take(node_features, node_indices, axis=0)  # [B, D]
    nbr_feat = jnp.take(node_features, nbrs, axis=0)             # [B, K, D]
    B = nbrs.shape[0]
    center_rep = jnp.broadcast_to(center_feat[:, None, :], (B, K, D))
    concatenated = jnp.concatenate([center_rep, nbr_feat], axis=-1)  # [B, K, 2D]
    # fc: Linear(2D -> 1), squeeze
    importance = jnp.squeeze(concatenated @ W, axis=-1) + b          # [B, K]
    importance = jnp.exp(jax.nn.leaky_relu(importance, negative_slope=0.01))
    # top-k selection of most important neighbors (largest, unsorted in torch; sorted ok)
    top_vals, top_idx = jax.lax.top_k(importance, TOPK)             # [B, TOPK]
    selected_neighbors = jnp.take_along_axis(nbrs, top_idx, axis=1)  # [B, TOPK] int
    return top_vals, selected_neighbors

if __name__ == "__main__":
    import jax
    _d = setup_inputs()
    print(jax.jit(kernel)(*tuple(_d.values())))

</pallas_src>

<mosaic_0001>
#map = affine_map<(d0, d1) -> (0)>
#map1 = affine_map<(d0, d1) -> (0, 0, 0)>
module attributes {stable_mosaic.version = 14 : i64} {
  func.func @_sc_topk_body(%arg0: i32, %arg1: i32, %arg2: memref<10240xf32, #tpu.memory_space<hbm>>, %arg3: memref<10240xf32, #tpu.memory_space<hbm>>, %arg4: memref<80x32x128xi32, #tpu.memory_space<hbm>>, %arg5: memref<79x8x128xf32, #tpu.memory_space<hbm>>, %arg6: memref<79x8x128xi32, #tpu.memory_space<hbm>>, %arg7: memref<32x128xi32, #tpu.memory_space<vmem>>, %arg8: memref<10240xf32, #tpu.memory_space<vmem>>, %arg9: memref<10000xf32, #tpu.memory_space<vmem>>, %arg10: memref<8x128xf32, #tpu.memory_space<vmem>>, %arg11: memref<8x128xi32, #tpu.memory_space<vmem>>) attributes {dimension_semantics = [#tpu.dimension_semantics<core_parallel>, #tpu.dimension_semantics<subcore_parallel>], iteration_bounds = array<i64: 2, 16>, scalar_prefetch = 0 : i64, scratch_operands = 5 : i64, tpu.core_type = #tpu.core_type<sc_vector_subcore>, window_params = [{transform_indices = #map}, {transform_indices = #map}, {transform_indices = #map1}, {transform_indices = #map1}, {transform_indices = #map1}]} {
    %mul3A = arith.constant 2 : i32
    %mul3A_0 = arith.muli %arg1, %mul3A : i32
    %add3A = arith.addi %mul3A_0, %arg0 : i32
    "tpu.region"() ({
      %run_scoped3A = tpu.sem_alloc : memref<!tpu.dma_semaphore, #tpu.memory_space<semaphore_mem>>
      %dma_start3A = arith.constant 0 : i32
      %dma_start3A_22 = tpu.memref_slice %arg3[%dma_start3A] : memref<10240xf32, #tpu.memory_space<hbm>> -> memref<10000xf32, #tpu.memory_space<hbm>>
      %dma_start3A_23 = arith.constant 0 : i32
      %dma_start3A_24 = tpu.memref_slice %arg3[%dma_start3A_23] : memref<10240xf32, #tpu.memory_space<hbm>> -> memref<10000xf32, #tpu.memory_space<hbm>>
      tpu.enqueue_dma source(%dma_start3A_24 : memref<10000xf32, #tpu.memory_space<hbm>>) target(%arg9 : memref<10000xf32, #tpu.memory_space<vmem>>) target_semaphore(%run_scoped3A : memref<!tpu.dma_semaphore, #tpu.memory_space<semaphore_mem>>)
      %dma_wait3A = arith.constant 0 : i32
      %dma_wait3A_25 = tpu.memref_slice %arg3[%dma_wait3A] : memref<10240xf32, #tpu.memory_space<hbm>> -> memref<10000xf32, #tpu.memory_space<hbm>>
      %dma_wait3A_26 = arith.constant 0 : i32
      %dma_wait3A_27 = tpu.memref_slice %arg3[%dma_wait3A_26] : memref<10240xf32, #tpu.memory_space<hbm>> -> memref<10000xf32, #tpu.memory_space<hbm>>
      tpu.wait_dma2 semaphore(%run_scoped3A : memref<!tpu.dma_semaphore, #tpu.memory_space<semaphore_mem>>) src(%dma_wait3A_27 : memref<10000xf32, #tpu.memory_space<hbm>>) dst(%arg9 : memref<10000xf32, #tpu.memory_space<vmem>>)
      tpu.yield
    }) : () -> ()
    "tpu.region"() ({
      %run_scoped3A = tpu.sem_alloc : memref<!tpu.dma_semaphore, #tpu.memory_space<semaphore_mem>>
      tpu.enqueue_dma source(%arg2 : memref<10240xf32, #tpu.memory_space<hbm>>) target(%arg8 : memref<10240xf32, #tpu.memory_space<vmem>>) target_semaphore(%run_scoped3A : memref<!tpu.dma_semaphore, #tpu.memory_space<semaphore_mem>>)
      tpu.wait_dma2 semaphore(%run_scoped3A : memref<!tpu.dma_semaphore, #tpu.memory_space<semaphore_mem>>) src(%arg2 : memref<10240xf32, #tpu.memory_space<hbm>>) dst(%arg8 : memref<10240xf32, #tpu.memory_space<vmem>>)
      tpu.yield
    }) : () -> ()
    %iota3A = tpu.iota {dimensions = array<i32: 0>} : vector<16xi32>
    %lt3A = arith.constant 8 : i32
    %lt3A_1 = vector.broadcast %lt3A : i32 to vector<16xi32>
    %lt3A_2 = arith.cmpi slt, %iota3A, %lt3A_1 : vector<16xi32>
    %add3A_3 = arith.constant 0 : i32
    %add3A_4 = arith.addi %add3A, %add3A_3 : i32
    %lt3A_5 = arith.constant 79 : i32
    %lt3A_6 = arith.cmpi slt, %add3A_4, %lt3A_5 : i32
    %convert_element_type3A = arith.extui %lt3A_6 : i1 to i32
    %cond3A = arith.constant 0 : i32
    %cond3A_7 = arith.cmpi ne, %convert_element_type3A, %cond3A : i32
    scf.if %cond3A_7 {
      "tpu.region"() ({
        %run_scoped3A = tpu.sem_alloc : memref<!tpu.dma_semaphore, #tpu.memory_space<semaphore_mem>>
        %dma_start3A = arith.constant 0 : i32
        %dma_start3A_24 = arith.constant 0 : i32
        %dma_start3A_25 = tpu.memref_slice %arg4[%add3A_4, %dma_start3A, %dma_start3A_24] : memref<80x32x128xi32, #tpu.memory_space<hbm>> -> memref<1x32x128xi32, #tpu.memory_space<hbm>>
        %dma_start3A_26 = tpu.memref_squeeze %dma_start3A_25 : memref<1x32x128xi32, #tpu.memory_space<hbm>> -> memref<32x128xi32, #tpu.memory_space<hbm>>
        %dma_start3A_27 = arith.constant 0 : i32
        %dma_start3A_28 = arith.constant 0 : i32
        %dma_start3A_29 = tpu.memref_slice %arg4[%add3A_4, %dma_start3A_27, %dma_start3A_28] : memref<80x32x128xi32, #tpu.memory_space<hbm>> -> memref<1x32x128xi32, #tpu.memory_space<hbm>>
        %dma_start3A_30 = tpu.memref_squeeze %dma_start3A_29 : memref<1x32x128xi32, #tpu.memory_space<hbm>> -> memref<32x128xi32, #tpu.memory_space<hbm>>
        tpu.enqueue_dma source(%dma_start3A_30 : memref<32x128xi32, #tpu.memory_space<hbm>>) target(%arg7 : memref<32x128xi32, #tpu.memory_space<vmem>>) target_semaphore(%run_scoped3A : memref<!tpu.dma_semaphore, #tpu.memory_space<semaphore_mem>>)
        %dma_wait3A = arith.constant 0 : i32
        %dma_wait3A_31 = arith.constant 0 : i32
        %dma_wait3A_32 = tpu.memref_slice %arg4[%add3A_4, %dma_wait3A, %dma_wait3A_31] : memref<80x32x128xi32, #tpu.memory_space<hbm>> -> memref<1x32x128xi32, #tpu.memory_space<hbm>>
        %dma_wait3A_33 = tpu.memref_squeeze %dma_wait3A_32 : memref<1x32x128xi32, #tpu.memory_space<hbm>> -> memref<32x128xi32, #tpu.memory_space<hbm>>
        %dma_wait3A_34 = arith.constant 0 : i32
        %dma_wait3A_35 = arith.constant 0 : i32
        %dma_wait3A_36 = tpu.memref_slice %arg4[%add3A_4, %dma_wait3A_34, %dma_wait3A_35] : memref<80x32x128xi32, #tpu.memory_space<hbm>> -> memref<1x32x128xi32, #tpu.memory_space<hbm>>
        %dma_wait3A_37 = tpu.memref_squeeze %dma_wait3A_36 : memref<1x32x128xi32, #tpu.memory_space<hbm>> -> memref<32x128xi32, #tpu.memory_space<hbm>>
        tpu.wait_dma2 semaphore(%run_scoped3A : memref<!tpu.dma_semaphore, #tpu.memory_space<semaphore_mem>>) src(%dma_wait3A_37 : memref<32x128xi32, #tpu.memory_space<hbm>>) dst(%arg7 : memref<32x128xi32, #tpu.memory_space<vmem>>)
        tpu.yield
      }) : () -> ()
      %parallel_loop3A = arith.constant 0 : i32
      %parallel_loop3A_22 = arith.constant 128 : i32
      %parallel_loop3A_23 = arith.constant 1 : i32
      scf.for %parallel_loop3A_24 = %parallel_loop3A to %parallel_loop3A_22 step %parallel_loop3A_23  : i32 {
        %parallel_loop3A_25 = arith.constant 0 : i32
        %parallel_loop3A_26 = vector.broadcast %parallel_loop3A_25 : i32 to vector<16xi32>
        %parallel_loop3A_27 = vector.broadcast %parallel_loop3A_24 : i32 to vector<16xi32>
        %parallel_loop3A_28 = arith.addi %parallel_loop3A_26, %parallel_loop3A_27 : vector<16xi32>
        %parallel_loop3A_29 = tpu.vector_load_idx %arg7[%iota3A, %parallel_loop3A_28] : memref<32x128xi32, #tpu.memory_space<vmem>>[vector<16xi32>, vector<16xi32>], vector<16xi32>,
        %parallel_loop3A_30 = arith.constant 16 : i32
        %parallel_loop3A_31 = vector.broadcast %parallel_loop3A_30 : i32 to vector<16xi32>
        %parallel_loop3A_32 = arith.addi %iota3A, %parallel_loop3A_31 : vector<16xi32>
        %parallel_loop3A_33 = tpu.vector_load_idx %arg7[%parallel_loop3A_32, %parallel_loop3A_28] : memref<32x128xi32, #tpu.memory_space<vmem>>[vector<16xi32>, vector<16xi32>], vector<16xi32>,
        %parallel_loop3A_34 = tpu.vector_load_idx %arg9[%parallel_loop3A_29] : memref<10000xf32, #tpu.memory_space<vmem>>[vector<16xi32>], vector<16xf32>,
        %parallel_loop3A_35 = tpu.vector_load_idx %arg9[%parallel_loop3A_33] : memref<10000xf32, #tpu.memory_space<vmem>>[vector<16xi32>], vector<16xf32>,
        %parallel_loop3A_36 = arith.constant 128 : i32
        %parallel_loop3A_37 = arith.muli %add3A_4, %parallel_loop3A_36 : i32
        %parallel_loop3A_38 = vector.broadcast %parallel_loop3A_37 : i32 to vector<16xi32>
        %parallel_loop3A_39 = arith.addi %parallel_loop3A_28, %parallel_loop3A_38 : vector<16xi32>
        %parallel_loop3A_40 = tpu.vector_load_idx %arg8[%parallel_loop3A_39] : memref<10240xf32, #tpu.memory_space<vmem>>[vector<16xi32>], vector<16xf32>,
        %parallel_loop3A_41 = arith.addf %parallel_loop3A_34, %parallel_loop3A_40 : vector<16xf32>
        %parallel_loop3A_42 = arith.addf %parallel_loop3A_35, %parallel_loop3A_40 : vector<16xf32>
        %parallel_loop3A_43 = arith.constant 0.000000e+00 : f32
        %parallel_loop3A_44 = vector.broadcast %parallel_loop3A_43 : f32 to vector<16xf32>
        %parallel_loop3A_45 = arith.cmpf ogt, %parallel_loop3A_41, %parallel_loop3A_44 : vector<16xf32>
        %parallel_loop3A_46 = arith.constant 0.00999999977 : f32
        %parallel_loop3A_47 = vector.broadcast %parallel_loop3A_46 : f32 to vector<16xf32>
        %parallel_loop3A_48 = arith.mulf %parallel_loop3A_41, %parallel_loop3A_47 : vector<16xf32>
        %parallel_loop3A_49 = arith.select %parallel_loop3A_45, %parallel_loop3A_41, %parallel_loop3A_48 : vector<16xi1>, vector<16xf32>
        %parallel_loop3A_50 = math.exp %parallel_loop3A_49 : vector<16xf32>
        %parallel_loop3A_51 = arith.constant 0.000000e+00 : f32
        %parallel_loop3A_52 = vector.broadcast %parallel_loop3A_51 : f32 to vector<16xf32>
        %parallel_loop3A_53 = arith.cmpf ogt, %parallel_loop3A_42, %parallel_loop3A_52 : vector<16xf32>
        %parallel_loop3A_54 = arith.constant 0.00999999977 : f32
        %parallel_loop3A_55 = vector.broadcast %parallel_loop3A_54 : f32 to vector<16xf32>
        %parallel_loop3A_56 = arith.mulf %parallel_loop3A_42, %parallel_loop3A_55 : vector<16xf32>
        %parallel_loop3A_57 = arith.select %parallel_loop3A_53, %parallel_loop3A_42, %parallel_loop3A_56 : vector<16xi1>, vector<16xf32>
        %parallel_loop3A_58 = math.exp %parallel_loop3A_57 : vector<16xf32>
        %parallel_loop3A_59 = arith.constant dense<true> : vector<16xi1>
        %parallel_loop3A_60, %parallel_loop3A_61, %parallel_loop3A_62 = tpu.sort %parallel_loop3A_50, %parallel_loop3A_29 masked %parallel_loop3A_59 {descending = true} : (vector<16xf32>, vector<16xi32>, vector<16xi1>) -> (vector<16xi1>, vector<16xf32>, vector<16xi32>)
        %parallel_loop3A_63 = arith.constant dense<true> : vector<16xi1>
        %parallel_loop3A_64, %parallel_loop3A_65, %parallel_loop3A_66 = tpu.sort %parallel_loop3A_58, %parallel_loop3A_33 masked %parallel_loop3A_63 : (vector<16xf32>, vector<16xi32>, vector<16xi1>) -> (vector<16xi1>, vector<16xf32>, vector<16xi32>)
        %parallel_loop3A_67 = arith.select %lt3A_2, %parallel_loop3A_61, %parallel_loop3A_65 : vector<16xi1>, vector<16xf32>
        %parallel_loop3A_68 = arith.select %lt3A_2, %parallel_loop3A_62, %parallel_loop3A_66 : vector<16xi1>, vector<16xi32>
        %parallel_loop3A_69 = arith.constant dense<true> : vector<16xi1>
        %parallel_loop3A_70, %parallel_loop3A_71, %parallel_loop3A_72 = tpu.sort %parallel_loop3A_67, %parallel_loop3A_68 masked %parallel_loop3A_69 {descending = true} : (vector<16xf32>, vector<16xi32>, vector<16xi1>) -> (vector<16xi1>, vector<16xf32>, vector<16xi32>)
        tpu.vector_store_idx %arg10[%iota3A, %parallel_loop3A_28], %parallel_loop3A_71 masked %lt3A_2 : memref<8x128xf32, #tpu.memory_space<vmem>>[vector<16xi32>, vector<16xi32>], vector<16xf32>, vector<16xi1>
        tpu.vector_store_idx %arg11[%iota3A, %parallel_loop3A_28], %parallel_loop3A_72 masked %lt3A_2 : memref<8x128xi32, #tpu.memory_space<vmem>>[vector<16xi32>, vector<16xi32>], vector<16xi32>, vector<16xi1>
      } {sc.loop_unroll_factor = 8 : i64, sc.parallel_access}
      "tpu.region"() ({
        %run_scoped3A = tpu.sem_alloc : memref<!tpu.dma_semaphore, #tpu.memory_space<semaphore_mem>>
        %dma_start3A = arith.constant 0 : i32
        %dma_start3A_24 = arith.constant 0 : i32
        %dma_start3A_25 = tpu.memref_slice %arg5[%add3A_4, %dma_start3A, %dma_start3A_24] : memref<79x8x128xf32, #tpu.memory_space<hbm>> -> memref<1x8x128xf32, #tpu.memory_space<hbm>>
        %dma_start3A_26 = tpu.memref_squeeze %dma_start3A_25 : memref<1x8x128xf32, #tpu.memory_space<hbm>> -> memref<8x128xf32, #tpu.memory_space<hbm>>
        %dma_start3A_27 = arith.constant 0 : i32
        %dma_start3A_28 = arith.constant 0 : i32
        %dma_start3A_29 = tpu.memref_slice %arg5[%add3A_4, %dma_start3A_27, %dma_start3A_28] : memref<79x8x128xf32, #tpu.memory_space<hbm>> -> memref<1x8x128xf32, #tpu.memory_space<hbm>>
        %dma_start3A_30 = tpu.memref_squeeze %dma_start3A_29 : memref<1x8x128xf32, #tpu.memory_space<hbm>> -> memref<8x128xf32, #tpu.memory_space<hbm>>
        tpu.enqueue_dma source(%arg10 : memref<8x128xf32, #tpu.memory_space<vmem>>) target(%dma_start3A_30 : memref<8x128xf32, #tpu.memory_space<hbm>>) target_semaphore(%run_scoped3A : memref<!tpu.dma_semaphore, #tpu.memory_space<semaphore_mem>>)
        %dma_wait3A = arith.constant 0 : i32
        %dma_wait3A_31 = arith.constant 0 : i32
        %dma_wait3A_32 = tpu.memref_slice %arg5[%add3A_4, %dma_wait3A, %dma_wait3A_31] : memref<79x8x128xf32, #tpu.memory_space<hbm>> -> memref<1x8x128xf32, #tpu.memory_space<hbm>>
        %dma_wait3A_33 = tpu.memref_squeeze %dma_wait3A_32 : memref<1x8x128xf32, #tpu.memory_space<hbm>> -> memref<8x128xf32, #tpu.memory_space<hbm>>
        %dma_wait3A_34 = arith.constant 0 : i32
        %dma_wait3A_35 = arith.constant 0 : i32
        %dma_wait3A_36 = tpu.memref_slice %arg5[%add3A_4, %dma_wait3A_34, %dma_wait3A_35] : memref<79x8x128xf32, #tpu.memory_space<hbm>> -> memref<1x8x128xf32, #tpu.memory_space<hbm>>
        %dma_wait3A_37 = tpu.memref_squeeze %dma_wait3A_36 : memref<1x8x128xf32, #tpu.memory_space<hbm>> -> memref<8x128xf32, #tpu.memory_space<hbm>>
        tpu.wait_dma2 semaphore(%run_scoped3A : memref<!tpu.dma_semaphore, #tpu.memory_space<semaphore_mem>>) src(%arg10 : memref<8x128xf32, #tpu.memory_space<vmem>>) dst(%dma_wait3A_37 : memref<8x128xf32, #tpu.memory_space<hbm>>)
        tpu.yield
      }) : () -> ()
      "tpu.region"() ({
        %run_scoped3A = tpu.sem_alloc : memref<!tpu.dma_semaphore, #tpu.memory_space<semaphore_mem>>
        %dma_start3A = arith.constant 0 : i32
        %dma_start3A_24 = arith.constant 0 : i32
        %dma_start3A_25 = tpu.memref_slice %arg6[%add3A_4, %dma_start3A, %dma_start3A_24] : memref<79x8x128xi32, #tpu.memory_space<hbm>> -> memref<1x8x128xi32, #tpu.memory_space<hbm>>
        %dma_start3A_26 = tpu.memref_squeeze %dma_start3A_25 : memref<1x8x128xi32, #tpu.memory_space<hbm>> -> memref<8x128xi32, #tpu.memory_space<hbm>>
        %dma_start3A_27 = arith.constant 0 : i32
        %dma_start3A_28 = arith.constant 0 : i32
        %dma_start3A_29 = tpu.memref_slice %arg6[%add3A_4, %dma_start3A_27, %dma_start3A_28] : memref<79x8x128xi32, #tpu.memory_space<hbm>> -> memref<1x8x128xi32, #tpu.memory_space<hbm>>
        %dma_start3A_30 = tpu.memref_squeeze %dma_start3A_29 : memref<1x8x128xi32, #tpu.memory_space<hbm>> -> memref<8x128xi32, #tpu.memory_space<hbm>>
        tpu.enqueue_dma source(%arg11 : memref<8x128xi32, #tpu.memory_space<vmem>>) target(%dma_start3A_30 : memref<8x128xi32, #tpu.memory_space<hbm>>) target_semaphore(%run_scoped3A : memref<!tpu.dma_semaphore, #tpu.memory_space<semaphore_mem>>)
        %dma_wait3A = arith.constant 0 : i32
        %dma_wait3A_31 = arith.constant 0 : i32
        %dma_wait3A_32 = tpu.memref_slice %arg6[%add3A_4, %dma_wait3A, %dma_wait3A_31] : memref<79x8x128xi32, #tpu.memory_space<hbm>> -> memref<1x8x128xi32, #tpu.memory_space<hbm>>
        %dma_wait3A_33 = tpu.memref_squeeze %dma_wait3A_32 : memref<1x8x128xi32, #tpu.memory_space<hbm>> -> memref<8x128xi32, #tpu.memory_space<hbm>>
        %dma_wait3A_34 = arith.constant 0 : i32
        %dma_wait3A_35 = arith.constant 0 : i32
        %dma_wait3A_36 = tpu.memref_slice %arg6[%add3A_4, %dma_wait3A_34, %dma_wait3A_35] : memref<79x8x128xi32, #tpu.memory_space<hbm>> -> memref<1x8x128xi32, #tpu.memory_space<hbm>>
        %dma_wait3A_37 = tpu.memref_squeeze %dma_wait3A_36 : memref<1x8x128xi32, #tpu.memory_space<hbm>> -> memref<8x128xi32, #tpu.memory_space<hbm>>
        tpu.wait_dma2 semaphore(%run_scoped3A : memref<!tpu.dma_semaphore, #tpu.memory_space<semaphore_mem>>) src(%arg11 : memref<8x128xi32, #tpu.memory_space<vmem>>) dst(%dma_wait3A_37 : memref<8x128xi32, #tpu.memory_space<hbm>>)
        tpu.yield
      }) : () -> ()
    } else {
    }
    %add3A_8 = arith.constant 32 : i32
    %add3A_9 = arith.addi %add3A, %add3A_8 : i32
    %lt3A_10 = arith.constant 79 : i32
    %lt3A_11 = arith.cmpi slt, %add3A_9, %lt3A_10 : i32
    %convert_element_type3A_12 = arith.extui %lt3A_11 : i1 to i32
    %cond3A_13 = arith.constant 0 : i32
    %cond3A_14 = arith.cmpi ne, %convert_element_type3A_12, %cond3A_13 : i32
    scf.if %cond3A_14 {
      "tpu.region"() ({
        %run_scoped3A = tpu.sem_alloc : memref<!tpu.dma_semaphore, #tpu.memory_space<semaphore_mem>>
        %dma_start3A = arith.constant 0 : i32
        %dma_start3A_24 = arith.constant 0 : i32
        %dma_start3A_25 = tpu.memref_slice %arg4[%add3A_9, %dma_start3A, %dma_start3A_24] : memref<80x32x128xi32, #tpu.memory_space<hbm>> -> memref<1x32x128xi32, #tpu.memory_space<hbm>>
        %dma_start3A_26 = tpu.memref_squeeze %dma_start3A_25 : memref<1x32x128xi32, #tpu.memory_space<hbm>> -> memref<32x128xi32, #tpu.memory_space<hbm>>
        %dma_start3A_27 = arith.constant 0 : i32
        %dma_start3A_28 = arith.constant 0 : i32
        %dma_start3A_29 = tpu.memref_slice %arg4[%add3A_9, %dma_start3A_27, %dma_start3A_28] : memref<80x32x128xi32, #tpu.memory_space<hbm>> -> memref<1x32x128xi32, #tpu.memory_space<hbm>>
        %dma_start3A_30 = tpu.memref_squeeze %dma_start3A_29 : memref<1x32x128xi32, #tpu.memory_space<hbm>> -> memref<32x128xi32, #tpu.memory_space<hbm>>
        tpu.enqueue_dma source(%dma_start3A_30 : memref<32x128xi32, #tpu.memory_space<hbm>>) target(%arg7 : memref<32x128xi32, #tpu.memory_space<vmem>>) target_semaphore(%run_scoped3A : memref<!tpu.dma_semaphore, #tpu.memory_space<semaphore_mem>>)
        %dma_wait3A = arith.constant 0 : i32
        %dma_wait3A_31 = arith.constant 0 : i32
        %dma_wait3A_32 = tpu.memref_slice %arg4[%add3A_9, %dma_wait3A, %dma_wait3A_31] : memref<80x32x128xi32, #tpu.memory_space<hbm>> -> memref<1x32x128xi32, #tpu.memory_space<hbm>>
        %dma_wait3A_33 = tpu.memref_squeeze %dma_wait3A_32 : memref<1x32x128xi32, #tpu.memory_space<hbm>> -> memref<32x128xi32, #tpu.memory_space<hbm>>
        %dma_wait3A_34 = arith.constant 0 : i32
        %dma_wait3A_35 = arith.constant 0 : i32
        %dma_wait3A_36 = tpu.memref_slice %arg4[%add3A_9, %dma_wait3A_34, %dma_wait3A_35] : memref<80x32x128xi32, #tpu.memory_space<hbm>> -> memref<1x32x128xi32, #tpu.memory_space<hbm>>
        %dma_wait3A_37 = tpu.memref_squeeze %dma_wait3A_36 : memref<1x32x128xi32, #tpu.memory_space<hbm>> -> memref<32x128xi32, #tpu.memory_space<hbm>>
        tpu.wait_dma2 semaphore(%run_scoped3A : memref<!tpu.dma_semaphore, #tpu.memory_space<semaphore_mem>>) src(%dma_wait3A_37 : memref<32x128xi32, #tpu.memory_space<hbm>>) dst(%arg7 : memref<32x128xi32, #tpu.memory_space<vmem>>)
        tpu.yield
      }) : () -> ()
      %parallel_loop3A = arith.constant 0 : i32
      %parallel_loop3A_22 = arith.constant 128 : i32
      %parallel_loop3A_23 = arith.constant 1 : i32
      scf.for %parallel_loop3A_24 = %parallel_loop3A to %parallel_loop3A_22 step %parallel_loop3A_23  : i32 {
        %parallel_loop3A_25 = arith.constant 0 : i32
        %parallel_loop3A_26 = vector.broadcast %parallel_loop3A_25 : i32 to vector<16xi32>
        %parallel_loop3A_27 = vector.broadcast %parallel_loop3A_24 : i32 to vector<16xi32>
        %parallel_loop3A_28 = arith.addi %parallel_loop3A_26, %parallel_loop3A_27 : vector<16xi32>
        %parallel_loop3A_29 = tpu.vector_load_idx %arg7[%iota3A, %parallel_loop3A_28] : memref<32x128xi32, #tpu.memory_space<vmem>>[vector<16xi32>, vector<16xi32>], vector<16xi32>,
        %parallel_loop3A_30 = arith.constant 16 : i32
        %parallel_loop3A_31 = vector.broadcast %parallel_loop3A_30 : i32 to vector<16xi32>
        %parallel_loop3A_32 = arith.addi %iota3A, %parallel_loop3A_31 : vector<16xi32>
        %parallel_loop3A_33 = tpu.vector_load_idx %arg7[%parallel_loop3A_32, %parallel_loop3A_28] : memref<32x128xi32, #tpu.memory_space<vmem>>[vector<16xi32>, vector<16xi32>], vector<16xi32>,
        %parallel_loop3A_34 = tpu.vector_load_idx %arg9[%parallel_loop3A_29] : memref<10000xf32, #tpu.memory_space<vmem>>[vector<16xi32>], vector<16xf32>,
        %parallel_loop3A_35 = tpu.vector_load_idx %arg9[%parallel_loop3A_33] : memref<10000xf32, #tpu.memory_space<vmem>>[vector<16xi32>], vector<16xf32>,
        %parallel_loop3A_36 = arith.constant 128 : i32
        %parallel_loop3A_37 = arith.muli %add3A_9, %parallel_loop3A_36 : i32
        %parallel_loop3A_38 = vector.broadcast %parallel_loop3A_37 : i32 to vector<16xi32>
        %parallel_loop3A_39 = arith.addi %parallel_loop3A_28, %parallel_loop3A_38 : vector<16xi32>
        %parallel_loop3A_40 = tpu.vector_load_idx %arg8[%parallel_loop3A_39] : memref<10240xf32, #tpu.memory_space<vmem>>[vector<16xi32>], vector<16xf32>,
        %parallel_loop3A_41 = arith.addf %parallel_loop3A_34, %parallel_loop3A_40 : vector<16xf32>
        %parallel_loop3A_42 = arith.addf %parallel_loop3A_35, %parallel_loop3A_40 : vector<16xf32>
        %parallel_loop3A_43 = arith.constant 0.000000e+00 : f32
        %parallel_loop3A_44 = vector.broadcast %parallel_loop3A_43 : f32 to vector<16xf32>
        %parallel_loop3A_45 = arith.cmpf ogt, %parallel_loop3A_41, %parallel_loop3A_44 : vector<16xf32>
        %parallel_loop3A_46 = arith.constant 0.00999999977 : f32
        %parallel_loop3A_47 = vector.broadcast %parallel_loop3A_46 : f32 to vector<16xf32>
        %parallel_loop3A_48 = arith.mulf %parallel_loop3A_41, %parallel_loop3A_47 : vector<16xf32>
        %parallel_loop3A_49 = arith.select %parallel_loop3A_45, %parallel_loop3A_41, %parallel_loop3A_48 : vector<16xi1>, vector<16xf32>
        %parallel_loop3A_50 = math.exp %parallel_loop3A_49 : vector<16xf32>
        %parallel_loop3A_51 = arith.constant 0.000000e+00 : f32
        %parallel_loop3A_52 = vector.broadcast %parallel_loop3A_51 : f32 to vector<16xf32>
        %parallel_loop3A_53 = arith.cmpf ogt, %parallel_loop3A_42, %parallel_loop3A_52 : vector<16xf32>
        %parallel_loop3A_54 = arith.constant 0.00999999977 : f32
        %parallel_loop3A_55 = vector.broadcast %parallel_loop3A_54 : f32 to vector<16xf32>
        %parallel_loop3A_56 = arith.mulf %parallel_loop3A_42, %parallel_loop3A_55 : vector<16xf32>
        %parallel_loop3A_57 = arith.select %parallel_loop3A_53, %parallel_loop3A_42, %parallel_loop3A_56 : vector<16xi1>, vector<16xf32>
        %parallel_loop3A_58 = math.exp %parallel_loop3A_57 : vector<16xf32>
        %parallel_loop3A_59 = arith.constant dense<true> : vector<16xi1>
        %parallel_loop3A_60, %parallel_loop3A_61, %parallel_loop3A_62 = tpu.sort %parallel_loop3A_50, %parallel_loop3A_29 masked %parallel_loop3A_59 {descending = true} : (vector<16xf32>, vector<16xi32>, vector<16xi1>) -> (vector<16xi1>, vector<16xf32>, vector<16xi32>)
        %parallel_loop3A_63 = arith.constant dense<true> : vector<16xi1>
        %parallel_loop3A_64, %parallel_loop3A_65, %parallel_loop3A_66 = tpu.sort %parallel_loop3A_58, %parallel_loop3A_33 masked %parallel_loop3A_63 : (vector<16xf32>, vector<16xi32>, vector<16xi1>) -> (vector<16xi1>, vector<16xf32>, vector<16xi32>)
        %parallel_loop3A_67 = arith.select %lt3A_2, %parallel_loop3A_61, %parallel_loop3A_65 : vector<16xi1>, vector<16xf32>
        %parallel_loop3A_68 = arith.select %lt3A_2, %parallel_loop3A_62, %parallel_loop3A_66 : vector<16xi1>, vector<16xi32>
        %parallel_loop3A_69 = arith.constant dense<true> : vector<16xi1>
        %parallel_loop3A_70, %parallel_loop3A_71, %parallel_loop3A_72 = tpu.sort %parallel_loop3A_67, %parallel_loop3A_68 masked %parallel_loop3A_69 {descending = true} : (vector<16xf32>, vector<16xi32>, vector<16xi1>) -> (vector<16xi1>, vector<16xf32>, vector<16xi32>)
        tpu.vector_store_idx %arg10[%iota3A, %parallel_loop3A_28], %parallel_loop3A_71 masked %lt3A_2 : memref<8x128xf32, #tpu.memory_space<vmem>>[vector<16xi32>, vector<16xi32>], vector<16xf32>, vector<16xi1>
        tpu.vector_store_idx %arg11[%iota3A, %parallel_loop3A_28], %parallel_loop3A_72 masked %lt3A_2 : memref<8x128xi32, #tpu.memory_space<vmem>>[vector<16xi32>, vector<16xi32>], vector<16xi32>, vector<16xi1>
      } {sc.loop_unroll_factor = 8 : i64, sc.parallel_access}
      "tpu.region"() ({
        %run_scoped3A = tpu.sem_alloc : memref<!tpu.dma_semaphore, #tpu.memory_space<semaphore_mem>>
        %dma_start3A = arith.constant 0 : i32
        %dma_start3A_24 = arith.constant 0 : i32
        %dma_start3A_25 = tpu.memref_slice %arg5[%add3A_9, %dma_start3A, %dma_start3A_24] : memref<79x8x128xf32, #tpu.memory_space<hbm>> -> memref<1x8x128xf32, #tpu.memory_space<hbm>>
        %dma_start3A_26 = tpu.memref_squeeze %dma_start3A_25 : memref<1x8x128xf32, #tpu.memory_space<hbm>> -> memref<8x128xf32, #tpu.memory_space<hbm>>
        %dma_start3A_27 = arith.constant 0 : i32
        %dma_start3A_28 = arith.constant 0 : i32
        %dma_start3A_29 = tpu.memref_slice %arg5[%add3A_9, %dma_start3A_27, %dma_start3A_28] : memref<79x8x128xf32, #tpu.memory_space<hbm>> -> memref<1x8x128xf32, #tpu.memory_space<hbm>>
        %dma_start3A_30 = tpu.memref_squeeze %dma_start3A_29 : memref<1x8x128xf32, #tpu.memory_space<hbm>> -> memref<8x128xf32, #tpu.memory_space<hbm>>
        tpu.enqueue_dma source(%arg10 : memref<8x128xf32, #tpu.memory_space<vmem>>) target(%dma_start3A_30 : memref<8x128xf32, #tpu.memory_space<hbm>>) target_semaphore(%run_scoped3A : memref<!tpu.dma_semaphore, #tpu.memory_space<semaphore_mem>>)
        %dma_wait3A = arith.constant 0 : i32
        %dma_wait3A_31 = arith.constant 0 : i32
        %dma_wait3A_32 = tpu.memref_slice %arg5[%add3A_9, %dma_wait3A, %dma_wait3A_31] : memref<79x8x128xf32, #tpu.memory_space<hbm>> -> memref<1x8x128xf32, #tpu.memory_space<hbm>>
        %dma_wait3A_33 = tpu.memref_squeeze %dma_wait3A_32 : memref<1x8x128xf32, #tpu.memory_space<hbm>> -> memref<8x128xf32, #tpu.memory_space<hbm>>
        %dma_wait3A_34 = arith.constant 0 : i32
        %dma_wait3A_35 = arith.constant 0 : i32
        %dma_wait3A_36 = tpu.memref_slice %arg5[%add3A_9, %dma_wait3A_34, %dma_wait3A_35] : memref<79x8x128xf32, #tpu.memory_space<hbm>> -> memref<1x8x128xf32, #tpu.memory_space<hbm>>
        %dma_wait3A_37 = tpu.memref_squeeze %dma_wait3A_36 : memref<1x8x128xf32, #tpu.memory_space<hbm>> -> memref<8x128xf32, #tpu.memory_space<hbm>>
        tpu.wait_dma2 semaphore(%run_scoped3A : memref<!tpu.dma_semaphore, #tpu.memory_space<semaphore_mem>>) src(%arg10 : memref<8x128xf32, #tpu.memory_space<vmem>>) dst(%dma_wait3A_37 : memref<8x128xf32, #tpu.memory_space<hbm>>)
        tpu.yield
      }) : () -> ()
      "tpu.region"() ({
        %run_scoped3A = tpu.sem_alloc : memref<!tpu.dma_semaphore, #tpu.memory_space<semaphore_mem>>
        %dma_start3A = arith.constant 0 : i32
        %dma_start3A_24 = arith.constant 0 : i32
        %dma_start3A_25 = tpu.memref_slice %arg6[%add3A_9, %dma_start3A, %dma_start3A_24] : memref<79x8x128xi32, #tpu.memory_space<hbm>> -> memref<1x8x128xi32, #tpu.memory_space<hbm>>
        %dma_start3A_26 = tpu.memref_squeeze %dma_start3A_25 : memref<1x8x128xi32, #tpu.memory_space<hbm>> -> memref<8x128xi32, #tpu.memory_space<hbm>>
        %dma_start3A_27 = arith.constant 0 : i32
        %dma_start3A_28 = arith.constant 0 : i32
        %dma_start3A_29 = tpu.memref_slice %arg6[%add3A_9, %dma_start3A_27, %dma_start3A_28] : memref<79x8x128xi32, #tpu.memory_space<hbm>> -> memref<1x8x128xi32, #tpu.memory_space<hbm>>
        %dma_start3A_30 = tpu.memref_squeeze %dma_start3A_29 : memref<1x8x128xi32, #tpu.memory_space<hbm>> -> memref<8x128xi32, #tpu.memory_space<hbm>>
        tpu.enqueue_dma source(%arg11 : memref<8x128xi32, #tpu.memory_space<vmem>>) target(%dma_start3A_30 : memref<8x128xi32, #tpu.memory_space<hbm>>) target_semaphore(%run_scoped3A : memref<!tpu.dma_semaphore, #tpu.memory_space<semaphore_mem>>)
        %dma_wait3A = arith.constant 0 : i32
        %dma_wait3A_31 = arith.constant 0 : i32
        %dma_wait3A_32 = tpu.memref_slice %arg6[%add3A_9, %dma_wait3A, %dma_wait3A_31] : memref<79x8x128xi32, #tpu.memory_space<hbm>> -> memref<1x8x128xi32, #tpu.memory_space<hbm>>
        %dma_wait3A_33 = tpu.memref_squeeze %dma_wait3A_32 : memref<1x8x128xi32, #tpu.memory_space<hbm>> -> memref<8x128xi32, #tpu.memory_space<hbm>>
        %dma_wait3A_34 = arith.constant 0 : i32
        %dma_wait3A_35 = arith.constant 0 : i32
        %dma_wait3A_36 = tpu.memref_slice %arg6[%add3A_9, %dma_wait3A_34, %dma_wait3A_35] : memref<79x8x128xi32, #tpu.memory_space<hbm>> -> memref<1x8x128xi32, #tpu.memory_space<hbm>>
        %dma_wait3A_37 = tpu.memref_squeeze %dma_wait3A_36 : memref<1x8x128xi32, #tpu.memory_space<hbm>> -> memref<8x128xi32, #tpu.memory_space<hbm>>
        tpu.wait_dma2 semaphore(%run_scoped3A : memref<!tpu.dma_semaphore, #tpu.memory_space<semaphore_mem>>) src(%arg11 : memref<8x128xi32, #tpu.memory_space<vmem>>) dst(%dma_wait3A_37 : memref<8x128xi32, #tpu.memory_space<hbm>>)
        tpu.yield
      }) : () -> ()
    } else {
    }
    %add3A_15 = arith.constant 64 : i32
    %add3A_16 = arith.addi %add3A, %add3A_15 : i32
    %lt3A_17 = arith.constant 79 : i32
    %lt3A_18 = arith.cmpi slt, %add3A_16, %lt3A_17 : i32
    %convert_element_type3A_19 = arith.extui %lt3A_18 : i1 to i32
    %cond3A_20 = arith.constant 0 : i32
    %cond3A_21 = arith.cmpi ne, %convert_element_type3A_19, %cond3A_20 : i32
    scf.if %cond3A_21 {
      "tpu.region"() ({
        %run_scoped3A = tpu.sem_alloc : memref<!tpu.dma_semaphore, #tpu.memory_space<semaphore_mem>>
        %dma_start3A = arith.constant 0 : i32
        %dma_start3A_24 = arith.constant 0 : i32
        %dma_start3A_25 = tpu.memref_slice %arg4[%add3A_16, %dma_start3A, %dma_start3A_24] : memref<80x32x128xi32, #tpu.memory_space<hbm>> -> memref<1x32x128xi32, #tpu.memory_space<hbm>>
        %dma_start3A_26 = tpu.memref_squeeze %dma_start3A_25 : memref<1x32x128xi32, #tpu.memory_space<hbm>> -> memref<32x128xi32, #tpu.memory_space<hbm>>
        %dma_start3A_27 = arith.constant 0 : i32
        %dma_start3A_28 = arith.constant 0 : i32
        %dma_start3A_29 = tpu.memref_slice %arg4[%add3A_16, %dma_start3A_27, %dma_start3A_28] : memref<80x32x128xi32, #tpu.memory_space<hbm>> -> memref<1x32x128xi32, #tpu.memory_space<hbm>>
        %dma_start3A_30 = tpu.memref_squeeze %dma_start3A_29 : memref<1x32x128xi32, #tpu.memory_space<hbm>> -> memref<32x128xi32, #tpu.memory_space<hbm>>
        tpu.enqueue_dma source(%dma_start3A_30 : memref<32x128xi32, #tpu.memory_space<hbm>>) target(%arg7 : memref<32x128xi32, #tpu.memory_space<vmem>>) target_semaphore(%run_scoped3A : memref<!tpu.dma_semaphore, #tpu.memory_space<semaphore_mem>>)
        %dma_wait3A = arith.constant 0 : i32
        %dma_wait3A_31 = arith.constant 0 : i32
        %dma_wait3A_32 = tpu.memref_slice %arg4[%add3A_16, %dma_wait3A, %dma_wait3A_31] : memref<80x32x128xi32, #tpu.memory_space<hbm>> -> memref<1x32x128xi32, #tpu.memory_space<hbm>>
        %dma_wait3A_33 = tpu.memref_squeeze %dma_wait3A_32 : memref<1x32x128xi32, #tpu.memory_space<hbm>> -> memref<32x128xi32, #tpu.memory_space<hbm>>
        %dma_wait3A_34 = arith.constant 0 : i32
        %dma_wait3A_35 = arith.constant 0 : i32
        %dma_wait3A_36 = tpu.memref_slice %arg4[%add3A_16, %dma_wait3A_34, %dma_wait3A_35] : memref<80x32x128xi32, #tpu.memory_space<hbm>> -> memref<1x32x128xi32, #tpu.memory_space<hbm>>
        %dma_wait3A_37 = tpu.memref_squeeze %dma_wait3A_36 : memref<1x32x128xi32, #tpu.memory_space<hbm>> -> memref<32x128xi32, #tpu.memory_space<hbm>>
        tpu.wait_dma2 semaphore(%run_scoped3A : memref<!tpu.dma_semaphore, #tpu.memory_space<semaphore_mem>>) src(%dma_wait3A_37 : memref<32x128xi32, #tpu.memory_space<hbm>>) dst(%arg7 : memref<32x128xi32, #tpu.memory_space<vmem>>)
        tpu.yield
      }) : () -> ()
      %parallel_loop3A = arith.constant 0 : i32
      %parallel_loop3A_22 = arith.constant 128 : i32
      %parallel_loop3A_23 = arith.constant 1 : i32
      scf.for %parallel_loop3A_24 = %parallel_loop3A to %parallel_loop3A_22 step %parallel_loop3A_23  : i32 {
        %parallel_loop3A_25 = arith.constant 0 : i32
        %parallel_loop3A_26 = vector.broadcast %parallel_loop3A_25 : i32 to vector<16xi32>
        %parallel_loop3A_27 = vector.broadcast %parallel_loop3A_24 : i32 to vector<16xi32>
        %parallel_loop3A_28 = arith.addi %parallel_loop3A_26, %parallel_loop3A_27 : vector<16xi32>
        %parallel_loop3A_29 = tpu.vector_load_idx %arg7[%iota3A, %parallel_loop3A_28] : memref<32x128xi32, #tpu.memory_space<vmem>>[vector<16xi32>, vector<16xi32>], vector<16xi32>,
        %parallel_loop3A_30 = arith.constant 16 : i32
        %parallel_loop3A_31 = vector.broadcast %parallel_loop3A_30 : i32 to vector<16xi32>
        %parallel_loop3A_32 = arith.addi %iota3A, %parallel_loop3A_31 : vector<16xi32>
        %parallel_loop3A_33 = tpu.vector_load_idx %arg7[%parallel_loop3A_32, %parallel_loop3A_28] : memref<32x128xi32, #tpu.memory_space<vmem>>[vector<16xi32>, vector<16xi32>], vector<16xi32>,
        %parallel_loop3A_34 = tpu.vector_load_idx %arg9[%parallel_loop3A_29] : memref<10000xf32, #tpu.memory_space<vmem>>[vector<16xi32>], vector<16xf32>,
        %parallel_loop3A_35 = tpu.vector_load_idx %arg9[%parallel_loop3A_33] : memref<10000xf32, #tpu.memory_space<vmem>>[vector<16xi32>], vector<16xf32>,
        %parallel_loop3A_36 = arith.constant 128 : i32
        %parallel_loop3A_37 = arith.muli %add3A_16, %parallel_loop3A_36 : i32
        %parallel_loop3A_38 = vector.broadcast %parallel_loop3A_37 : i32 to vector<16xi32>
        %parallel_loop3A_39 = arith.addi %parallel_loop3A_28, %parallel_loop3A_38 : vector<16xi32>
        %parallel_loop3A_40 = tpu.vector_load_idx %arg8[%parallel_loop3A_39] : memref<10240xf32, #tpu.memory_space<vmem>>[vector<16xi32>], vector<16xf32>,
        %parallel_loop3A_41 = arith.addf %parallel_loop3A_34, %parallel_loop3A_40 : vector<16xf32>
        %parallel_loop3A_42 = arith.addf %parallel_loop3A_35, %parallel_loop3A_40 : vector<16xf32>
        %parallel_loop3A_43 = arith.constant 0.000000e+00 : f32
        %parallel_loop3A_44 = vector.broadcast %parallel_loop3A_43 : f32 to vector<16xf32>
        %parallel_loop3A_45 = arith.cmpf ogt, %parallel_loop3A_41, %parallel_loop3A_44 : vector<16xf32>
        %parallel_loop3A_46 = arith.constant 0.00999999977 : f32
        %parallel_loop3A_47 = vector.broadcast %parallel_loop3A_46 : f32 to vector<16xf32>
        %parallel_loop3A_48 = arith.mulf %parallel_loop3A_41, %parallel_loop3A_47 : vector<16xf32>
        %parallel_loop3A_49 = arith.select %parallel_loop3A_45, %parallel_loop3A_41, %parallel_loop3A_48 : vector<16xi1>, vector<16xf32>
        %parallel_loop3A_50 = math.exp %parallel_loop3A_49 : vector<16xf32>
        %parallel_loop3A_51 = arith.constant 0.000000e+00 : f32
        %parallel_loop3A_52 = vector.broadcast %parallel_loop3A_51 : f32 to vector<16xf32>
        %parallel_loop3A_53 = arith.cmpf ogt, %parallel_loop3A_42, %parallel_loop3A_52 : vector<16xf32>
        %parallel_loop3A_54 = arith.constant 0.00999999977 : f32
        %parallel_loop3A_55 = vector.broadcast %parallel_loop3A_54 : f32 to vector<16xf32>
        %parallel_loop3A_56 = arith.mulf %parallel_loop3A_42, %parallel_loop3A_55 : vector<16xf32>
        %parallel_loop3A_57 = arith.select %parallel_loop3A_53, %parallel_loop3A_42, %parallel_loop3A_56 : vector<16xi1>, vector<16xf32>
        %parallel_loop3A_58 = math.exp %parallel_loop3A_57 : vector<16xf32>
        %parallel_loop3A_59 = arith.constant dense<true> : vector<16xi1>
        %parallel_loop3A_60, %parallel_loop3A_61, %parallel_loop3A_62 = tpu.sort %parallel_loop3A_50, %parallel_loop3A_29 masked %parallel_loop3A_59 {descending = true} : (vector<16xf32>, vector<16xi32>, vector<16xi1>) -> (vector<16xi1>, vector<16xf32>, vector<16xi32>)
        %parallel_loop3A_63 = arith.constant dense<true> : vector<16xi1>
        %parallel_loop3A_64, %parallel_loop3A_65, %parallel_loop3A_66 = tpu.sort %parallel_loop3A_58, %parallel_loop3A_33 masked %parallel_loop3A_63 : (vector<16xf32>, vector<16xi32>, vector<16xi1>) -> (vector<16xi1>, vector<16xf32>, vector<16xi32>)
        %parallel_loop3A_67 = arith.select %lt3A_2, %parallel_loop3A_61, %parallel_loop3A_65 : vector<16xi1>, vector<16xf32>
        %parallel_loop3A_68 = arith.select %lt3A_2, %parallel_loop3A_62, %parallel_loop3A_66 : vector<16xi1>, vector<16xi32>
        %parallel_loop3A_69 = arith.constant dense<true> : vector<16xi1>
        %parallel_loop3A_70, %parallel_loop3A_71, %parallel_loop3A_72 = tpu.sort %parallel_loop3A_67, %parallel_loop3A_68 masked %parallel_loop3A_69 {descending = true} : (vector<16xf32>, vector<16xi32>, vector<16xi1>) -> (vector<16xi1>, vector<16xf32>, vector<16xi32>)
        tpu.vector_store_idx %arg10[%iota3A, %parallel_loop3A_28], %parallel_loop3A_71 masked %lt3A_2 : memref<8x128xf32, #tpu.memory_space<vmem>>[vector<16xi32>, vector<16xi32>], vector<16xf32>, vector<16xi1>
        tpu.vector_store_idx %arg11[%iota3A, %parallel_loop3A_28], %parallel_loop3A_72 masked %lt3A_2 : memref<8x128xi32, #tpu.memory_space<vmem>>[vector<16xi32>, vector<16xi32>], vector<16xi32>, vector<16xi1>
      } {sc.loop_unroll_factor = 8 : i64, sc.parallel_access}
      "tpu.region"() ({
        %run_scoped3A = tpu.sem_alloc : memref<!tpu.dma_semaphore, #tpu.memory_space<semaphore_mem>>
        %dma_start3A = arith.constant 0 : i32
        %dma_start3A_24 = arith.constant 0 : i32
        %dma_start3A_25 = tpu.memref_slice %arg5[%add3A_16, %dma_start3A, %dma_start3A_24] : memref<79x8x128xf32, #tpu.memory_space<hbm>> -> memref<1x8x128xf32, #tpu.memory_space<hbm>>
        %dma_start3A_26 = tpu.memref_squeeze %dma_start3A_25 : memref<1x8x128xf32, #tpu.memory_space<hbm>> -> memref<8x128xf32, #tpu.memory_space<hbm>>
        %dma_start3A_27 = arith.constant 0 : i32
        %dma_start3A_28 = arith.constant 0 : i32
        %dma_start3A_29 = tpu.memref_slice %arg5[%add3A_16, %dma_start3A_27, %dma_start3A_28] : memref<79x8x128xf32, #tpu.memory_space<hbm>> -> memref<1x8x128xf32, #tpu.memory_space<hbm>>
        %dma_start3A_30 = tpu.memref_squeeze %dma_start3A_29 : memref<1x8x128xf32, #tpu.memory_space<hbm>> -> memref<8x128xf32, #tpu.memory_space<hbm>>
        tpu.enqueue_dma source(%arg10 : memref<8x128xf32, #tpu.memory_space<vmem>>) target(%dma_start3A_30 : memref<8x128xf32, #tpu.memory_space<hbm>>) target_semaphore(%run_scoped3A : memref<!tpu.dma_semaphore, #tpu.memory_space<semaphore_mem>>)
        %dma_wait3A = arith.constant 0 : i32
        %dma_wait3A_31 = arith.constant 0 : i32
        %dma_wait3A_32 = tpu.memref_slice %arg5[%add3A_16, %dma_wait3A, %dma_wait3A_31] : memref<79x8x128xf32, #tpu.memory_space<hbm>> -> memref<1x8x128xf32, #tpu.memory_space<hbm>>
        %dma_wait3A_33 = tpu.memref_squeeze %dma_wait3A_32 : memref<1x8x128xf32, #tpu.memory_space<hbm>> -> memref<8x128xf32, #tpu.memory_space<hbm>>
        %dma_wait3A_34 = arith.constant 0 : i32
        %dma_wait3A_35 = arith.constant 0 : i32
        %dma_wait3A_36 = tpu.memref_slice %arg5[%add3A_16, %dma_wait3A_34, %dma_wait3A_35] : memref<79x8x128xf32, #tpu.memory_space<hbm>> -> memref<1x8x128xf32, #tpu.memory_space<hbm>>
        %dma_wait3A_37 = tpu.memref_squeeze %dma_wait3A_36 : memref<1x8x128xf32, #tpu.memory_space<hbm>> -> memref<8x128xf32, #tpu.memory_space<hbm>>
        tpu.wait_dma2 semaphore(%run_scoped3A : memref<!tpu.dma_semaphore, #tpu.memory_space<semaphore_mem>>) src(%arg10 : memref<8x128xf32, #tpu.memory_space<vmem>>) dst(%dma_wait3A_37 : memref<8x128xf32, #tpu.memory_space<hbm>>)
        tpu.yield
      }) : () -> ()
      "tpu.region"() ({
        %run_scoped3A = tpu.sem_alloc : memref<!tpu.dma_semaphore, #tpu.memory_space<semaphore_mem>>
        %dma_start3A = arith.constant 0 : i32
        %dma_start3A_24 = arith.constant 0 : i32
        %dma_start3A_25 = tpu.memref_slice %arg6[%add3A_16, %dma_start3A, %dma_start3A_24] : memref<79x8x128xi32, #tpu.memory_space<hbm>> -> memref<1x8x128xi32, #tpu.memory_space<hbm>>
        %dma_start3A_26 = tpu.memref_squeeze %dma_start3A_25 : memref<1x8x128xi32, #tpu.memory_space<hbm>> -> memref<8x128xi32, #tpu.memory_space<hbm>>
        %dma_start3A_27 = arith.constant 0 : i32
        %dma_start3A_28 = arith.constant 0 : i32
        %dma_start3A_29 = tpu.memref_slice %arg6[%add3A_16, %dma_start3A_27, %dma_start3A_28] : memref<79x8x128xi32, #tpu.memory_space<hbm>> -> memref<1x8x128xi32, #tpu.memory_space<hbm>>
        %dma_start3A_30 = tpu.memref_squeeze %dma_start3A_29 : memref<1x8x128xi32, #tpu.memory_space<hbm>> -> memref<8x128xi32, #tpu.memory_space<hbm>>
        tpu.enqueue_dma source(%arg11 : memref<8x128xi32, #tpu.memory_space<vmem>>) target(%dma_start3A_30 : memref<8x128xi32, #tpu.memory_space<hbm>>) target_semaphore(%run_scoped3A : memref<!tpu.dma_semaphore, #tpu.memory_space<semaphore_mem>>)
        %dma_wait3A = arith.constant 0 : i32
        %dma_wait3A_31 = arith.constant 0 : i32
        %dma_wait3A_32 = tpu.memref_slice %arg6[%add3A_16, %dma_wait3A, %dma_wait3A_31] : memref<79x8x128xi32, #tpu.memory_space<hbm>> -> memref<1x8x128xi32, #tpu.memory_space<hbm>>
        %dma_wait3A_33 = tpu.memref_squeeze %dma_wait3A_32 : memref<1x8x128xi32, #tpu.memory_space<hbm>> -> memref<8x128xi32, #tpu.memory_space<hbm>>
        %dma_wait3A_34 = arith.constant 0 : i32
        %dma_wait3A_35 = arith.constant 0 : i32
        %dma_wait3A_36 = tpu.memref_slice %arg6[%add3A_16, %dma_wait3A_34, %dma_wait3A_35] : memref<79x8x128xi32, #tpu.memory_space<hbm>> -> memref<1x8x128xi32, #tpu.memory_space<hbm>>
        %dma_wait3A_37 = tpu.memref_squeeze %dma_wait3A_36 : memref<1x8x128xi32, #tpu.memory_space<hbm>> -> memref<8x128xi32, #tpu.memory_space<hbm>>
        tpu.wait_dma2 semaphore(%run_scoped3A : memref<!tpu.dma_semaphore, #tpu.memory_space<semaphore_mem>>) src(%arg11 : memref<8x128xi32, #tpu.memory_space<vmem>>) dst(%dma_wait3A_37 : memref<8x128xi32, #tpu.memory_space<hbm>>)
        tpu.yield
      }) : () -> ()
    } else {
    }
    return
  }
}

module attributes {stable_mosaic.version = 14 : i64} {
  func.func @_tc_prep_body(%arg0: i32, %arg1: memref<5120x128xf32, #tpu.memory_space<vmem>>, %arg2: memref<256x1xf32, #tpu.memory_space<vmem>>, %arg3: memref<1x1xf32, #tpu.memory_space<vmem>>, %arg4: memref<32x5120xi32, #tpu.memory_space<vmem>>, %arg5: memref<40x128xf32, #tpu.memory_space<vmem>>, %arg6: memref<40x128xf32, #tpu.memory_space<vmem>>, %arg7: memref<40x32x128xi32, #tpu.memory_space<vmem>>) attributes {dimension_semantics = [#tpu.dimension_semantics<arbitrary>], iteration_bounds = array<i64: 2>, scalar_prefetch = 0 : i64, scratch_operands = 0 : i64, tpu.core_type = #tpu.core_type<tc>, window_params = [{transform_indices = @transform_0, window_bounds = array<i64: 5120, 128>}, {pipeline_mode = #tpu.pipeline_mode<synchronous>, transform_indices = @transform_1, window_bounds = array<i64: 256, 1>}, {pipeline_mode = #tpu.pipeline_mode<synchronous>, transform_indices = @transform_2, window_bounds = array<i64: 1, 1>}, {transform_indices = @transform_3, window_bounds = array<i64: 32, 5120>}, {transform_indices = @transform_4, window_bounds = array<i64: 40, 128>}, {transform_indices = @transform_5, window_bounds = array<i64: 40, 128>}, {transform_indices = @transform_6, window_bounds = array<i64: 40, 32, 128>}]} {
    %get3A = arith.constant 0 : index
    %get3A_0 = arith.constant 0 : index
    %get3A_1 = vector.load %arg1[%get3A, %get3A_0] : memref<5120x128xf32, #tpu.memory_space<vmem>>, vector<5120x128xf32>
    %get3A_2 = arith.constant 0 : index
    %get3A_3 = arith.constant 0 : index
    %get3A_4 = vector.load %arg2[%get3A_2, %get3A_3] : memref<256x1xf32, #tpu.memory_space<vmem>>, vector<128x1xf32>
    %get3A_5 = arith.constant 128 : index
    %get3A_6 = arith.constant 0 : index
    %get3A_7 = vector.load %arg2[%get3A_5, %get3A_6] : memref<256x1xf32, #tpu.memory_space<vmem>>, vector<128x1xf32>
    %dot_general3A = arith.constant dense<0.000000e+00> : vector<5120x1xf32>
    %dot_general3A_8 = tpu.matmul %get3A_1, %get3A_4, %dot_general3A {dimension_numbers = #tpu.dot_dimension_numbers<[1], [0], [0], [1], [0, 0, 1, 1], [], []>, transpose_lhs_hint = false} : vector<5120x128xf32>, vector<128x1xf32>, vector<5120x1xf32> -> vector<5120x1xf32>
    %get3A_9 = arith.constant 0 : index
    %get3A_10 = arith.constant 0 : index
    %get3A_11 = vector.load %arg3[%get3A_9, %get3A_10] : memref<1x1xf32, #tpu.memory_space<vmem>>, vector<1x1xf32>
    %get3A_12 = vector.extract %get3A_11[0, 0] : f32 from vector<1x1xf32>
    %add3A = vector.broadcast %get3A_12 : f32 to vector<5120x1xf32>
    %add3A_13 = arith.addf %dot_general3A_8, %add3A : vector<5120x1xf32>
    %dot_general3A_14 = arith.constant dense<0.000000e+00> : vector<5120x1xf32>
    %dot_general3A_15 = tpu.matmul %get3A_1, %get3A_7, %dot_general3A_14 {dimension_numbers = #tpu.dot_dimension_numbers<[1], [0], [0], [1], [0, 0, 1, 1], [], []>, transpose_lhs_hint = false} : vector<5120x128xf32>, vector<128x1xf32>, vector<5120x1xf32> -> vector<5120x1xf32>
    %reshape3A = vector.shape_cast %add3A_13 : vector<5120x1xf32> to vector<40x128xf32>
    %swap3A = arith.constant 0 : index
    %swap3A_16 = arith.constant 0 : index
    %swap3A_17 = vector.load %arg5[%swap3A, %swap3A_16] : memref<40x128xf32, #tpu.memory_space<vmem>>, vector<40x128xf32>
    tpu.vector_store %arg5[%swap3A, %swap3A_16], %reshape3A {strides = array<i32>} : memref<40x128xf32, #tpu.memory_space<vmem>>, vector<40x128xf32>,
    %reshape3A_18 = vector.shape_cast %dot_general3A_15 : vector<5120x1xf32> to vector<40x128xf32>
    %swap3A_19 = arith.constant 0 : index
    %swap3A_20 = arith.constant 0 : index
    %swap3A_21 = vector.load %arg6[%swap3A_19, %swap3A_20] : memref<40x128xf32, #tpu.memory_space<vmem>>, vector<40x128xf32>
    tpu.vector_store %arg6[%swap3A_19, %swap3A_20], %reshape3A_18 {strides = array<i32>} : memref<40x128xf32, #tpu.memory_space<vmem>>, vector<40x128xf32>,
    %get3A_22 = arith.constant 0 : index
    %get3A_23 = arith.constant 0 : index
    %get3A_24 = vector.load %arg4[%get3A_22, %get3A_23] : memref<32x5120xi32, #tpu.memory_space<vmem>>, vector<32x5120xi32>
    %jit3A = arith.constant 0 : i32
    %jit3A_25 = arith.constant 9999 : i32
    %max3A = vector.broadcast %jit3A : i32 to vector<32x5120xi32>
    %max3A_26 = arith.maxsi %max3A, %get3A_24 : vector<32x5120xi32>
    %min3A = vector.broadcast %jit3A_25 : i32 to vector<32x5120xi32>
    %min3A_27 = arith.minsi %min3A, %max3A_26 : vector<32x5120xi32>
    %reshape3A_28 = vector.shape_cast %min3A_27 : vector<32x5120xi32> to vector<32x40x128xi32>
    %transpose3A = tpu.transpose %reshape3A_28, [1, 0, 2] : vector<32x40x128xi32> -> vector<40x32x128xi32>
    %swap3A_29 = arith.constant 0 : index
    %swap3A_30 = arith.constant 0 : index
    %swap3A_31 = arith.constant 0 : index
    %swap3A_32 = vector.load %arg7[%swap3A_29, %swap3A_30, %swap3A_31] : memref<40x32x128xi32, #tpu.memory_space<vmem>>, vector<40x32x128xi32>
    tpu.vector_store %arg7[%swap3A_29, %swap3A_30, %swap3A_31], %transpose3A {strides = array<i32>} : memref<40x32x128xi32, #tpu.memory_space<vmem>>, vector<40x32x128xi32>,
    return
  }
  func.func @transform_0(%arg0: i32) -> (i32, i32) {
    %c0_i32 = arith.constant 0 : i32
    %c0_i32_0 = arith.constant 0 : i32
    return %arg0, %c0_i32 : i32, i32
  }
  func.func @transform_1(%arg0: i32) -> (i32, i32) {
    %c0_i32 = arith.constant 0 : i32
    %c0_i32_0 = arith.constant 0 : i32
    %c0_i32_1 = arith.constant 0 : i32
    return %c0_i32, %c0_i32_0 : i32, i32
  }
  func.func @transform_2(%arg0: i32) -> (i32, i32) {
    %c0_i32 = arith.constant 0 : i32
    %c0_i32_0 = arith.constant 0 : i32
    %c0_i32_1 = arith.constant 0 : i32
    return %c0_i32, %c0_i32_0 : i32, i32
  }
  func.func @transform_3(%arg0: i32) -> (i32, i32) {
    %c0_i32 = arith.constant 0 : i32
    %c0_i32_0 = arith.constant 0 : i32
    return %c0_i32, %arg0 : i32, i32
  }
  func.func @transform_4(%arg0: i32) -> (i32, i32) {
    %c0_i32 = arith.constant 0 : i32
    %c0_i32_0 = arith.constant 0 : i32
    return %arg0, %c0_i32 : i32, i32
  }
  func.func @transform_5(%arg0: i32) -> (i32, i32) {
    %c0_i32 = arith.constant 0 : i32
    %c0_i32_0 = arith.constant 0 : i32
    return %arg0, %c0_i32 : i32, i32
  }
  func.func @transform_6(%arg0: i32) -> (i32, i32, i32) {
    %c0_i32 = arith.constant 0 : i32
    %c0_i32_0 = arith.constant 0 : i32
    %c0_i32_1 = arith.constant 0 : i32
    return %arg0, %c0_i32, %c0_i32_0 : i32, i32, i32
  }
}

</mosaic_0001>

<sc_bundles>
// kernel: kernel.4.cloned.1.call-start
scs
__scs_entry_jumppad:
0x0: {  	(pc) =	sbr.rel $0x88, $3  }
0x1: {  	(tag) =	ssettag $0x0;
	lr =	simm.s32 $0x1  }
0x2: {  	[smem:$0x3F9D] =	sst lr;
	_ =	strace $0xD0000000  }
0x3: {  	_ = 	snop  }
0x4: {  	_ = 	snop  }
0x5: {  	_ = 	snop  }
0x6: {  	_ = 	snop  }
0x7: {  	_ = 	snop  }
__scs_overlays_trampoline_lowered:
0x8: {  	[smem:$0x3FAC] =	sst s0  }
0x9: {  	[smem:$0x3FAD] =	sst s1  }
0xa: {  	[smem:$0x3FAE] =	sst s2  }
0xb: {  	[smem:$0x3FAF] =	sst s3  }
0xc: {  	[smem:$0x3FB0] =	sst s4  }
0xd: {  	[smem:$0x3FB1] =	sst s5  }
0xe: {  	[smem:$0x3FB2] =	sst s6  }
0xf: {  	[smem:$0x3FB3] =	sst s7  }
0x10: {  	[smem:$0x3FB4] =	sst s8  }
0x11: {  	[smem:$0x3FB5] =	sst s9;
	s0 =	simm.s32 @!p0 $0x0  }
0x12: {  	s1 =	sld [smem:$0x3F9B];
	s0 =	simm.s32 @p0 $0x1  }
0x13: {  	[smem:$0x3FB6] =	sst s0;
	s0 =	simm.s32 @!p1 $0x0  }
0x14: {  	s2 =	sld [smem:$0x3F9A];
	s0 =	simm.s32 @p1 $0x1  }
0x15: {  	[smem:$0x3FB7] =	sst s0;
	s0 =	simm.s32 @!p2 $0x0  }
0x16: {  	s3 =	sld [smem:$0x3FDB];
	s0 =	simm.s32 @p2 $0x1  }
0x17: {  	s4 =	simm.s32 $0x1BF5;
	[smem:$0x3FB9] =	sst s0  }
0x18: {  	s0 =	sld [smem:$0x3F9C];
	_ =	swait.ge [sflag:s4], $0x0  }
0x19: {  	s7 =	sld [smem:$0x3F9D]  }
0x1a: {  	s8 =	sadd.s32 $0xFFFFE003, lr  }
0x1b: {  	s9 =	sadd.s32 $0xFFFFFEF7, lr;
	s5 =	simm.s32 $0xFFFFFFFF;
	p2 =	slt.u32 s8, $0xFFFFF086  }
0x1c: {  	p1 =	slt.u32 s9, $0xF7A;
	s5 =	simm.s32 @!p2 $0x0  }
0x1d: {  	s5 =	simm.s32 @p1 $0x1;
	p0 =	seq.s32 s7, s2  }
0x1e: {  	s7 =	smul.u32 @!p0 $0xF7A, s2;
	p2 =	seq.s32 @!p0 s5, $0x0  }
0x1f: {  	s9 =	smul.u32 $0xF7A, s1;
	s8 =	simm.s32 @!p0 $0x1BF5;
	p2 =	por !p2, p0  }
0x20: {  	[sflag:s8] =	ssyncset.s32 @!p0 $0xFFFFF086;
	s6 =	sadd.s32 @!p0 s3, s7;
	s7 =	simm.s32 @!p0 $0x108  }
0x21: {  	s3 =	sadd.s32 s3, s9;
	s6 =	sadd.s32 @!p0 $0x88, s6;
	s7 =	simm.s32 @p2 $0x1082  }
0x22: {  	[simem:s7], [sflag:s8] =	dma.local @!p0 [hbm:s6], $0xF7A  }
0x23: {  	s9 =	sor.u32 $0xD0000000, s2;
	s6 =	simm.s32 $0x108;
	_ =	swait.ge @!p0 [sflag:s8], $0x0  }
0x24: {  	s3 =	sadd.s32 $0x88, s3;
	s6 =	simm.s32 @!p1 $0x1082;
	[sflag:s4] =	ssyncset.s32 $0xFFFFF086  }
0x25: {  	[simem:s6], [sflag:s4] =	dma.local [hbm:s3], $0xF7A  }
0x26: {  	[smem:$0x3F9D] =	sst s1;
	(tag) =	ssettag s2;
	_ =	strace s9  }
0x27: {  	s1 =	sld [smem:$0x3FAD]  }
0x28: {  	s2 =	sld [smem:$0x3FAE]  }
0x29: {  	s4 =	sld [smem:$0x3FB0]  }
0x2a: {  	p0 =	seq.s32 s5, $0x0;
	s5 =	sld [smem:$0x3FB1]  }
0x2b: {  	s6 =	sld [smem:$0x3FB2]  }
0x2c: {  	s7 =	sld [smem:$0x3FB3]  }
0x2d: {  	s3 =	simm.s32 $0x108;
	s8 =	sld [smem:$0x3FB4]  }
0x2e: {  	s3 =	simm.s32 @!p0 $0x1082;
	s9 =	sld [smem:$0x3FB5]  }
0x2f: {  	lr =	sadd.s32 s0, s3;
	s0 =	sld [smem:$0x3FAC]  }
0x30: {  	s3 =	sld [smem:$0x3FAF]  }
0x31: {  	[smem:$0x3FB8] =	sst s10  }
0x32: {  	s10 =	sld [smem:$0x3FB6];
	_ =	sdelay $0x3  }
0x33: {  	p0 =	seq.s32 s10, $0x1;
	s10 =	sld [smem:$0x3FB8];
	_ =	sdelay $0x3  }
0x34: {  	[smem:$0x3FB8] =	sst s10  }
0x35: {  	s10 =	sld [smem:$0x3FB7];
	_ =	sdelay $0x3  }
0x36: {  	p1 =	seq.s32 s10, $0x1;
	s10 =	sld [smem:$0x3FB8];
	_ =	sdelay $0x3  }
0x37: {  	[smem:$0x3FB8] =	sst s10  }
0x38: {  	s10 =	sld [smem:$0x3FB9]  }
0x39: {  	_ = 	snop;
	(pc) =	sbr.ind lr, $3  }
0x3a: {  	_ = 	snop  }
0x3b: {  	_ = 	snop  }
0x3c: {  	p2 =	seq.s32 s10, $0x1;
	s10 =	sld [smem:$0x3FB8]  }
0x3d: {  	_ =	shalt  }
0x3e: {  	_ =	shalt  }
0x3f: {  	_ =	shalt  }
0x40: {  	_ =	shalt  }
0x41: {  	_ =	shalt  }
0x42: {  	_ =	shalt  }
0x43: {  	_ =	shalt  }
0x44: {  	_ =	shalt  }
0x45: {  	_ =	shalt  }
0x46: {  	_ =	shalt  }
0x47: {  	_ =	shalt  }
0x48: {  	_ =	shalt  }
0x49: {  	_ =	shalt  }
0x4a: {  	_ =	shalt  }
0x4b: {  	_ =	shalt  }
0x4c: {  	_ =	shalt  }
0x4d: {  	_ =	shalt  }
0x4e: {  	_ =	shalt  }
0x4f: {  	_ =	shalt  }
0x50: {  	_ =	shalt  }
0x51: {  	_ =	shalt  }
0x52: {  	_ =	shalt  }
0x53: {  	_ =	shalt  }
0x54: {  	_ =	shalt  }
0x55: {  	_ =	shalt  }
0x56: {  	_ =	shalt  }
0x57: {  	_ =	shalt  }
0x58: {  	_ =	shalt  }
0x59: {  	_ =	shalt  }
0x5a: {  	_ =	shalt  }
0x5b: {  	_ =	shalt  }
0x5c: {  	_ =	shalt  }
0x5d: {  	_ =	shalt  }
0x5e: {  	_ =	shalt  }
0x5f: {  	_ =	shalt  }
0x60: {  	_ =	shalt  }
0x61: {  	_ =	shalt  }
0x62: {  	_ =	shalt  }
0x63: {  	_ =	shalt  }
0x64: {  	_ =	shalt  }
0x65: {  	_ =	shalt  }
0x66: {  	_ =	shalt  }
0x67: {  	_ =	shalt  }
0x68: {  	_ =	shalt  }
0x69: {  	_ =	shalt  }
0x6a: {  	_ =	shalt  }
0x6b: {  	_ =	shalt  }
0x6c: {  	_ =	shalt  }
0x6d: {  	_ =	shalt  }
0x6e: {  	_ =	shalt  }
0x6f: {  	_ =	shalt  }
0x70: {  	_ =	shalt  }
0x71: {  	_ =	shalt  }
0x72: {  	_ =	shalt  }
0x73: {  	_ =	shalt  }
0x74: {  	_ =	shalt  }
0x75: {  	_ =	shalt  }
0x76: {  	_ =	shalt  }
0x77: {  	_ =	shalt  }
0x78: {  	_ =	shalt  }
0x79: {  	_ =	shalt  }
0x7a: {  	_ =	shalt  }
0x7b: {  	_ =	shalt  }
0x7c: {  	_ =	shalt  }
0x7d: {  	_ =	shalt  }
0x7e: {  	_ =	shalt  }
0x7f: {  	_ =	shalt  }
0x80: {  	_ =	shalt  }
0x81: {  	_ =	shalt  }
0x82: {  	_ =	shalt  }
0x83: {  	_ =	shalt  }
0x84: {  	_ =	shalt  }
0x85: {  	_ =	shalt  }
0x86: {  	_ =	shalt  }
0x87: {  	_ =	shalt  }
.Lfunc_end0:
.L_simem_size_0:
called_computation_lowered:
.L_overlay_start_0:
0x88: {  	s2 =	sld [smem:$0x3FD9]  }
0x89: {  	s3 =	sld [smem:$0x3FFE];
	_ =	sdelay $0x1  }
0x8a: {  	s1 =	srdreg.scid  }
0x8b: {  	s0 =	sand.u32 $0x1, s1  }
0x8c: {  	s14 =	sshll.u32 s0, $0xA;
	s2 =	sadd.s32 s3, s2  }
0x8d: {  	s2 =	sadd.s32 s2, s14  }
0x8e: {  	[smem:$0x3FC4] =	sst s2  }
0x8f: {  	_ = 	snop  }
0x90: {  	s2 =	sld [smem:$0x3FD0];
	_ =	sdelay $0x2  }
0x91: {  	s15 =	simm.s32 $0xA;
	s4 =	simm.s32 $0x10  }
0x92: {  	[smem:s4], [sflag:s15] =	dma.local [hbm:s2], $0x1  }
0x93: {  	_ =	swait.eq [sflag:s15], $0x1  }
0x94: {  	[sflag:s15] =	ssyncset.done $0x0  }
0x95: {  	s16 =	sld [smem:$0x10];
	[sflag:s15] =	ssyncadd.s32 $0xFFFFFFFF  }
0x96: {  	s17 =	sld [smem:$0x11];
	(tm) =	ssettm $0x1  }
0x97: {  	s18 =	sld [smem:$0x3FFB];
	_ =	sdelay $0x3  }
0x98: {  	_ =	strace s18  }
0x99: {  	s4 =	sld [smem:$0x3FFC];
	_ =	sdelay $0x3  }
0x9a: {  	_ =	strace s4  }
0x9b: {  	s4 =	sld [smem:$0x3FFD];
	_ =	sdelay $0x3  }
0x9c: {  	_ =	strace s4  }
0x9d: {  	_ =	strace $0x8FFFFFFF  }
0x9e: {  	s19 =	sld [smem:$0x3FDB];
	_ =	sdelay $0x1  }
0x9f: {  	s5 =	simm.s32 $_scs_section_size  }
0xa0: {  	s6 =	simm.s32 $_size__tile_overlayer_lowered;
	s7 =	simm.s32 $_tile_overlayer_lowered  }
0xa1: {  	s22 =	simm.s32 $0x1BFF;
	s21 =	sshll.u32 s7, $0x1;
	s4 =	sadd.s32 s5, s19  }
0xa2: {  	s8 =	simm.s32 $0x0;
	s20 =	sshll.u32 s6, $0x1;
	s6 =	sadd.s32 s21, s4  }
0xa3: {  	[timem:s8], [sflag:s22] =	dma.local [hbm:s6], s20  }
0xa4: {  	_ =	swait.ge [sflag:s22], s20  }
0xa5: {  	s5 =	ssub.s32 $0x0, s20;
	[sflag:s22] =	ssyncset.done $0x0  }
0xa6: {  	[sflag:s22] =	ssyncadd.s32 s5;
	_ =	sdelay $0x1  }
0xa7: {  	s23 =	simm.s32 $0x1B8B  }
0xa8: {  	_ =	swait.ge [sflag:s23], $0x1  }
0xa9: {  	[sflag:s23] =	ssyncset.done $0x0  }
0xaa: {  	s25 =	simm.s32 $0x1B8E;
	s24 =	sld [smem:$0x3FFE];
	[sflag:s23] =	ssyncadd.s32 $0xFFFFFFFF  }
0xab: {  	s26 =	simm.s32 $execute0_lowered;
	[smem:$0x3FD2] =	sst s25  }
0xac: {  	s6 =	sshll.u32 s26, $0x1;
	_ =	strace $0x80000046;
	[dreg:$0x1] =	wrdreg $0xFFFFFFFF  }
0xad: {  	s28 =	simm.s32 $_size_execute0_lowered;
	s4 =	sadd.s32 s4, s6;
	[dreg:$0x0] =	wrdreg $0x0  }
0xae: {  	s6 =	sshll.u32 s28, $0x1;
	[dreg:$0x2] =	wrdreg s4  }
0xaf: {  	[dreg:$0x3] =	wrdreg s6  }
0xb0: {  	[dreg:$0x4] =	wrdreg $0xC0  }
0xb1: {  	_ =	task [dreg:s8], $0x5FFFF  }
0xb2: {  	[dreg:$0x1] =	wrdreg $0xFFFFFFFF  }
0xb3: {  	[dreg:$0x0] =	wrdreg $0x60  }
0xb4: {  	[dreg:$0x2] =	wrdreg s24  }
0xb5: {  	[dreg:$0x3] =	wrdreg s16  }
0xb6: {  	[dreg:$0x4] =	wrdreg s17  }
0xb7: {  	[dreg:$0x5] =	wrdreg $0x9  }
0xb8: {  	_ =	task.clear_ibuf [dreg:s8], $0x6FFFF;
	_ =	strace $0x90000046  }
0xb9: {  	s29 =	simm.s32 $0x9;
	_ =	strace $0x80000048  }
0xba: {  	_ =	swait.ge [sflag:s29], $0x1  }
0xbb: {  	[sflag:s29] =	ssyncadd.s32 $0xFFFFFFFF  }
0xbc: {  	_ =	strace $0x90000048  }
0xbd: {  	_ =	sfence  }
0xbe: {  	s30 =	sld [smem:$0x0];
	_ =	sdelay $0x2  }
0xbf: {  	s31 =	sshll.u32 s1, $0xD;
	s1 =	sshrl.u32 s1, $0x2  }
0xc0: {  	s3 =	sand.u32 $0x4000, s31;
	s1 =	sadd.s32 s1, s30  }
0xc1: {  	s0 =	sor.u32 s3, s0;
	s1 =	sshll.u32 s1, $0x11  }
0xc2: {  	s0 =	sor.u32 s1, s0  }
0xc3: {  	s0 =	sadd.s32 $0x8F2B, s0  }
0xc4: {  	[sflag:s0] =	ssyncadd.remote.s32 $0x1  }
0xc5: {  	_ =	sfence.sel $0xFFFF  }
0xc6: {  	[dreg:$0x0] =	wrdreg $0xFFFFFFFF;
	(pc) =	sbr.abs _section_cstart, $3  }
0xc7: {  	[dreg:$0x1] =	wrdreg $0xFFFFFFFF  }
0xc8: {  	_ =	task.clear_ibuf [dreg:s8], $0x2FFFF;
	_ =	strace $0x9FFFFFFF  }
0xc9: {  	(tm) =	ssettm $0x7FFFFFFF  }
tec
execute0_lowered:
.L_overlay_start_1:
0x0: {  	(tag) =	ssettag $0x1  }
0x1: {  	s5 =	rddreg [dreg:$0x0]  }
0x2: {  	s12 =	rddreg [dreg:$0x1]  }
0x3: {  	s13 =	rddreg [dreg:$0x2]  }
0x4: {  	s0 =	rddreg [dreg:$0x3];
	s2 =	simm.s32 $0x0  }
0x5: {  	s3 =	srdreg.scid;
	s1 =	stileid.u32;
	s18 =	simm.s32 $0x5F80  }
0x6: {  	[smem:$0x7FF] =	sst s2;
	s6 =	sand.u32 $0x1, s3;
	s3 =	sadd.s32 $0xB400, s5  }
0x7: {  	s8 =	sshll.u32 s1, $0x1;
	s4 =	sadd.s32 $0xBA00, s5;
	s11 =	sadd.s32 $0x1400, s5  }
0x8: {  	_ =	strace $0x80000047;
	s7 =	ssub.s32 $0x2, s6;
	s20 =	sor.u32 s6, s8  }
0x9: {  	s9 =	sshrl.u32 s7, $0x1;
	s29 =	sshll.u32 s20, $0x9;
	s16 =	sshll.u32 s20, $0x7  }
0xa: {  	s30 =	sor.u32 $0x20, s20;
	s10 =	sor.u32 $0x40, s20;
	p0 =	sgt.u32 s20, $0xE  }
0xb: {  	s20 =	simm.s32 $0x0;
	s14 =	ssub.s32 s7, s9;
	s5 =	sadd.s32 s11, s29  }
0xc: {  	s6 =	sadd.s32 s12, s16;
	s7 =	sadd.s32 s13, s16;
	s31 =	sshll.u32 s30, $0x9  }
.Ltmp0:
0xd: {  	s17 =	sshll.u32 s30, $0x7;
	s15 =	sshll.u32 s10, $0x9;
	(pc) =	sbr.rel .LBB2_1-.Ltmp0, $4  }
0xe: {  	v0 =	vlaneseq.u32;
	s19 =	sshll.u32 s10, $0x7;
	v1 =	vmov s16;
	s16 =	simm.s32 $0x1;
	s8 =	sadd.s32 s11, s31  }
0xf: {  	v0 =	vmul.u32 $0x80, v0;
	s9 =	sadd.s32 s12, s17;
	s10 =	sadd.s32 s13, s17;
	s11 =	sadd.s32 s11, s15;
	v2 =	vmov s19;
	[tilespmem:$0x1FFE0] =	vst v1  }
0x10: {  	s12 =	sadd.s32 s12, s19;
	s13 =	sadd.s32 s13, s19;
	s14 =	smax.u32 s14, $0x1;
	v61 =	vmov s17;
	[tilespmem:$0x1FFD0] =	vst v2  }
0x11: {  	vm0 =	vmmov $0xff;
	v4 =	vor.u32 $0x800, v0;
	s15 =	simm.s32 $0x3800;
	s17 =	simm.s32 $0x1000;
	s19 =	simm.s32 $0x6380;
	[tilespmem:$0x1FFF0] =	vst v61  }
.LBB2_8:
0x12: {  	_ = 	snop  }
0x13: {  	v1 =	vmul.f32 $1.442695020e+00, v43  }
0x14: {  	v2 =	vpop (erf)  }
0x15: {  	v3, v7, _ =	vpop (xrf1);
	(xrf1) =	vsort.ascd.msk.f32 $0xffff, v2, v25  }
0x16: {  	v25 =	vld.idx.msk [tilespmem:v52+s2+$0x0], $0xffff;
	(erf) = vpow2.f32 v1;
	(xrf1) =	vsort.dscd.msk.f32 $0xffff, v58, v59;
	v59, v58, _ =	vpop (xrf1)  }
0x17: {  	v63 =	vmul.f32 $1.442695020e+00, v60;
	v2 =	vadd.f32 v53, v57;
	(erf) = vpow2.f32 v32;
	v1 =	vpop (erf)  }
0x18: {  	v8 =	vpop (erf)  }
0x19: {  	v38 =	vld.idx.msk [tilespmem:v27+s15+$0x0], $0xffff;
	v42 =	vmul.f32 $9.999999770e-03, v2;
	(xrf1) =	vsort.ascd.msk.f32 $0xffff, v54, v17;
	v57 =	vpop (erf)  }
0x1a: {  	v46 =	vld.idx.msk [tilespmem:v47+s17+$0x0], $0xffff;
	vm1 =	vgt.f32 v2, $0.0e+00;
	(xrf1) =	vsort.ascd.msk.f32 $0xffff, v8, v24;
	v8, v24, _ =	vpop (xrf1)  }
0x1b: {  	v60 =	vld.idx.msk [tilespmem:v40+s15+$0x0], $0xffff;
	(erf) = vpow2.f32 v63;
	v2 =	vsel vm1, v2, v42;
	(xrf1) =	vsort.dscd.msk.f32 $0xffff, v57, v26;
	v63, v62, _ =	vpop (xrf1)  }
0x1c: {  	v32 =	vld.idx.msk [tilespmem:v18+s2+$0x0], $0xffff;
	v2 =	vmul.f32 $1.442695020e+00, v2;
	(xrf1) =	vsort.dscd.msk.f32 $0xffff, v1, v19;
	v1 =	vsel vm0, v59, v63  }
0x1d: {  	v19 =	vld.idx.msk [tilespmem:v50+s2+$0x0], $0xffff  }
0x1e: {  	v47 =	vsel vm0, v58, v62;
	(erf) = vpow2.f32 v2;
	v57 =	vld.idx.msk [tilespmem:v25+s15+$0x0], $0xffff  }
0x1f: {  	v2 =	vadd.f32 v53, v38;
	(xrf1) =	vsort.dscd.msk.f32 $0xffff, v1, v47;
	v1 =	vpop (erf)  }
0x20: {  	v7 =	vsel vm0, v7, v56;
	v17 =	vld.idx.msk [tilespmem:v15+s2+$0x0], $0xffff;
	v58 =	vpop (erf);
	(xrf1) =	vsort.dscd.msk.f32 $0xffff, v1, v23  }
0x21: {  	v52 =	vor.u32 s23, v61;
	v38 =	vadd.f32 v46, v60;
	v60, v59, _ =	vpop (xrf1);
	v23 =	vld.idx.msk [tilespmem:v39+s2+$0x0], $0xffff;
	v1 =	vmul.f32 $9.999999770e-03, v2;
	(xrf1) =	vsort.ascd.msk.f32 $0xffff, v58, v16  }
0x22: {  	v3 =	vsel vm0, v3, v55;
	v62, v61, _ =	vpop (xrf1);
	v24 =	vsel vm0, v24, v59;
	vm1 =	vgt.f32 v2, $0.0e+00;
	v39 =	vld.idx.msk [tilespmem:v37+s15+$0x0], $0xffff  }
0x23: {  	v47 =	vld.idx.msk [tilespmem:v48+s17+$0x0], $0xffff;
	v1 =	vsel vm1, v2, v1;
	v2 =	vsel vm0, v8, v60;
	v46 =	vadd.f32 v46, v57;
	v58, v57, _ =	vpop (xrf1)  }
0x24: {  	v63 =	vmul.f32 $9.999999770e-03, v38;
	v1 =	vmul.f32 $1.442695020e+00, v1;
	(xrf1) =	vsort.dscd.msk.f32 $0xffff, v2, v24;
	v2 =	vld.idx.msk [tilespmem:v32+s15+$0x0], $0xffff;
	v48 =	vsel vm0, v61, v57  }
0x25: {  	v16 =	vor.u32 s22, v0;
	v43 =	vpop (erf);
	v8 =	vsel vm0, v62, v58;
	v54 =	vld.idx.msk [tilespmem:v19+s15+$0x0], $0xffff;
	v59 =	vmul.f32 $9.999999770e-03, v46  }
0x26: {  	vm1 =	vgt.f32 v38, $0.0e+00;
	v26, v24, _ =	vpop (xrf1);
	v61 =	vmul.f32 $1.442695020e+00, v51;
	(erf) = vpow2.f32 v1;
	v1 =	vld.idx.msk [tilespmem:v49+s2+$0x0], $0xffff  }
0x27: {  	v38 =	vsel vm1, v38, v63;
	vm1 =	vgt.f32 v46, $0.0e+00;
	v39 =	vadd.f32 v35, v39;
	v60 =	vpop (erf);
	(xrf1) =	vsort.dscd.msk.f32 $0xffff, v8, v48  }
0x28: {  	v42 =	vld.idx.msk [tilespmem:v52+s17+$0x0], $0xffff;
	v38 =	vmul.f32 $1.442695020e+00, v38;
	v46 =	vsel vm1, v46, v59;
	(erf) = vpow2.f32 v61;
	v8, v48, _ =	vpop (xrf1)  }
0x29: {  	v50 =	vld.idx.msk [tilespmem:v17+s15+$0x0], $0xffff;
	vm1 =	vgt.f32 v39, $0.0e+00;
	(xrf1) =	vsort.ascd.msk.f32 $0xffff, v60, v36;
	v2 =	vadd.f32 v47, v2;
	v60 =	vmul.f32 $9.999999770e-03, v39;
	v62, v51, _ =	vpop (xrf1)  }
0x2a: {  	v52 =	vld.idx.msk [tilespmem:v16+s2+$0x0], $0xffff;
	v46 =	vmul.f32 $1.442695020e+00, v46;
	(erf) = vpow2.f32 v38;
	v47 =	vadd.f32 v47, v54;
	v59, v63, _ =	vpop (xrf1)  }
0x2b: {  	v54 =	vld.idx.msk [tilespmem:v23+s15+$0x0], $0xffff;
	v36 =	vsel vm1, v39, v60;
	v51 =	vsel vm0, v63, v51;
	v63 =	vmul.f32 $9.999999770e-03, v2  }
0x2c: {  	vm1 =	vgt.f32 v2, $0.0e+00;
	v49 =	vsel vm0, v59, v62;
	v62, v61, _ =	vpop (xrf1);
	v36 =	vmul.f32 $1.442695020e+00, v36  }
0x2d: {  	v39, v57, _ =	vpop (xrf1);
	(xrf1) =	vsort.dscd.msk.f32 $0xffff, v3, v7;
	v3 =	vsel vm0, v62, v8;
	v2 =	vsel vm1, v2, v63;
	v63 =	vld.idx.msk [tilespmem:v44+s15+$0x0], $0xffff  }
0x2e: {  	v55 =	vmul.f32 $9.999999770e-03, v47;
	v48 =	vsel vm0, v61, v48;
	(erf) = vpow2.f32 v36;
	v56 =	vld.idx.msk [tilespmem:v1+s15+$0x0], $0xffff;
	v7, v60, _ =	vpop (xrf1);
	(xrf1) =	vsort.dscd.msk.f32 $0xffff, v49, v51  }
0x2f: {  	v50 =	vadd.f32 v42, v50;
	v2 =	vmul.f32 $1.442695020e+00, v2;
	(erf) = vpow2.f32 v46;
	v62, v61, _ =	vpop (xrf1);
	(xrf1) =	vsort.dscd.msk.f32 $0xffff, v3, v48;
	v3 =	vld.idx.msk [tilespmem:v33+s17+$0x0], $0xffff  }
0x30: {  	v58 =	vadd.f32 v42, v54;
	v8 =	vsel vm0, v60, v61;
	v7 =	vsel vm0, v7, v62  }
0x31: {  	vm1 =	vgt.f32 v47, $0.0e+00;
	v59 =	vpop (erf);
	(erf) = vpow2.f32 v2;
	(xrf1) =	vsort.dscd.msk.f32 $0xffff, v7, v8;
	v7 =	vmul.f32 $9.999999770e-03, v50  }
0x32: {  	v2 =	vld.idx.msk [tilespmem:v52+s15+$0x0], $0xffff;
	v60 =	vsel vm1, v47, v55;
	v61 =	vmul.f32 $9.999999770e-03, v58;
	vm1 =	vgt.f32 v50, $0.0e+00  }
0x33: {  	v62 =	vpop (erf);
	v8 =	vmul.f32 $1.442695020e+00, v60;
	v63 =	vadd.f32 v35, v63;
	v7 =	vsel vm1, v50, v7  }
0x34: {  	vm2 =	vgt.f32 v58, $0.0e+00;
	v42, v46, _ =	vpop (xrf1);
	(xrf1) =	vsort.dscd.msk.f32 $0xffff, v59, v27;
	v36 =	vadd.f32 v3, v56;
	v7 =	vmul.f32 $1.442695020e+00, v7  }
0x35: {  	v53 =	vld.idx.msk [tilespmem:v45+s17+$0x0], $0xffff;
	v27 =	vsel vm2, v58, v61;
	(xrf1) =	vsort.ascd.msk.f32 $0xffff, v62, v22;
	v22, v33, _ =	vpop (xrf1);
	(erf) = vpow2.f32 v8;
	v54 =	vmul.f32 $9.999999770e-03, v63  }
0x36: {  	v55 =	vld.idx.msk [tilespmem:v28+s15+$0x0], $0xffff;
	vm1 =	vgt.f32 v63, $0.0e+00;
	v56 =	vpop (erf);
	(erf) = vpow2.f32 v7;
	v7 =	vmul.f32 $9.999999770e-03, v36  }
0x37: {  	v58 =	vld.idx.msk [tilespmem:v34+s15+$0x0], $0xffff;
	v2 =	vadd.f32 v3, v2;
	v3 =	vmul.f32 $1.442695020e+00, v27;
	v38, v45, _ =	vpop (xrf1);
	v35 =	vsel vm1, v63, v54  }
0x38: {  	(xrf1) =	vsort.dscd.msk.f32 $0xffff, v43, v31;
	v43 =	vpop (erf);
	vm1 =	vgt.f32 v36, $0.0e+00;
	v35 =	vmul.f32 $1.442695020e+00, v35  }
0x39: {  	v59 =	vmul.f32 $9.999999770e-03, v2;
	v60 =	vpop (erf);
	(erf) = vpow2.f32 v3;
	v3 =	vsel vm1, v36, v7  }
0x3a: {  	(xrf1) =	vsort.dscd.msk.f32 $0xffff, v56, v40;
	vm2 =	vgt.f32 v2, $0.0e+00;
	v3 =	vmul.f32 $1.442695020e+00, v3;
	v7 =	vpop (erf)  }
0x3b: {  	v2 =	vsel vm2, v2, v59;
	v27, v36, _ =	vpop (xrf1);
	(xrf1) =	vsort.dscd.msk.f32 $0xffff, v7, v32;
	v7 =	vadd.f32 v53, v55  }
0x3c: {  	v8 =	vadd.f32 v53, v58;
	(erf) = vpow2.f32 v35;
	v2 =	vmul.f32 $1.442695020e+00, v2  }
0x3d: {  	(erf) = vpow2.f32 v3;
	v32, v35, _ =	vpop (xrf1);
	(xrf1) =	vsort.ascd.msk.f32 $0xffff, v60, v25;
	v61 =	vmul.f32 $9.999999770e-03, v7  }
0x3e: {  	v3 =	vpop (erf);
	(erf) = vpow2.f32 v2;
	v2 =	vmul.f32 $9.999999770e-03, v8  }
0x3f: {  	vm2 =	vgt.f32 v8, $0.0e+00;
	v25, v31, _ =	vpop (xrf1);
	vm1 =	vgt.f32 v7, $0.0e+00  }
0x40: {  	v47, v48, _ =	vpop (xrf1);
	v7 =	vsel vm1, v7, v61;
	v2 =	vsel vm2, v8, v2  }
0x41: {  	v56 =	vpop (erf);
	v7 =	vmul.f32 $1.442695020e+00, v7;
	v2 =	vmul.f32 $1.442695020e+00, v2  }
0x42: {  	[tilespmem:v5+s19+$0x0] =	vst.idx.msk $0xff, v41;
	v63, v62, _ =	vpop (xrf1)  }
0x43: {  	[tilespmem:v9+s18+$0x0] =	vst.idx.msk $0xff, v26;
	v60 =	vpop (erf)  }
0x44: {  	[tilespmem:v9+s19+$0x0] =	vst.idx.msk $0xff, v24;
	v59, v58, _ =	vpop (xrf1);
	(xrf1) =	vsort.ascd.msk.f32 $0xffff, v3, v19;
	(erf) = vpow2.f32 v7  }
0x45: {  	[tilespmem:v10+s18+$0x0] =	vst.idx.msk $0xff, v39;
	(erf) = vpow2.f32 v2;
	v2 =	vpop (erf)  }
0x46: {  	[tilespmem:v10+s19+$0x0] =	vst.idx.msk $0xff, v57;
	(xrf1) =	vsort.dscd.msk.f32 $0xffff, v56, v17;
	v3, v7, _ =	vpop (xrf1)  }
0x47: {  	v61 =	vsel vm0, v63, v38;
	v62 =	vsel vm0, v62, v45;
	(xrf1) =	vsort.ascd.msk.f32 $0xffff, v60, v23;
	v63 =	vpop (erf)  }
0x48: {  	[tilespmem:v12+s18+$0x0] =	vst.idx.msk $0xff, v42;
	(xrf1) =	vsort.dscd.msk.f32 $0xffff, v61, v62;
	v38 =	vpop (erf)  }
0x49: {  	[tilespmem:v12+s19+$0x0] =	vst.idx.msk $0xff, v46;
	(xrf1) =	vsort.ascd.msk.f32 $0xffff, v43, v37;
	v45, v43, _ =	vpop (xrf1)  }
0x4a: {  	[tilespmem:v11+s18+$0x0] =	vst.idx.msk $0xff, v22;
	(xrf1) =	vsort.ascd.msk.f32 $0xffff, v63, v1;
	v1, v19, _ =	vpop (xrf1)  }
0x4b: {  	[tilespmem:v11+s19+$0x0] =	vst.idx.msk $0xff, v33;
	(xrf1) =	vsort.dscd.msk.f32 $0xffff, v38, v52;
	v50, v49, _ =	vpop (xrf1)  }
0x4c: {  	[tilespmem:v6+s18+$0x0] =	vst.idx.msk $0xff, v27;
	(xrf1) =	vsort.dscd.msk.f32 $0xffff, v2, v44;
	v2 =	vsel vm0, v45, v50  }
0x4d: {  	[tilespmem:v6+s19+$0x0] =	vst.idx.msk $0xff, v36  }
0x4e: {  	[tilespmem:v13+s18+$0x0] =	vst.idx.msk $0xff, v32;
	v52 =	vsel vm0, v43, v49  }
0x4f: {  	[tilespmem:v13+s19+$0x0] =	vst.idx.msk $0xff, v35;
	(xrf1) =	vsort.dscd.msk.f32 $0xffff, v2, v52;
	v2 =	vpop (erf)  }
0x50: {  	v13 =	vld [tilespmem:$0x1FF40];
	v5 =	vpop (erf)  }
0x51: {  	(xrf1) =	vsort.dscd.msk.f32 $0xffff, v2, v28  }
0x52: {  	(xrf1) =	vsort.ascd.msk.f32 $0xffff, v5, v34;
	v2, v5, _ =	vpop (xrf1)  }
0x53: {  	v1 =	vsel vm0, v1, v2;
	v2 =	vsel vm0, v19, v5  }
0x54: {  	v53, v54, _ =	vpop (xrf1)  }
0x55: {  	v5, v55, _ =	vpop (xrf1)  }
0x56: {  	v5 =	vsel vm0, v53, v5  }
0x57: {  	(xrf1) =	vsort.dscd.msk.f32 $0xffff, v1, v2;
	v1, v2, _ =	vpop (xrf1)  }
0x58: {  	[tilespmem:v13+s18+$0x0] =	vst.idx.msk $0xff, v25;
	v56 =	vsel vm0, v54, v55;
	v9, v10, _ =	vpop (xrf1)  }
0x59: {  	v7 =	vsel vm0, v7, v58;
	v61 =	vld [tilespmem:$0x1FF30];
	(xrf1) =	vsort.dscd.msk.f32 $0xffff, v5, v56;
	v5, v8, _ =	vpop (xrf1)  }
0x5a: {  	v3 =	vsel vm0, v3, v59;
	v58, v57, _ =	vpop (xrf1)  }
0x5b: {  	(xrf1) =	vsort.dscd.msk.f32 $0xffff, v3, v7;
	v3 =	vsel vm0, v58, v5;
	_ =	sdelay $0x1  }
0x5c: {  	v5, v7, _ =	vpop (xrf1);
	v8 =	vsel vm0, v57, v8  }
0x5d: {  	(xrf1) =	vsort.dscd.msk.f32 $0xffff, v3, v8;
	v3, v6, _ =	vpop (xrf1)  }
0x5e: {  	v5 =	vsel vm0, v5, v9;
	v7 =	vsel vm0, v7, v10;
	v60, v59, _ =	vpop (xrf1)  }
0x5f: {  	[tilespmem:v13+s19+$0x0] =	vst.idx.msk $0xff, v31;
	(xrf1) =	vsort.dscd.msk.f32 $0xffff, v5, v7;
	v62, v63, _ =	vpop (xrf1)  }
0x60: {  	[tilespmem:v61+s18+$0x0] =	vst.idx.msk $0xff, v47;
	v10 =	vsel vm0, v59, v63;
	v5 =	vsel vm0, v60, v62  }
0x61: {  	[tilespmem:v61+s19+$0x0] =	vst.idx.msk $0xff, v48;
	(xrf1) =	vsort.dscd.msk.f32 $0xffff, v5, v10  }
0x62: {  	[tilespmem:v21+s18+$0x0] =	vst.idx.msk $0xff, v1  }
0x63: {  	[tilespmem:v21+s19+$0x0] =	vst.idx.msk $0xff, v2  }
0x64: {  	[tilespmem:v20+s18+$0x0] =	vst.idx.msk $0xff, v3  }
0x65: {  	[tilespmem:v20+s19+$0x0] =	vst.idx.msk $0xff, v6;
	v1, v2, _ =	vpop (xrf1)  }
0x66: {  	[tilespmem:v18+s18+$0x0] =	vst.idx.msk $0xff, v1  }
0x67: {  	[tilespmem:v18+s19+$0x0] =	vst.idx.msk $0xff, v2;
	v1, v2, _ =	vpop (xrf1)  }
0x68: {  	[tilespmem:v15+s18+$0x0] =	vst.idx.msk $0xff, v1  }
0x69: {  	v1, v3, _ =	vpop (xrf1);
	[tilespmem:v15+s19+$0x0] =	vst.idx.msk $0xff, v2  }
0x6a: {  	[tilespmem:v14+s18+$0x0] =	vst.idx.msk $0xff, v1  }
0x6b: {  	[tilespmem:v14+s19+$0x0] =	vst.idx.msk $0xff, v3;
	v1, v2, _ =	vpop (xrf1)  }
0x6c: {  	[tilespmem:v16+s18+$0x0] =	vst.idx.msk $0xff, v1  }
0x6d: {  	[tilespmem:v16+s19+$0x0] =	vst.idx.msk $0xff, v2;
	v1, v2, _ =	vpop (xrf1)  }
0x6e: {  	[tilespmem:v30+s18+$0x0] =	vst.idx.msk $0xff, v1  }
0x6f: {  	[tilespmem:v30+s19+$0x0] =	vst.idx.msk $0xff, v2;
	v1, v3, _ =	vpop (xrf1)  }
0x70: {  	[tilespmem:v29+s18+$0x0] =	vst.idx.msk $0xff, v1  }
0x71: {  	[tilespmem:v29+s19+$0x0] =	vst.idx.msk $0xff, v3  }
0x72: {  	[hbm4b:s12+s2] =	stream.linear.scatter [tilespmem:s18], [sflag:$0x1], $0x400, $0x38;
	[tilespmem:$0x6780] =	vst v63  }
0x73: {  	_ =	swait.ge [sflag:s16], $0x400  }
0x74: {  	[sflag:s16] =	ssyncset.done $0x0  }
0x75: {  	[sflag:s16] =	ssyncadd.s32 $0xFFFFFC00  }
0x76: {  	[hbm4b:s13+s2] =	stream.linear.scatter [tilespmem:s19], [sflag:$0x1], $0x400, $0x38;
	[tilespmem:$0x6780] =	vst v63  }
0x77: {  	_ =	swait.ge [sflag:s16], $0x400  }
0x78: {  	[sflag:s16] =	ssyncset.done $0x0  }
0x79: {  	[sflag:s16] =	ssyncadd.s32 $0xFFFFFC00  }
.LBB2_9:
0x7a: {  	s20 =	sadd.s32 $0x1, s20  }
0x7b: {  	p1 =	sne.s32 s20, s14  }
.Ltmp1:
0x7c: {  	_ = 	snop;
	(pc) =	sbr.rel @!p1 .LBB2_10-.Ltmp1, $2  }
0x7d: {  	_ =	sdelay $0x2  }
0x7e: {  	v1 =	vld [tilespmem:$0x1FFE0]  }
.LBB2_1:
0x7f: {  	[tilespmem:s15], [sflag:$0x1] =	stream.linear.gather [hbm4b:s4+s2], $0x2710, $0x38;
	[tilespmem:$0x6780] =	vst v63  }
0x80: {  	_ =	swait.ge [sflag:s16], $0x2710  }
0x81: {  	[sflag:s16] =	ssyncset.done $0x0  }
0x82: {  	[sflag:s16] =	ssyncadd.s32 $0xFFFFD8F0  }
0x83: {  	[tilespmem:s17], [sflag:$0x1] =	stream.linear.gather [hbm4b:s3+s2], $0x2800, $0x38;
	[tilespmem:$0x6780] =	vst v63  }
0x84: {  	_ =	swait.ge [sflag:s16], $0x2800  }
0x85: {  	v2 =	vor.u32 s2, v0;
	[sflag:s16] =	ssyncset.done $0x0  }
0x86: {  	[tilespmem:$0x1FFB0] =	vst v2;
	[sflag:s16] =	ssyncadd.s32 $0xFFFFD800  }
0x87: {  	v5 =	vor.u32 s2, v4;
	[tilespmem:s2], [sflag:$0x1] =	stream.linear.gather [hbm4b:s5+s2], $0x1000, $0x38;
	[tilespmem:$0x6780] =	vst v63  }
0x88: {  	_ =	swait.ge [sflag:s16], $0x1000  }
0x89: {  	[sflag:s16] =	ssyncset.done $0x0  }
0x8a: {  	s21 =	simm.s32 $0x7;
	v6 =	vor.u32 s2, v1;
	[sflag:s16] =	ssyncadd.s32 $0xFFFFF000  }
0x8b: {  	s22 =	simm.s32 $0x1;
	v21 =	vor.u32 s21, v0;
	v7 =	vld.idx.msk [tilespmem:v2+s2+$0x0], $0xffff  }
0x8c: {  	v27 =	vor.u32 s22, v0;
	v9 =	vld.idx.msk [tilespmem:v5+s2+$0x0], $0xffff  }
0x8d: {  	v2 =	vor.u32 s21, v4;
	_ =	sdelay $0x1  }
0x8e: {  	v6 =	vld.idx.msk [tilespmem:v6+s17+$0x0], $0xffff  }
0x8f: {  	s23 =	simm.s32 $0x2;
	v11 =	vor.u32 s21, v1;
	v30 =	vld.idx.msk [tilespmem:v21+s2+$0x0], $0xffff  }
0x90: {  	s29 =	simm.s32 $0x3;
	v5 =	vmov v1;
	v1 =	vor.u32 s23, v4;
	v8 =	vld.idx.msk [tilespmem:v27+s2+$0x0], $0xffff  }
0x91: {  	v14 =	vor.u32 s29, v4;
	v23 =	vld.idx.msk [tilespmem:v2+s2+$0x0], $0xffff  }
0x92: {  	v16 =	vor.u32 s29, v5;
	v2 =	vor.u32 s29, v0;
	v10 =	vld.idx.msk [tilespmem:v7+s15+$0x0], $0xffff  }
0x93: {  	v12 =	vld.idx.msk [tilespmem:v9+s15+$0x0], $0xffff;
	[tilespmem:$0x1FFC0] =	vst v2  }
0x94: {  	v17 =	vor.u32 s22, v5;
	v24 =	vld.idx.msk [tilespmem:v11+s17+$0x0], $0xffff  }
0x95: {  	s30 =	simm.s32 $0x5;
	v13 =	vld.idx.msk [tilespmem:v1+s2+$0x0], $0xffff  }
0x96: {  	v20 =	vor.u32 s30, v0;
	v22 =	vld.idx.msk [tilespmem:v14+s2+$0x0], $0xffff  }
0x97: {  	v36 =	vor.u32 s30, v5;
	v29 =	vld.idx.msk [tilespmem:v16+s17+$0x0], $0xffff  }
0x98: {  	v25 =	vld.idx.msk [tilespmem:v30+s15+$0x0], $0xffff  }
0x99: {  	v1 =	vor.u32 s22, v4;
	v31 =	vld.idx.msk [tilespmem:v17+s17+$0x0], $0xffff  }
0x9a: {  	v35 =	vld.idx.msk [tilespmem:v8+s15+$0x0], $0xffff  }
0x9b: {  	v26 =	vor.u32 s30, v4;
	v17 =	vld.idx.msk [tilespmem:v20+s2+$0x0], $0xffff  }
0x9c: {  	v16 =	vor.u32 s23, v5;
	v36 =	vld.idx.msk [tilespmem:v36+s17+$0x0], $0xffff  }
0x9d: {  	s31 =	simm.s32 $0x4;
	v19 =	vld.idx.msk [tilespmem:v23+s15+$0x0], $0xffff  }
0x9e: {  	v28 =	vor.u32 s31, v0;
	v11 =	vld.idx.msk [tilespmem:v1+s2+$0x0], $0xffff  }
0x9f: {  	s24 =	simm.s32 $0x6;
	v33 =	vor.u32 s31, v4;
	v14 =	vld.idx.msk [tilespmem:v2+s2+$0x0], $0xffff;
	v34 =	vadd.f32 v6, v12;
	v6 =	vadd.f32 v6, v10  }
0xa0: {  	v38 =	vor.u32 s24, v4;
	v40 =	vor.u32 s31, v5;
	v10 =	vor.u32 s24, v5;
	v12 =	vld.idx.msk [tilespmem:v26+s2+$0x0], $0xffff  }
0xa1: {  	v1 =	vor.u32 s23, v0;
	v16 =	vld.idx.msk [tilespmem:v16+s17+$0x0], $0xffff;
	v39 =	vmul.f32 $9.999999770e-03, v6;
	v41 =	vmul.f32 $9.999999770e-03, v34  }
0xa2: {  	v35 =	vadd.f32 v31, v35;
	vm1 =	vgt.f32 v34, $0.0e+00;
	vm2 =	vgt.f32 v6, $0.0e+00;
	v32 =	vld.idx.msk [tilespmem:v13+s15+$0x0], $0xffff  }
0xa3: {  	v6 =	vsel vm2, v6, v39;
	v55 =	vsel vm1, v34, v41;
	v56 =	vld.idx.msk [tilespmem:v22+s15+$0x0], $0xffff;
	v37 =	vadd.f32 v24, v19  }
0xa4: {  	v34 =	vor.u32 s24, v0;
	v57 =	vld.idx.msk [tilespmem:v17+s15+$0x0], $0xffff;
	s24 =	simm.s32 $0x8;
	v6 =	vmul.f32 $1.442695020e+00, v6;
	v24 =	vadd.f32 v24, v25  }
0xa5: {  	v19 =	vld.idx.msk [tilespmem:v28+s2+$0x0], $0xffff;
	v2 =	vor.u32 s24, v0;
	v62 =	vor.u32 s24, v4;
	v26 =	vmul.f32 $9.999999770e-03, v37  }
0xa6: {  	vm2 =	vgt.f32 v37, $0.0e+00;
	(erf) = vpow2.f32 v6;
	v6 =	vmul.f32 $9.999999770e-03, v24;
	v54 =	vld.idx.msk [tilespmem:v11+s15+$0x0], $0xffff  }
0xa7: {  	vm1 =	vgt.f32 v24, $0.0e+00;
	v25 =	vsel vm2, v37, v26;
	v26 =	vld.idx.msk [tilespmem:v33+s2+$0x0], $0xffff;
	v41 =	vadd.f32 v16, v32  }
0xa8: {  	v40 =	vld.idx.msk [tilespmem:v40+s17+$0x0], $0xffff;
	v6 =	vsel vm1, v24, v6;
	v24 =	vmul.f32 $9.999999770e-03, v35;
	v25 =	vmul.f32 $1.442695020e+00, v25  }
0xa9: {  	v46 =	vld.idx.msk [tilespmem:v14+s15+$0x0], $0xffff;
	vm2 =	vgt.f32 v35, $0.0e+00;
	v60 =	vadd.f32 v36, v57;
	v6 =	vmul.f32 $1.442695020e+00, v6  }
0xaa: {  	v43 =	vld.idx.msk [tilespmem:v12+s15+$0x0], $0xffff;
	v42 =	vmul.f32 $9.999999770e-03, v41;
	v24 =	vsel vm2, v35, v24;
	(erf) = vpow2.f32 v25  }
0xab: {  	v25 =	vld.idx.msk [tilespmem:v34+s2+$0x0], $0xffff;
	v45 =	vmul.f32 $1.442695020e+00, v24;
	v24 =	vmul.f32 $1.442695020e+00, v55;
	v31 =	vadd.f32 v31, v54  }
0xac: {  	v37 =	vadd.f32 v29, v56;
	v32 =	vld.idx.msk [tilespmem:v38+s2+$0x0], $0xffff;
	v47 =	vmul.f32 $9.999999770e-03, v60;
	(erf) = vpow2.f32 v6  }
0xad: {  	v33 =	vor.u32 s24, v5;
	v44 =	vld.idx.msk [tilespmem:v19+s15+$0x0], $0xffff;
	(erf) = vpow2.f32 v24;
	v58 =	vmul.f32 $9.999999770e-03, v31  }
0xae: {  	v61 =	vmul.f32 $9.999999770e-03, v37;
	vm3 =	vgt.f32 v60, $0.0e+00;
	vm2 =	vgt.f32 v31, $0.0e+00  }
0xaf: {  	v47 =	vsel vm3, v60, v47;
	v59 =	vld.idx.msk [tilespmem:v26+s15+$0x0], $0xffff;
	v31 =	vsel vm2, v31, v58;
	vm2 =	vgt.f32 v37, $0.0e+00  }
0xb0: {  	v36 =	vadd.f32 v36, v43;
	v53 =	vmul.f32 $1.442695020e+00, v47;
	v37 =	vsel vm2, v37, v61  }
0xb1: {  	v10 =	vld.idx.msk [tilespmem:v10+s17+$0x0], $0xffff;
	v46 =	vadd.f32 v29, v46;
	(erf) = vpow2.f32 v45;
	v37 =	vmul.f32 $1.442695020e+00, v37  }
0xb2: {  	v24 =	vld.idx.msk [tilespmem:v1+s2+$0x0], $0xffff;
	v48 =	vmul.f32 $9.999999770e-03, v36;
	v44 =	vadd.f32 v40, v44;
	v31 =	vmul.f32 $1.442695020e+00, v31  }
0xb3: {  	v35 =	vpop (erf);
	v58 =	vmul.f32 $9.999999770e-03, v46;
	vm2 =	vgt.f32 v36, $0.0e+00;
	v63 =	vld.idx.msk [tilespmem:v25+s15+$0x0], $0xffff;
	[tilespmem:$0x1FF80] =	vst v2;
	(erf) = vpow2.f32 v37  }
0xb4: {  	vm4 =	vgt.f32 v44, $0.0e+00;
	v54 =	vpop (erf);
	v55 =	vld.idx.msk [tilespmem:v32+s15+$0x0], $0xffff;
	v38 =	vadd.f32 v40, v59;
	(erf) = vpow2.f32 v31  }
0xb5: {  	v56 =	vmul.f32 $9.999999770e-03, v44;
	v36 =	vsel vm2, v36, v48;
	v6 =	vld.idx.msk [tilespmem:v2+s2+$0x0], $0xffff;
	(xrf1) =	vsort.ascd.msk.f32 $0xffff, v54, v23;
	v23 =	vpop (erf);
	(erf) = vpow2.f32 v53  }
0xb6: {  	s25 =	simm.s32 $0xF;
	s28 =	simm.s32 $0xB;
	vm2 =	vgt.f32 v46, $0.0e+00;
	(xrf1) =	vsort.dscd.msk.f32 $0xffff, v23, v30;
	v23 =	vmul.f32 $1.442695020e+00, v36;
	v59 =	vpop (erf);
	v31 =	vmul.f32 $9.999999770e-03, v38  }
0xb7: {  	v29 =	vld.idx.msk [tilespmem:v62+s2+$0x0], $0xffff;
	vm3 =	vgt.f32 v38, $0.0e+00;
	(xrf1) =	vsort.ascd.msk.f32 $0xffff, v59, v9;
	v9 =	vor.u32 s25, v0;
	v53 =	vor.u32 s28, v4  }
0xb8: {  	v57 =	vadd.f32 v10, v63;
	(erf) = vpow2.f32 v23;
	v30 =	vsel vm3, v38, v31  }
0xb9: {  	v31 =	vor.u32 s25, v4;
	v60 =	vadd.f32 v10, v55;
	v10 =	vsel vm4, v44, v56  }
0xba: {  	s26 =	simm.s32 $0x9;
	v23 =	vld.idx.msk [tilespmem:v24+s15+$0x0], $0xffff;
	v38 =	vsel vm2, v46, v58;
	v30 =	vmul.f32 $1.442695020e+00, v30;
	v62 =	vmul.f32 $1.442695020e+00, v10  }
0xbb: {  	v52 =	vpop (erf);
	(xrf1) =	vsort.dscd.msk.f32 $0xffff, v35, v7;
	v61 =	vmul.f32 $9.999999770e-03, v57;
	v10 =	vor.u32 s26, v0;
	v7 =	vmul.f32 $9.999999770e-03, v60  }
0xbc: {  	v49 =	vld.idx.msk [tilespmem:v33+s17+$0x0], $0xffff;
	v38 =	vmul.f32 $1.442695020e+00, v38;
	vm2 =	vgt.f32 v60, $0.0e+00;
	(erf) = vpow2.f32 v62;
	v45 =	vpop (erf)  }
0xbd: {  	vm3 =	vgt.f32 v57, $0.0e+00;
	v63 =	vld.idx.msk [tilespmem:v6+s15+$0x0], $0xffff;
	v7 =	vsel vm2, v60, v7;
	(erf) = vpow2.f32 v30;
	v55 =	vpop (erf)  }
0xbe: {  	(xrf1) =	vsort.dscd.msk.f32 $0xffff, v52, v8;
	v36 =	vsel vm3, v57, v61;
	v57 =	vor.u32 s28, v5;
	v31 =	vld.idx.msk [tilespmem:v31+s2+$0x0], $0xffff;
	v40 =	vmul.f32 $1.442695020e+00, v7;
	v8 =	vpop (erf)  }
0xbf: {  	s29 =	simm.s32 $0xA;
	v54 =	vor.u32 s25, v5;
	v39 =	vld.idx.msk [tilespmem:v29+s15+$0x0], $0xffff;
	v23 =	vadd.f32 v16, v23;
	(erf) = vpow2.f32 v38;
	(xrf1) =	vsort.dscd.msk.f32 $0xffff, v8, v17  }
0xc0: {  	v56 =	vor.u32 s29, v4;
	v16 =	vmul.f32 $1.442695020e+00, v36;
	v30 =	vld.idx.msk [tilespmem:v9+s2+$0x0], $0xffff;
	(erf) = vpow2.f32 v40;
	(xrf1) =	vsort.ascd.msk.f32 $0xffff, v55, v11  }
0xc1: {  	vm1 =	vgt.f32 v41, $0.0e+00;
	v2 =	vor.u32 s29, v0;
	v37 =	vld.idx.msk [tilespmem:v10+s2+$0x0], $0xffff;
	v59 =	vmul.f32 $9.999999770e-03, v23  }
0xc2: {  	v17 =	vld.idx.msk [tilespmem:v53+s2+$0x0], $0xffff;
	v58 =	vpop (erf);
	v11 =	vsel vm1, v41, v42;
	(erf) = vpow2.f32 v16;
	vm1 =	vgt.f32 v23, $0.0e+00  }
0xc3: {  	v33 =	vld.idx.msk [tilespmem:v57+s17+$0x0], $0xffff;
	v44, v46, _ =	vpop (xrf1);
	(xrf1) =	vsort.ascd.msk.f32 $0xffff, v58, v12;
	v12 =	vsel vm1, v23, v59  }
0xc4: {  	v3 =	vor.u32 s28, v0;
	v41 =	vld.idx.msk [tilespmem:v54+s17+$0x0], $0xffff;
	v50, v51, _ =	vpop (xrf1);
	v52 =	vmul.f32 $1.442695020e+00, v12  }
0xc5: {  	v47 =	vor.u32 s26, v4;
	v62 =	vor.u32 s26, v5;
	v61 =	vadd.f32 v49, v63;
	v16 =	vld.idx.msk [tilespmem:v56+s2+$0x0], $0xffff;
	v63 =	vpop (erf)  }
0xc6: {  	v60 =	vld.idx.msk [tilespmem:v31+s15+$0x0], $0xffff;
	[tilespmem:$0x1FF90] =	vst v2;
	(xrf1) =	vsort.dscd.msk.f32 $0xffff, v63, v19;
	(erf) = vpow2.f32 v52;
	v52 =	vsel vm0, v51, v46;
	v35 =	vpop (erf)  }
0xc7: {  	v56, v57, _ =	vpop (xrf1);
	v23 =	vld.idx.msk [tilespmem:v2+s2+$0x0], $0xffff;
	[tilespmem:$0x1FFA0] =	vst v3;
	(xrf1) =	vsort.ascd.msk.f32 $0xffff, v35, v26;
	v26 =	vsel vm0, v50, v44  }
0xc8: {  	v54 =	vor.u32 s29, v5;
	v42 =	vmul.f32 $1.442695020e+00, v11;
	v46 =	vld.idx.msk [tilespmem:v30+s15+$0x0], $0xffff;
	v58 =	vpop (erf);
	(xrf1) =	vsort.dscd.msk.f32 $0xffff, v26, v52  }
0xc9: {  	v55 =	vmul.f32 $9.999999770e-03, v61;
	v19 =	vld.idx.msk [tilespmem:v3+s2+$0x0], $0xffff;
	(xrf1) =	vsort.ascd.msk.f32 $0xffff, v45, v22;
	v22 =	vpop (erf)  }
0xca: {  	vm1 =	vgt.f32 v61, $0.0e+00;
	(erf) = vpow2.f32 v42;
	v3 =	vld.idx.msk [tilespmem:v47+s2+$0x0], $0xffff;
	v26, v44, _ =	vpop (xrf1)  }
0xcb: {  	s30 =	simm.s32 $0xC;
	v40 =	vsel vm1, v61, v55;
	v48 =	vld.idx.msk [tilespmem:v62+s17+$0x0], $0xffff;
	v61 =	vpop (erf);
	(xrf1) =	vsort.ascd.msk.f32 $0xffff, v22, v32  }
0xcc: {  	s25 =	simm.s32 $0xD;
	v39 =	vadd.f32 v49, v39;
	v11 =	vor.u32 s30, v0;
	v62 =	vld.idx.msk [tilespmem:v37+s15+$0x0], $0xffff;
	v63, v35, _ =	vpop (xrf1)  }
0xcd: {  	v53 =	vor.u32 s30, v4;
	v12 =	vor.u32 s25, v0;
	v51 =	vld.idx.msk [tilespmem:v54+s17+$0x0], $0xffff;
	(xrf1) =	vsort.dscd.msk.f32 $0xffff, v61, v25;
	v25 =	vadd.f32 v41, v46;
	v46, v47, _ =	vpop (xrf1)  }
0xce: {  	vm1 =	vgt.f32 v39, $0.0e+00;
	v40 =	vmul.f32 $1.442695020e+00, v40;
	v49 =	vld.idx.msk [tilespmem:v16+s15+$0x0], $0xffff;
	v59 =	vadd.f32 v41, v60;
	(xrf1) =	vsort.dscd.msk.f32 $0xffff, v58, v14;
	v14, v61, _ =	vpop (xrf1)  }
0xcf: {  	v50 =	vor.u32 s25, v4;
	v22 =	vmul.f32 $9.999999770e-03, v39;
	v14 =	vsel vm0, v63, v14  }
0xd0: {  	(erf) = vpow2.f32 v40;
	v60 =	vmul.f32 $9.999999770e-03, v59;
	vm2 =	vgt.f32 v59, $0.0e+00  }
0xd1: {  	v7 =	vld.idx.msk [tilespmem:v11+s2+$0x0], $0xffff;
	v22 =	vsel vm1, v39, v22;
	v32 =	vadd.f32 v48, v62;
	v40 =	vsel vm0, v35, v61  }
0xd2: {  	v45 =	vor.u32 s25, v5;
	v59 =	vsel vm2, v59, v60;
	v58 =	vmul.f32 $9.999999770e-03, v25;
	v39 =	vld.idx.msk [tilespmem:v3+s15+$0x0], $0xffff;
	(xrf1) =	vsort.dscd.msk.f32 $0xffff, v14, v40;
	v14 =	vpop (erf)  }
0xd3: {  	v41 =	vld.idx.msk [tilespmem:v12+s2+$0x0], $0xffff;
	vm1 =	vgt.f32 v25, $0.0e+00;
	v49 =	vadd.f32 v51, v49;
	v60 =	vmul.f32 $1.442695020e+00, v59;
	v62 =	vpop (erf)  }
0xd4: {  	v43 =	vld.idx.msk [tilespmem:v50+s2+$0x0], $0xffff;
	v50 =	vor.u32 s30, v5;
	v63 =	vsel vm1, v25, v58;
	(xrf1) =	vsort.dscd.msk.f32 $0xffff, v14, v24;
	v14, v24, _ =	vpop (xrf1)  }
0xd5: {  	s31 =	simm.s32 $0xE;
	v25 =	vld.idx.msk [tilespmem:v53+s2+$0x0], $0xffff;
	v61 =	vmul.f32 $9.999999770e-03, v49;
	(erf) = vpow2.f32 v60;
	v24 =	vsel vm0, v47, v24;
	v35, v47, _ =	vpop (xrf1)  }
0xd6: {  	v54 =	vor.u32 s31, v4;
	v56 =	vsel vm0, v26, v56;
	(xrf1) =	vsort.ascd.msk.f32 $0xffff, v62, v13;
	v14 =	vsel vm0, v46, v14;
	v26, v62, _ =	vpop (xrf1)  }
0xd7: {  	v52 =	vld.idx.msk [tilespmem:v17+s15+$0x0], $0xffff;
	(xrf1) =	vsort.dscd.msk.f32 $0xffff, v14, v24;
	v14 =	vadd.f32 v48, v39;
	v46 =	vsel vm0, v35, v26;
	v26, v48, _ =	vpop (xrf1)  }
0xd8: {  	v44 =	vsel vm0, v44, v57;
	v45 =	vld.idx.msk [tilespmem:v45+s17+$0x0], $0xffff;
	vm2 =	vgt.f32 v49, $0.0e+00;
	v47 =	vsel vm0, v47, v62;
	v58, v59, _ =	vpop (xrf1)  }
0xd9: {  	v57 =	vld.idx.msk [tilespmem:v7+s15+$0x0], $0xffff;
	v60 =	vmul.f32 $9.999999770e-03, v32;
	v55 =	vmul.f32 $1.442695020e+00, v63;
	v63 =	vsel vm2, v49, v61;
	v61, v62, _ =	vpop (xrf1);
	(xrf1) =	vsort.dscd.msk.f32 $0xffff, v46, v47  }
0xda: {  	vm1 =	vgt.f32 v32, $0.0e+00;
	v50 =	vld.idx.msk [tilespmem:v50+s17+$0x0], $0xffff  }
0xdb: {  	v36 =	vor.u32 s31, v5;
	v13 =	vor.u32 s31, v0;
	v24 =	vsel vm1, v32, v60;
	v39 =	vld.idx.msk [tilespmem:v41+s15+$0x0], $0xffff  }
0xdc: {  	v52 =	vadd.f32 v33, v52;
	v22 =	vmul.f32 $1.442695020e+00, v22;
	v53 =	vmul.f32 $1.442695020e+00, v24;
	v24 =	vld.idx.msk [tilespmem:v54+s2+$0x0], $0xffff;
	v35, v54, _ =	vpop (xrf1)  }
0xdd: {  	(erf) = vpow2.f32 v55;
	v40 =	vpop (erf);
	v60 =	vmul.f32 $9.999999770e-03, v14;
	v47 =	vsel vm0, v35, v61;
	v61 =	vld.idx.msk [tilespmem:v25+s15+$0x0], $0xffff  }
0xde: {  	v49 =	vld.idx.msk [tilespmem:v43+s15+$0x0], $0xffff;
	(erf) = vpow2.f32 v22;
	v22 =	vmul.f32 $9.999999770e-03, v52;
	vm2 =	vgt.f32 v14, $0.0e+00;
	v42 =	vpop (erf)  }
0xdf: {  	v32 =	vmul.f32 $1.442695020e+00, v63;
	[tilespmem:v21+s18+$0x0] =	vst.idx.msk $0xff, v26;
	v14 =	vsel vm2, v14, v60;
	v15, v18, _ =	vpop (xrf1);
	(xrf1) =	vsort.ascd.msk.f32 $0xffff, v42, v31  }
0xe0: {  	v26 =	vld.idx.msk [tilespmem:v13+s2+$0x0], $0xffff;
	v39 =	vadd.f32 v45, v39;
	v35 =	vsel vm0, v54, v62;
	(xrf1) =	vsort.dscd.msk.f32 $0xffff, v56, v44  }
0xe1: {  	vm1 =	vgt.f32 v52, $0.0e+00;
	v54 =	vadd.f32 v50, v57;
	v15 =	vsel vm0, v15, v58;
	v56, v57, _ =	vpop (xrf1);
	(xrf1) =	vsort.dscd.msk.f32 $0xffff, v47, v35  }
0xe2: {  	[tilespmem:v21+s19+$0x0] =	vst.idx.msk $0xff, v48;
	v18 =	vsel vm0, v18, v59;
	v38 =	vmul.f32 $9.999999770e-03, v39;
	v50 =	vadd.f32 v50, v61  }
0xe3: {  	s26 =	simm.s32 $0x10;
	v45 =	vadd.f32 v45, v49;
	vm15 =	vgt.f32 v39, $0.0e+00;
	(xrf1) =	vsort.dscd.msk.f32 $0xffff, v15, v18;
	v15 =	vmul.f32 $9.999999770e-03, v54;
	v47, v49, _ =	vpop (xrf1)  }
0xe4: {  	v60 =	vld.idx.msk [tilespmem:v19+s15+$0x0], $0xffff;
	v63 =	vmul.f32 $1.442695020e+00, v14;
	v31 =	vor.u32 s26, v4;
	v58 =	vsel vm15, v39, v38;
	[tilespmem:v27+s18+$0x0] =	vst.idx.msk $0xff, v56;
	v39, v44, _ =	vpop (xrf1)  }
0xe5: {  	v55 =	vld.idx.msk [tilespmem:v23+s15+$0x0], $0xffff;
	v14 =	vor.u32 s26, v0;
	v62 =	vsel vm1, v52, v22;
	[tilespmem:v27+s19+$0x0] =	vst.idx.msk $0xff, v57;
	v18 =	vmul.f32 $9.999999770e-03, v50;
	v27, v42, _ =	vpop (xrf1)  }
0xe6: {  	v21 =	vld.idx.msk [tilespmem:v36+s17+$0x0], $0xffff;
	vm3 =	vgt.f32 v54, $0.0e+00;
	v38 =	vmul.f32 $9.999999770e-03, v45;
	vm1 =	vgt.f32 v50, $0.0e+00;
	[tilespmem:v20+s18+$0x0] =	vst.idx.msk $0xff, v27  }
0xe7: {  	vm2 =	vgt.f32 v45, $0.0e+00;
	v18 =	vsel vm1, v50, v18;
	v27 =	vsel vm3, v54, v15;
	[tilespmem:v20+s19+$0x0] =	vst.idx.msk $0xff, v42;
	v15, v50, _ =	vpop (xrf1)  }
0xe8: {  	(erf) = vpow2.f32 v53;
	v45 =	vsel vm2, v45, v38;
	v59 =	vld.idx.msk [tilespmem:v26+s15+$0x0], $0xffff;
	[tilespmem:v28+s18+$0x0] =	vst.idx.msk $0xff, v15  }
0xe9: {  	v53 =	vadd.f32 v33, v60;
	v33 =	vmul.f32 $1.442695020e+00, v62;
	v22 =	vld.idx.msk [tilespmem:v31+s2+$0x0], $0xffff;
	v45 =	vmul.f32 $1.442695020e+00, v45;
	[tilespmem:v28+s19+$0x0] =	vst.idx.msk $0xff, v50  }
0xea: {  	v36 =	vmul.f32 $1.442695020e+00, v58;
	v44 =	vsel vm0, v49, v44;
	v39 =	vsel vm0, v47, v39;
	v2 =	vld [tilespmem:$0x1FFB0]  }
0xeb: {  	v31 =	vld.idx.msk [tilespmem:v14+s2+$0x0], $0xffff;
	(erf) = vpow2.f32 v33;
	v56 =	vmul.f32 $1.442695020e+00, v18;
	(xrf1) =	vsort.dscd.msk.f32 $0xffff, v39, v44;
	v18 =	vpop (erf)  }
0xec: {  	v61 =	vld.idx.msk [tilespmem:v24+s15+$0x0], $0xffff;
	(erf) = vpow2.f32 v63;
	(xrf1) =	vsort.dscd.msk.f32 $0xffff, v18, v30;
	v30 =	vpop (erf)  }
0xed: {  	v46 =	vor.u32 s26, v5;
	v47 =	vadd.f32 v21, v59;
	(erf) = vpow2.f32 v36;
	v58, v59, _ =	vpop (xrf1)  }
0xee: {  	s29 =	simm.s32 $0x11;
	s26 =	simm.s32 $0x13;
	(xrf1) =	vsort.ascd.msk.f32 $0xffff, v30, v29;
	(erf) = vpow2.f32 v45;
	v30, v45, _ =	vpop (xrf1)  }
0xef: {  	s22 =	simm.s32 $0x16;
	v51 =	vadd.f32 v51, v55;
	v52 =	vor.u32 s29, v4;
	v62 =	vor.u32 s26, v4;
	v54, v48, _ =	vpop (xrf1)  }
0xf0: {  	s28 =	simm.s32 $0x17;
	vm2 =	vgt.f32 v53, $0.0e+00;
	v55 =	vmul.f32 $9.999999770e-03, v53;
	v33 =	vor.u32 s22, v5;
	[tilespmem:v34+s18+$0x0] =	vst.idx.msk $0xff, v54  }
0xf1: {  	s23 =	simm.s32 $0x14;
	v49 =	vor.u32 s22, v4;
	v57 =	vadd.f32 v21, v61;
	v18 =	vor.u32 s28, v4;
	v60 =	vld.idx.msk [tilespmem:v22+s15+$0x0], $0xffff;
	[tilespmem:v34+s19+$0x0] =	vst.idx.msk $0xff, v48  }
0xf2: {  	v39 =	vor.u32 s23, v4;
	v20 =	vor.u32 s29, v0;
	v27 =	vmul.f32 $1.442695020e+00, v27;
	v28 =	vld.idx.msk [tilespmem:v46+s17+$0x0], $0xffff;
	[tilespmem:v2+s18+$0x0] =	vst.idx.msk $0xff, v30  }
0xf3: {  	v53 =	vsel vm2, v53, v55;
	v42 =	vor.u32 s26, v5;
	v21 =	vor.u32 s28, v0;
	v61 =	vld.idx.msk [tilespmem:v31+s15+$0x0], $0xffff;
	[tilespmem:v2+s19+$0x0] =	vst.idx.msk $0xff, v45  }
0xf4: {  	v63 =	vor.u32 s28, v5;
	vm3 =	vgt.f32 v57, $0.0e+00;
	v35 =	vpop (erf);
	(erf) = vpow2.f32 v27;
	v2 =	vld [tilespmem:$0x1FFC0]  }
0xf5: {  	s30 =	simm.s32 $0x12;
	v15 =	vor.u32 s23, v0;
	vm1 =	vgt.f32 v47, $0.0e+00;
	v44 =	vmul.f32 $9.999999770e-03, v47  }
0xf6: {  	s31 =	simm.s32 $0x15;
	v29 =	vor.u32 s30, v0;
	v46 =	vor.u32 s30, v4;
	(xrf1) =	vsort.dscd.msk.f32 $0xffff, v40, v6;
	v36 =	vld.idx.msk [tilespmem:v18+s2+$0x0], $0xffff;
	v54 =	vpop (erf);
	v34 =	vmul.f32 $9.999999770e-03, v57  }
0xf7: {  	v50 =	vor.u32 s31, v4;
	(erf) = vpow2.f32 v56;
	v40 =	vld.idx.msk [tilespmem:v20+s2+$0x0], $0xffff;
	(xrf1) =	vsort.dscd.msk.f32 $0xffff, v35, v37;
	v38 =	vadd.f32 v28, v60;
	v55, v56, _ =	vpop (xrf1)  }
0xf8: {  	v37 =	vld.idx.msk [tilespmem:v62+s2+$0x0], $0xffff;
	v60 =	vadd.f32 v28, v61;
	v28 =	vmul.f32 $1.442695020e+00, v53;
	v61 =	vpop (erf);
	v34 =	vsel vm3, v57, v34  }
0xf9: {  	v44 =	vsel vm1, v47, v44;
	vm1 =	vgt.f32 v51, $0.0e+00;
	v27 =	vld.idx.msk [tilespmem:v21+s2+$0x0], $0xffff;
	v57 =	vpop (erf);
	v62 =	vmul.f32 $1.442695020e+00, v34  }
0xfa: {  	v47 =	vor.u32 s29, v5;
	v44 =	vmul.f32 $1.442695020e+00, v44;
	v18 =	vor.u32 s31, v0;
	v53 =	vld.idx.msk [tilespmem:v63+s17+$0x0], $0xffff;
	(xrf1) =	vsort.dscd.msk.f32 $0xffff, v57, v41;
	v35, v41, _ =	vpop (xrf1)  }
0xfb: {  	v6 =	vmovc v1;
	v48 =	vor.u32 s31, v5;
	(erf) = vpow2.f32 v28;
	v30 =	vor.u32 s26, v0;
	v34 =	vld.idx.msk [tilespmem:v46+s2+$0x0], $0xffff;
	[tilespmem:v1+s18+$0x0] =	vst.idx.msk $0xff, v35  }
0xfc: {  	v28 =	vpop (erf);
	v46 =	vmul.f32 $9.999999770e-03, v51;
	(xrf1) =	vsort.ascd.msk.f32 $0xffff, v61, v3;
	v35 =	vld.idx.msk [tilespmem:v42+s17+$0x0], $0xffff;
	[tilespmem:v2+s18+$0x0] =	vst.idx.msk $0xff, v55;
	v55 =	vmul.f32 $9.999999770e-03, v38  }
0xfd: {  	vm2 =	vgt.f32 v38, $0.0e+00;
	v63 =	vmul.f32 $9.999999770e-03, v60;
	v45 =	vor.u32 s30, v5;
	(xrf1) =	vsort.ascd.msk.f32 $0xffff, v28, v43;
	v28 =	vld.idx.msk [tilespmem:v29+s2+$0x0], $0xffff;
	v42 =	vpop (erf)  }
0xfe: {  	(erf) = vpow2.f32 v62;
	v43 =	vsel vm1, v51, v46;
	vm1 =	vgt.f32 v60, $0.0e+00;
	v57 =	vld.idx.msk [tilespmem:v36+s15+$0x0], $0xffff;
	v61, v62, _ =	vpop (xrf1)  }
0xff: {  	(erf) = vpow2.f32 v44;
	v60 =	vsel vm1, v60, v63;
	(xrf1) =	vsort.dscd.msk.f32 $0xffff, v42, v7;
	v58 =	vsel vm0, v61, v58  }
0x100: {  	s21 =	simm.s32 $0x18;
	v44 =	vld.idx.msk [tilespmem:v30+s2+$0x0], $0xffff;
	v59 =	vsel vm0, v62, v59;
	[tilespmem:v2+s19+$0x0] =	vst.idx.msk $0xff, v56;
	v51 =	vsel vm2, v38, v55;
	v55, v56, _ =	vpop (xrf1)  }
.LBB2_2:
0x101: {  	v1 =	vld [tilespmem:$0x1FF90];
	_ =	sdelay $0x4  }
0x102: {  	v61 =	vmul.f32 $1.442695020e+00, v43;
	[tilespmem:v6+s19+$0x0] =	vst.idx.msk $0xff, v41;
	v41 =	vld.idx.msk [tilespmem:v52+s2+$0x0], $0xffff;
	v38 =	vpop (erf);
	v6 =	vmov v1;
	v1 =	vmov v29  }
0x103: {  	(xrf1) =	vsort.ascd.msk.f32 $0xffff, v38, v25;
	[tilespmem:$0x1FF90] =	vst v1;
	v1 =	vld [tilespmem:$0x1FFA0]  }
0x104: {  	v52 =	vld.idx.msk [tilespmem:v34+s15+$0x0], $0xffff;
	(xrf1) =	vsort.dscd.msk.f32 $0xffff, v58, v59  }
0x105: {  	(erf) = vpow2.f32 v61;
	v42 =	vld.idx.msk [tilespmem:v27+s15+$0x0], $0xffff;
	v25 =	vadd.f32 v53, v57;
	(xrf1) =	vsort.ascd.msk.f32 $0xffff, v54, v17  }
0x106: {  	v46 =	vmov v31;
	(erf) = vpow2.f32 v32;
	v58 =	vor.u32 s23, v5;
	v61 =	vpop (erf);
	v29 =	vld.idx.msk [tilespmem:v45+s17+$0x0], $0xffff  }
0x107: {  	v31 =	vld.idx.msk [tilespmem:v47+s17+$0x0], $0xffff;
	v17 =	vmov v37;
	v54, v63, _ =	vpop (xrf1);
	vm1 =	vgt.f32 v25, $0.0e+00;
	v62 =	vmul.f32 $9.999999770e-03, v25  }
0x108: {  	v47 =	vld.idx.msk [tilespmem:v18+s2+$0x0], $0xffff;
	v56 =	vsel vm0, v63, v56;
	v38 =	vmov v1;
	v1 =	vmov v30;
	v30 =	vpop (erf)  }
0x109: {  	v37 =	vld.idx.msk [tilespmem:v40+s15+$0x0], $0xffff;
	v25 =	vsel vm1, v25, v62;
	[tilespmem:$0x1FFA0] =	vst v1;
	v1 =	vmul.f32 $1.442695020e+00, v60;
	v59 =	vpop (erf);
	(xrf1) =	vsort.ascd.msk.f32 $0xffff, v30, v24  }
0x10a: {  	v43 =	vmov v40;
	v54 =	vsel vm0, v54, v55;
	v45 =	vadd.f32 v53, v42;
	v30, v60, _ =	vpop (xrf1);
	(xrf1) =	vsort.dscd.msk.f32 $0xffff, v59, v26  }
0x10b: {  	v42 =	vld.idx.msk [tilespmem:v15+s2+$0x0], $0xffff;
	v52 =	vadd.f32 v29, v52;
	(erf) = vpow2.f32 v1;
	v1 =	vmul.f32 $1.442695020e+00, v25;
	(xrf1) =	vsort.dscd.msk.f32 $0xffff, v61, v19;
	v61, v53, _ =	vpop (xrf1)  }
0x10c: {  	vm1 =	vgt.f32 v45, $0.0e+00;
	v26 =	vmul.f32 $9.999999770e-03, v45;
	v19 =	vmov v44;
	v44 =	vld.idx.msk [tilespmem:v50+s2+$0x0], $0xffff;
	v25, v62, _ =	vpop (xrf1)  }
0x10d: {  	v50 =	vld.idx.msk [tilespmem:v41+s15+$0x0], $0xffff;
	(erf) = vpow2.f32 v1;
	v1 =	vsel vm0, v30, v25;
	v40 =	vsel vm0, v60, v62;
	v60, v63, _ =	vpop (xrf1)  }
0x10e: {  	v59 =	vadd.f32 v31, v37;
	v26 =	vsel vm1, v45, v26;
	v25 =	vld.idx.msk [tilespmem:v39+s2+$0x0], $0xffff;
	v30 =	vpop (erf);
	(xrf1) =	vsort.dscd.msk.f32 $0xffff, v1, v40  }
0x10f: {  	vm2 =	vgt.f32 v52, $0.0e+00;
	v2 =	vmul.f32 $9.999999770e-03, v52;
	v39 =	vld.idx.msk [tilespmem:v17+s15+$0x0], $0xffff;
	v32 =	vsel vm0, v61, v60;
	v61 =	vpop (erf);
	(xrf1) =	vsort.dscd.msk.f32 $0xffff, v30, v23  }
0x110: {  	vm1 =	vgt.f32 v59, $0.0e+00;
	v40 =	vor.u32 s22, v0;
	v23 =	vld.idx.msk [tilespmem:v48+s17+$0x0], $0xffff;
	v30 =	vsel vm0, v53, v63;
	v45, v48, _ =	vpop (xrf1);
	(xrf1) =	vsort.ascd.msk.f32 $0xffff, v61, v16  }
0x111: {  	v57 =	vld.idx.msk [tilespmem:v58+s17+$0x0], $0xffff;
	v1 =	vmul.f32 $9.999999770e-03, v59;
	v60 =	vmul.f32 $1.442695020e+00, v26;
	v26, v62, _ =	vpop (xrf1);
	v16 =	vmov v34;
	(xrf1) =	vsort.dscd.msk.f32 $0xffff, v32, v30  }
0x112: {  	s24 =	smov.u32 s21;
	v34 =	vld.idx.msk [tilespmem:v47+s15+$0x0], $0xffff;
	v30 =	vadd.f32 v31, v50;
	v45 =	vsel vm0, v45, v26;
	v26, v63, _ =	vpop (xrf1);
	v48 =	vsel vm0, v48, v62  }
0x113: {  	s29 =	sadd.s32 $0x2, s24;
	v31 =	vsel vm1, v59, v1;
	v59 =	vsel vm2, v52, v2;
	v52, v53, _ =	vpop (xrf1);
	(xrf1) =	vsort.dscd.msk.f32 $0xffff, v45, v48;
	v48 =	vld.idx.msk [tilespmem:v19+s15+$0x0], $0xffff  }
0x114: {  	v3 =	vor.u32 s29, v4;
	[tilespmem:v9+s18+$0x0] =	vst.idx.msk $0xff, v26;
	v31 =	vmul.f32 $1.442695020e+00, v31;
	v39 =	vadd.f32 v35, v39;
	v50 =	vld.idx.msk [tilespmem:v44+s15+$0x0], $0xffff  }
0x115: {  	v55 =	vor.u32 s24, v5;
	v58 =	vld.idx.msk [tilespmem:v42+s15+$0x0], $0xffff;
	v32 =	vmul.f32 $1.442695020e+00, v59;
	v62 =	vmul.f32 $9.999999770e-03, v30;
	[tilespmem:v9+s19+$0x0] =	vst.idx.msk $0xff, v63;
	v9 =	vmovc v21  }
0x116: {  	v26 =	vld.idx.msk [tilespmem:v40+s2+$0x0], $0xffff;
	v21 =	vmul.f32 $1.442695020e+00, v51;
	vm2 =	vgt.f32 v30, $0.0e+00;
	v37 =	vpop (erf);
	vm1 =	vgt.f32 v39, $0.0e+00  }
0x117: {  	v24 =	vld.idx.msk [tilespmem:v49+s2+$0x0], $0xffff;
	v30 =	vsel vm2, v30, v62;
	v59 =	vadd.f32 v23, v34;
	v61 =	vpop (erf);
	(erf) = vpow2.f32 v60  }
0x118: {  	v34 =	vor.u32 s24, v0;
	v30 =	vmul.f32 $1.442695020e+00, v30;
	(xrf1) =	vsort.ascd.msk.f32 $0xffff, v61, v36;
	v36 =	vld.idx.msk [tilespmem:v25+s15+$0x0], $0xffff;
	v63, v51, _ =	vpop (xrf1);
	(erf) = vpow2.f32 v21  }
0x119: {  	s26 =	sadd.s32 $0x7, s24;
	s28 =	sadd.s32 $0x5, s24;
	s25 =	sadd.s32 $0x1, s24;
	vm4 =	vgt.f32 v59, $0.0e+00;
	v35 =	vadd.f32 v35, v48;
	(xrf1) =	vsort.dscd.msk.f32 $0xffff, v54, v56;
	v54, v56, _ =	vpop (xrf1);
	v50 =	vadd.f32 v23, v50  }
0x11a: {  	s23 =	sadd.s32 $0x4, s24;
	s22 =	sadd.s32 $0x6, s24;
	v45 =	vld.idx.msk [tilespmem:v28+s15+$0x0], $0xffff;
	v23 =	vmovc v28;
	v28 =	vor.u32 s24, v4;
	(erf) = vpow2.f32 v31;
	s24 =	sadd.s32 $0x3, s24;
	v49 =	vsel vm0, v54, v63  }
0x11b: {  	v54, v60, _ =	vpop (xrf1);
	v1 =	vsel vm0, v56, v51;
	v56 =	vadd.f32 v57, v58;
	v2 =	vor.u32 s24, v5  }
0x11c: {  	v33 =	vld.idx.msk [tilespmem:v33+s17+$0x0], $0xffff;
	v52 =	vsel vm0, v54, v52;
	(xrf1) =	vsort.dscd.msk.f32 $0xffff, v49, v1;
	v49 =	vmul.f32 $9.999999770e-03, v59;
	vm3 =	vgt.f32 v50, $0.0e+00;
	v21, v51, _ =	vpop (xrf1)  }
0x11d: {  	v1 =	vmul.f32 $9.999999770e-03, v39;
	v31 =	vld.idx.msk [tilespmem:v34+s2+$0x0], $0xffff;
	v61 =	vmul.f32 $9.999999770e-03, v50;
	[tilespmem:v10+s18+$0x0] =	vst.idx.msk $0xff, v21;
	v21 =	vsel vm0, v60, v53;
	v53, v60, _ =	vpop (xrf1)  }
0x11e: {  	v58 =	vld.idx.msk [tilespmem:v26+s15+$0x0], $0xffff;
	v49 =	vsel vm4, v59, v49;
	v36 =	vadd.f32 v57, v36;
	[tilespmem:v10+s19+$0x0] =	vst.idx.msk $0xff, v51;
	v51, v10, _ =	vpop (xrf1)  }
0x11f: {  	vm2 =	vgt.f32 v56, $0.0e+00;
	v59 =	vld.idx.msk [tilespmem:v24+s15+$0x0], $0xffff;
	v49 =	vmul.f32 $1.442695020e+00, v49;
	v57 =	vsel vm0, v60, v10  }
0x120: {  	vm15 =	vgt.f32 v36, $0.0e+00;
	v10 =	vmovc v20;
	v60 =	vld.idx.msk [tilespmem:v28+s2+$0x0], $0xffff;
	v20 =	vsel vm1, v39, v1;
	v28 =	vadd.f32 v29, v45  }
0x121: {  	v7 =	vld [tilespmem:$0x1FF80];
	v63, v62, _ =	vpop (xrf1);
	(xrf1) =	vsort.dscd.msk.f32 $0xffff, v52, v21;
	v21 =	vmul.f32 $9.999999770e-03, v56;
	v52 =	vmul.f32 $9.999999770e-03, v36;
	v39 =	vsel vm3, v50, v61  }
0x122: {  	vm1 =	vgt.f32 v35, $0.0e+00;
	v45 =	vmul.f32 $9.999999770e-03, v35;
	v20 =	vmul.f32 $1.442695020e+00, v20  }
0x123: {  	v29 =	vpop (erf);
	v1 =	vor.u32 s26, v5;
	[tilespmem:v12+s18+$0x0] =	vst.idx.msk $0xff, v63;
	v48 =	vmul.f32 $1.442695020e+00, v39;
	v39 =	vsel vm0, v53, v51  }
0x124: {  	v51 =	vadd.f32 v33, v58;
	[tilespmem:v12+s19+$0x0] =	vst.idx.msk $0xff, v62;
	v12, v50, _ =	vpop (xrf1);
	v36 =	vsel vm15, v36, v52;
	(erf) = vpow2.f32 v20  }
0x125: {  	v59 =	vadd.f32 v33, v59;
	v33 =	vsel vm2, v56, v21;
	v21 =	vor.u32 s26, v0;
	[tilespmem:v11+s18+$0x0] =	vst.idx.msk $0xff, v12;
	v12 =	vpop (erf)  }
0x126: {  	v52 =	vor.u32 s25, v4;
	v53 =	vmul.f32 $1.442695020e+00, v36;
	vm2 =	vgt.f32 v51, $0.0e+00;
	v58, v61, _ =	vpop (xrf1);
	(xrf1) =	vsort.dscd.msk.f32 $0xffff, v39, v57  }
0x127: {  	v56 =	vmul.f32 $9.999999770e-03, v51;
	v36 =	vor.u32 s26, v4;
	v62 =	vpop (erf);
	(erf) = vpow2.f32 v30;
	(xrf1) =	vsort.dscd.msk.f32 $0xffff, v29, v27  }
0x128: {  	[tilespmem:v11+s19+$0x0] =	vst.idx.msk $0xff, v50;
	v11 =	vmov v15;
	v15 =	vor.u32 s23, v0;
	(erf) = vpow2.f32 v49;
	v57 =	vld.idx.msk [tilespmem:v31+s15+$0x0], $0xffff;
	v20, v27, _ =	vpop (xrf1)  }
0x129: {  	v30 =	vor.u32 s24, v0;
	vm3 =	vgt.f32 v59, $0.0e+00;
	v63 =	vld.idx.msk [tilespmem:v60+s15+$0x0], $0xffff;
	[tilespmem:v7+s18+$0x0] =	vst.idx.msk $0xff, v20;
	(xrf1) =	vsort.ascd.msk.f32 $0xffff, v12, v22  }
0x12a: {  	v50 =	vor.u32 s28, v4;
	v49 =	vmul.f32 $1.442695020e+00, v33;
	(erf) = vpow2.f32 v48;
	v55 =	vld.idx.msk [tilespmem:v55+s17+$0x0], $0xffff  }
0x12b: {  	v33 =	vor.u32 s22, v5;
	v39 =	vor.u32 s23, v4;
	v48 =	vor.u32 s28, v5;
	v12, v54, _ =	vpop (xrf1);
	[tilespmem:v7+s19+$0x0] =	vst.idx.msk $0xff, v27  }
0x12c: {  	v29 =	vor.u32 s29, v0;
	v20 =	vor.u32 s25, v0;
	v22 =	vmovc v60;
	v60 =	vor.u32 s24, v4;
	v7 =	vmovc v14;
	[tilespmem:v13+s18+$0x0] =	vst.idx.msk $0xff, v12  }
0x12d: {  	v36 =	vld.idx.msk [tilespmem:v36+s2+$0x0], $0xffff;
	v14 =	vmov v34;
	v34 =	vsel vm1, v35, v45;
	[tilespmem:v13+s19+$0x0] =	vst.idx.msk $0xff, v54;
	v54 =	vpop (erf);
	(erf) = vpow2.f32 v49  }
0x12e: {  	v27 =	vld.idx.msk [tilespmem:v21+s2+$0x0], $0xffff;
	v45 =	vor.u32 s29, v5;
	v12 =	vmovc v18;
	[tilespmem:$0x1FF80] =	vst v7;
	v18 =	vor.u32 s28, v0;
	v7 =	vmul.f32 $9.999999770e-03, v59  }
0x12f: {  	(xrf1) =	vsort.dscd.msk.f32 $0xffff, v37, v46;
	(erf) = vpow2.f32 v53;
	v53 =	vld.idx.msk [tilespmem:v1+s17+$0x0], $0xffff;
	v1 =	vmul.f32 $1.442695020e+00, v34;
	v46 =	vadd.f32 v55, v63;
	v37, v63, _ =	vpop (xrf1)  }
0x130: {  	v49 =	vor.u32 s22, v4;
	v59 =	vsel vm3, v59, v7;
	v55 =	vadd.f32 v55, v57;
	v57 =	vpop (erf);
	[tilespmem:v38+s18+$0x0] =	vst.idx.msk $0xff, v37  }
0x131: {  	(xrf1) =	vsort.dscd.msk.f32 $0xffff, v62, v43;
	v62 =	vmul.f32 $1.442695020e+00, v59;
	v34 =	vpop (erf);
	(erf) = vpow2.f32 v1;
	v37 =	vld.idx.msk [tilespmem:v60+s2+$0x0], $0xffff;
	v60 =	vsel vm2, v51, v56  }
0x132: {  	p1 =	slt.u32 s21, $0x78;
	v13 =	vmovc v40;
	v40 =	vld.idx.msk [tilespmem:v20+s2+$0x0], $0xffff;
	vm1 =	vgt.f32 v46, $0.0e+00;
	v8 =	vmul.f32 $9.999999770e-03, v46;
	vm2 =	vgt.f32 v28, $0.0e+00  }
.Ltmp2:
0x133: {  	(xrf1) =	vsort.dscd.msk.f32 $0xffff, v34, v47;
	v34 =	vld.idx.msk [tilespmem:v3+s2+$0x0], $0xffff;
	v3 =	vmul.f32 $9.999999770e-03, v28;
	v47 =	vor.u32 s25, v5;
	v1 =	vpop (erf);
	v51 =	vmul.f32 $1.442695020e+00, v60;
	(pc) =	sbr.rel @p1 .LBB2_2-.Ltmp2, $4  }
0x134: {  	v35 =	vld.idx.msk [tilespmem:v2+s17+$0x0], $0xffff;
	[tilespmem:v38+s19+$0x0] =	vst.idx.msk $0xff, v63;
	(xrf1) =	vsort.ascd.msk.f32 $0xffff, v57, v41;
	(erf) = vpow2.f32 v62;
	v62 =	vmul.f32 $9.999999770e-03, v55;
	v60, v41, _ =	vpop (xrf1)  }
0x135: {  	v57 =	vld.idx.msk [tilespmem:v36+s15+$0x0], $0xffff;
	v43 =	vsel vm2, v28, v3;
	vm2 =	vgt.f32 v55, $0.0e+00;
	(erf) = vpow2.f32 v51;
	(xrf1) =	vsort.ascd.msk.f32 $0xffff, v1, v44;
	v1, v7, _ =	vpop (xrf1)  }
0x136: {  	v51 =	vsel vm1, v46, v8;
	v44 =	vld.idx.msk [tilespmem:v30+s2+$0x0], $0xffff;
	[tilespmem:v6+s18+$0x0] =	vst.idx.msk $0xff, v60;
	v58 =	vsel vm0, v1, v58;
	v1 =	vpop (erf)  }
0x137: {  	s21 =	sadd.s32 $0x8, s21;
	v60 =	vsel vm2, v55, v62;
	v28 =	vld.idx.msk [tilespmem:v29+s2+$0x0], $0xffff;
	v59 =	vsel vm0, v7, v61;
	v55, v56, _ =	vpop (xrf1);
	(xrf1) =	vsort.dscd.msk.f32 $0xffff, v1, v42  }
0x138: {  	v1 =	vmul.f32 $1.442695020e+00, v43;
	_ =	sdelay $0x2  }
0x139: {  	v2 =	vpop (erf)  }
0x13a: {  	(xrf1) =	vsort.ascd.msk.f32 $0xffff, v2, v25;
	(erf) = vpow2.f32 v1;
	v1 =	vpop (erf)  }
0x13b: {  	v25 =	vld.idx.msk [tilespmem:v52+s2+$0x0], $0xffff;
	v2 =	vadd.f32 v53, v57;
	v3, v7, _ =	vpop (xrf1)  }
0x13c: {  	(erf) = vpow2.f32 v32;
	v8 =	vpop (erf)  }
0x13d: {  	(xrf1) =	vsort.dscd.msk.f32 $0xffff, v58, v59;
	v59 =	vmul.f32 $1.442695020e+00, v60;
	v42 =	vmul.f32 $9.999999770e-03, v2;
	v60 =	vpop (erf)  }
0x13e: {  	v38 =	vld.idx.msk [tilespmem:v27+s15+$0x0], $0xffff;
	(xrf1) =	vsort.ascd.msk.f32 $0xffff, v54, v17;
	vm1 =	vgt.f32 v2, $0.0e+00;
	v62, v61, _ =	vpop (xrf1)  }
0x13f: {  	v46 =	vld.idx.msk [tilespmem:v47+s17+$0x0], $0xffff;
	v2 =	vsel vm1, v2, v42;
	(xrf1) =	vsort.ascd.msk.f32 $0xffff, v8, v24;
	v8, v24, _ =	vpop (xrf1)  }
0x140: {  	v63 =	vld.idx.msk [tilespmem:v40+s15+$0x0], $0xffff;
	v2 =	vmul.f32 $1.442695020e+00, v2;
	(xrf1) =	vsort.dscd.msk.f32 $0xffff, v60, v26;
	v26, v57, _ =	vpop (xrf1)  }
0x141: {  	v32 =	vld.idx.msk [tilespmem:v18+s2+$0x0], $0xffff;
	(erf) = vpow2.f32 v59;
	(xrf1) =	vsort.dscd.msk.f32 $0xffff, v1, v19;
	v1 =	vsel vm0, v62, v26  }
0x142: {  	(erf) = vpow2.f32 v2;
	v19 =	vld.idx.msk [tilespmem:v50+s2+$0x0], $0xffff;
	v26 =	vsel vm0, v61, v57  }
0x143: {  	v58 =	vor.u32 s23, v5;
	v2 =	vadd.f32 v53, v38;
	(xrf1) =	vsort.dscd.msk.f32 $0xffff, v1, v26;
	v26 =	vld.idx.msk [tilespmem:v25+s15+$0x0], $0xffff  }
0x144: {  	v47 =	vld.idx.msk [tilespmem:v48+s17+$0x0], $0xffff;
	v1 =	vpop (erf)  }
0x145: {  	v17 =	vld.idx.msk [tilespmem:v15+s2+$0x0], $0xffff;
	v59 =	vpop (erf);
	(xrf1) =	vsort.dscd.msk.f32 $0xffff, v1, v23;
	v1 =	vmul.f32 $9.999999770e-03, v2  }
0x146: {  	v61 =	vld.idx.msk [tilespmem:v37+s15+$0x0], $0xffff;
	vm1 =	vgt.f32 v2, $0.0e+00;
	(xrf1) =	vsort.ascd.msk.f32 $0xffff, v59, v16;
	v16, v62, _ =	vpop (xrf1)  }
0x147: {  	v60 =	vadd.f32 v46, v63;
	v23 =	vld.idx.msk [tilespmem:v39+s2+$0x0], $0xffff;
	v1 =	vsel vm1, v2, v1;
	v2 =	vsel vm0, v8, v16;
	v8, v63, _ =	vpop (xrf1)  }
0x148: {  	v42 =	vld.idx.msk [tilespmem:v58+s17+$0x0], $0xffff;
	v24 =	vsel vm0, v24, v62;
	v46 =	vadd.f32 v46, v26;
	v26, v58, _ =	vpop (xrf1)  }
0x149: {  	v57 =	vmul.f32 $9.999999770e-03, v60;
	v16 =	vor.u32 s22, v0;
	(xrf1) =	vsort.dscd.msk.f32 $0xffff, v2, v24;
	v2 =	vld.idx.msk [tilespmem:v32+s15+$0x0], $0xffff;
	v48 =	vsel vm0, v63, v58  }
0x14a: {  	v43 =	vpop (erf);
	vm1 =	vgt.f32 v60, $0.0e+00;
	v54 =	vld.idx.msk [tilespmem:v19+s15+$0x0], $0xffff;
	v8 =	vsel vm0, v8, v26  }
0x14b: {  	v7 =	vsel vm0, v7, v56;
	v1 =	vmul.f32 $1.442695020e+00, v1;
	v38 =	vsel vm1, v60, v57;
	v60 =	vpop (erf)  }
0x14c: {  	v39 =	vadd.f32 v35, v61;
	v61 =	vmul.f32 $1.442695020e+00, v51;
	v59 =	vmul.f32 $9.999999770e-03, v46;
	(xrf1) =	vsort.dscd.msk.f32 $0xffff, v8, v48;
	v26, v24, _ =	vpop (xrf1)  }
0x14d: {  	v3 =	vsel vm0, v3, v55;
	vm1 =	vgt.f32 v46, $0.0e+00;
	(erf) = vpow2.f32 v1;
	v1 =	vld.idx.msk [tilespmem:v49+s2+$0x0], $0xffff;
	v8, v48, _ =	vpop (xrf1);
	(xrf1) =	vsort.ascd.msk.f32 $0xffff, v60, v36  }
0x14e: {  	v46 =	vsel vm1, v46, v59;
	vm1 =	vgt.f32 v39, $0.0e+00;
	v52 =	vld.idx.msk [tilespmem:v16+s2+$0x0], $0xffff;
	v60 =	vmul.f32 $9.999999770e-03, v39  }
0x14f: {  	(erf) = vpow2.f32 v61;
	v2 =	vadd.f32 v47, v2;
	v47 =	vadd.f32 v47, v54;
	v54 =	vld.idx.msk [tilespmem:v23+s15+$0x0], $0xffff;
	v62, v51, _ =	vpop (xrf1)  }
0x150: {  	v38 =	vmul.f32 $1.442695020e+00, v38;
	v46 =	vmul.f32 $1.442695020e+00, v46;
	v59, v63, _ =	vpop (xrf1);
	v36 =	vsel vm1, v39, v60  }
0x151: {  	v50 =	vld.idx.msk [tilespmem:v17+s15+$0x0], $0xffff;
	v49 =	vsel vm0, v59, v62;
	v62, v61, _ =	vpop (xrf1);
	v51 =	vsel vm0, v63, v51;
	v63 =	vmul.f32 $9.999999770e-03, v2  }
0x152: {  	(erf) = vpow2.f32 v38;
	(xrf1) =	vsort.dscd.msk.f32 $0xffff, v3, v7;
	vm1 =	vgt.f32 v2, $0.0e+00;
	v36 =	vmul.f32 $1.442695020e+00, v36;
	v39, v57, _ =	vpop (xrf1)  }
0x153: {  	v3 =	vsel vm0, v62, v8;
	v48 =	vsel vm0, v61, v48;
	v2 =	vsel vm1, v2, v63;
	v7, v8, _ =	vpop (xrf1)  }
0x154: {  	(xrf1) =	vsort.dscd.msk.f32 $0xffff, v49, v51;
	v62 =	vld.idx.msk [tilespmem:v44+s15+$0x0], $0xffff;
	(erf) = vpow2.f32 v36;
	v49 =	vadd.f32 v42, v54;
	v2 =	vmul.f32 $1.442695020e+00, v2;
	v61, v60, _ =	vpop (xrf1)  }
0x155: {  	(xrf1) =	vsort.dscd.msk.f32 $0xffff, v3, v48;
	v3 =	vld.idx.msk [tilespmem:v33+s17+$0x0], $0xffff;
	v8 =	vsel vm0, v8, v60;
	v7 =	vsel vm0, v7, v61  }
0x156: {  	v50 =	vadd.f32 v42, v50;
	v63 =	vmul.f32 $9.999999770e-03, v47;
	(erf) = vpow2.f32 v46;
	v53 =	vpop (erf);
	v48 =	vld.idx.msk [tilespmem:v1+s15+$0x0], $0xffff;
	(xrf1) =	vsort.dscd.msk.f32 $0xffff, v7, v8  }
0x157: {  	vm1 =	vgt.f32 v47, $0.0e+00;
	(erf) = vpow2.f32 v2;
	v2 =	vld.idx.msk [tilespmem:v52+s15+$0x0], $0xffff;
	(xrf1) =	vsort.dscd.msk.f32 $0xffff, v53, v27;
	v27 =	vmul.f32 $9.999999770e-03, v49  }
0x158: {  	v54 =	vpop (erf);
	vm2 =	vgt.f32 v49, $0.0e+00;
	v7 =	vmul.f32 $9.999999770e-03, v50;
	v8 =	vsel vm1, v47, v63  }
0x159: {  	vm1 =	vgt.f32 v50, $0.0e+00;
	v42, v46, _ =	vpop (xrf1);
	v8 =	vmul.f32 $1.442695020e+00, v8;
	v27 =	vsel vm2, v49, v27  }
0x15a: {  	v55 =	vadd.f32 v35, v62;
	(xrf1) =	vsort.ascd.msk.f32 $0xffff, v54, v22;
	v22, v33, _ =	vpop (xrf1);
	v7 =	vsel vm1, v50, v7  }
0x15b: {  	(erf) = vpow2.f32 v8;
	v8 =	vld.idx.msk [tilespmem:v45+s17+$0x0], $0xffff;
	v36 =	vadd.f32 v3, v48;
	v7 =	vmul.f32 $1.442695020e+00, v7;
	v38, v45, _ =	vpop (xrf1)  }
0x15c: {  	v56 =	vmul.f32 $9.999999770e-03, v55;
	v2 =	vadd.f32 v3, v2;
	v3 =	vmul.f32 $1.442695020e+00, v27;
	v27 =	vpop (erf)  }
0x15d: {  	v58 =	vld.idx.msk [tilespmem:v28+s15+$0x0], $0xffff;
	vm1 =	vgt.f32 v55, $0.0e+00;
	(xrf1) =	vsort.dscd.msk.f32 $0xffff, v43, v31;
	v43 =	vpop (erf);
	(erf) = vpow2.f32 v7;
	v7 =	vmul.f32 $9.999999770e-03, v36  }
0x15e: {  	v35 =	vsel vm1, v55, v56;
	v31 =	vld.idx.msk [tilespmem:v34+s15+$0x0], $0xffff  }
0x15f: {  	vm1 =	vgt.f32 v36, $0.0e+00;
	v35 =	vmul.f32 $1.442695020e+00, v35  }
0x160: {  	v59 =	vmul.f32 $9.999999770e-03, v2;
	v60 =	vpop (erf);
	(erf) = vpow2.f32 v3;
	v3 =	vsel vm1, v36, v7  }
0x161: {  	vm2 =	vgt.f32 v2, $0.0e+00;
	(xrf1) =	vsort.dscd.msk.f32 $0xffff, v27, v40;
	v3 =	vmul.f32 $1.442695020e+00, v3;
	v7 =	vpop (erf)  }
0x162: {  	v2 =	vsel vm2, v2, v59;
	(xrf1) =	vsort.dscd.msk.f32 $0xffff, v7, v32;
	v7 =	vadd.f32 v8, v58  }
0x163: {  	v27, v36, _ =	vpop (xrf1);
	v2 =	vmul.f32 $1.442695020e+00, v2;
	(erf) = vpow2.f32 v35;
	v8 =	vadd.f32 v8, v31  }
0x164: {  	v32, v35, _ =	vpop (xrf1);
	(erf) = vpow2.f32 v3;
	(xrf1) =	vsort.ascd.msk.f32 $0xffff, v60, v25;
	v61 =	vmul.f32 $9.999999770e-03, v7  }
0x165: {  	v3 =	vpop (erf);
	(erf) = vpow2.f32 v2;
	v2 =	vmul.f32 $9.999999770e-03, v8  }
0x166: {  	[tilespmem:v6+s19+$0x0] =	vst.idx.msk $0xff, v41;
	v25, v31, _ =	vpop (xrf1);
	vm1 =	vgt.f32 v7, $0.0e+00;
	vm2 =	vgt.f32 v8, $0.0e+00  }
0x167: {  	[tilespmem:v9+s18+$0x0] =	vst.idx.msk $0xff, v26;
	v47, v62, _ =	vpop (xrf1);
	v7 =	vsel vm1, v7, v61;
	v2 =	vsel vm2, v8, v2  }
0x168: {  	[tilespmem:v9+s19+$0x0] =	vst.idx.msk $0xff, v24;
	v56, v63, _ =	vpop (xrf1);
	v7 =	vmul.f32 $1.442695020e+00, v7;
	v2 =	vmul.f32 $1.442695020e+00, v2  }
0x169: {  	[tilespmem:v10+s18+$0x0] =	vst.idx.msk $0xff, v39;
	v8 =	vpop (erf)  }
0x16a: {  	[tilespmem:v10+s19+$0x0] =	vst.idx.msk $0xff, v57;
	v59, v58, _ =	vpop (xrf1)  }
0x16b: {  	[tilespmem:v12+s18+$0x0] =	vst.idx.msk $0xff, v42;
	(xrf1) =	vsort.ascd.msk.f32 $0xffff, v3, v19;
	v60 =	vpop (erf);
	(erf) = vpow2.f32 v7  }
0x16c: {  	[tilespmem:v12+s19+$0x0] =	vst.idx.msk $0xff, v46;
	(xrf1) =	vsort.dscd.msk.f32 $0xffff, v8, v17;
	v8 =	vsel vm0, v56, v38;
	(erf) = vpow2.f32 v2;
	v2 =	vpop (erf)  }
0x16d: {  	[tilespmem:v11+s18+$0x0] =	vst.idx.msk $0xff, v22;
	v17 =	vsel vm0, v63, v45;
	(xrf1) =	vsort.ascd.msk.f32 $0xffff, v60, v23;
	v3, v7, _ =	vpop (xrf1)  }
0x16e: {  	[tilespmem:v11+s19+$0x0] =	vst.idx.msk $0xff, v33;
	v19 =	vpop (erf)  }
0x16f: {  	v6 =	vld [tilespmem:$0x1FF80];
	(xrf1) =	vsort.dscd.msk.f32 $0xffff, v8, v17;
	v8 =	vpop (erf)  }
0x170: {  	(xrf1) =	vsort.ascd.msk.f32 $0xffff, v43, v37;
	v17, v23, _ =	vpop (xrf1)  }
0x171: {  	(xrf1) =	vsort.ascd.msk.f32 $0xffff, v19, v1;
	v1, v19, _ =	vpop (xrf1)  }
0x172: {  	(xrf1) =	vsort.dscd.msk.f32 $0xffff, v8, v52;
	v8, v61, _ =	vpop (xrf1)  }
0x173: {  	(xrf1) =	vsort.dscd.msk.f32 $0xffff, v2, v44;
	v2 =	vsel vm0, v17, v8;
	_ =	sdelay $0x1  }
0x174: {  	v8 =	vsel vm0, v23, v61  }
0x175: {  	(xrf1) =	vsort.dscd.msk.f32 $0xffff, v2, v8;
	v2 =	vpop (erf)  }
0x176: {  	[tilespmem:v6+s18+$0x0] =	vst.idx.msk $0xff, v27;
	v5 =	vpop (erf)  }
0x177: {  	[tilespmem:v13+s18+$0x0] =	vst.idx.msk $0xff, v32;
	(xrf1) =	vsort.dscd.msk.f32 $0xffff, v2, v28  }
0x178: {  	[tilespmem:v13+s19+$0x0] =	vst.idx.msk $0xff, v35;
	(xrf1) =	vsort.ascd.msk.f32 $0xffff, v5, v34;
	v2, v5, _ =	vpop (xrf1)  }
0x179: {  	[tilespmem:v6+s19+$0x0] =	vst.idx.msk $0xff, v36;
	v8, v9, _ =	vpop (xrf1);
	v1 =	vsel vm0, v1, v2;
	v2 =	vsel vm0, v19, v5  }
0x17a: {  	v13 =	vld [tilespmem:$0x1FFA0];
	v5, v10, _ =	vpop (xrf1)  }
0x17b: {  	v5 =	vsel vm0, v8, v5;
	v8 =	vsel vm0, v9, v10;
	_ =	sdelay $0x1  }
0x17c: {  	(xrf1) =	vsort.dscd.msk.f32 $0xffff, v1, v2;
	v1, v2, _ =	vpop (xrf1)  }
0x17d: {  	v9, v10, _ =	vpop (xrf1)  }
0x17e: {  	v7 =	vsel vm0, v7, v58;
	(xrf1) =	vsort.dscd.msk.f32 $0xffff, v5, v8;
	v5, v8, _ =	vpop (xrf1)  }
0x17f: {  	v3 =	vsel vm0, v3, v59;
	v11, v12, _ =	vpop (xrf1)  }
0x180: {  	(xrf1) =	vsort.dscd.msk.f32 $0xffff, v3, v7;
	v3 =	vsel vm0, v11, v5  }
0x181: {  	[tilespmem:v13+s18+$0x0] =	vst.idx.msk $0xff, v25;
	v8 =	vsel vm0, v12, v8  }
0x182: {  	v5, v7, _ =	vpop (xrf1);
	v12 =	vld [tilespmem:$0x1FF90]  }
0x183: {  	(xrf1) =	vsort.dscd.msk.f32 $0xffff, v3, v8;
	v3, v6, _ =	vpop (xrf1)  }
0x184: {  	v5 =	vsel vm0, v5, v9;
	v7 =	vsel vm0, v7, v10;
	v8, v11, _ =	vpop (xrf1)  }
0x185: {  	[tilespmem:v13+s19+$0x0] =	vst.idx.msk $0xff, v31;
	(xrf1) =	vsort.dscd.msk.f32 $0xffff, v5, v7;
	v9, v10, _ =	vpop (xrf1)  }
0x186: {  	[tilespmem:v21+s18+$0x0] =	vst.idx.msk $0xff, v1;
	v10 =	vsel vm0, v11, v10;
	v5 =	vsel vm0, v8, v9  }
0x187: {  	[tilespmem:v21+s19+$0x0] =	vst.idx.msk $0xff, v2;
	(xrf1) =	vsort.dscd.msk.f32 $0xffff, v5, v10  }
0x188: {  	[tilespmem:v20+s18+$0x0] =	vst.idx.msk $0xff, v3  }
0x189: {  	[tilespmem:v20+s19+$0x0] =	vst.idx.msk $0xff, v6  }
0x18a: {  	v1, v2, _ =	vpop (xrf1);
	[tilespmem:v12+s18+$0x0] =	vst.idx.msk $0xff, v47  }
0x18b: {  	[tilespmem:v18+s18+$0x0] =	vst.idx.msk $0xff, v1  }
0x18c: {  	[tilespmem:v12+s19+$0x0] =	vst.idx.msk $0xff, v62  }
0x18d: {  	[tilespmem:v18+s19+$0x0] =	vst.idx.msk $0xff, v2;
	v1, v2, _ =	vpop (xrf1)  }
0x18e: {  	[tilespmem:v15+s18+$0x0] =	vst.idx.msk $0xff, v1  }
0x18f: {  	[tilespmem:v15+s19+$0x0] =	vst.idx.msk $0xff, v2;
	v1, v3, _ =	vpop (xrf1)  }
0x190: {  	[tilespmem:v14+s18+$0x0] =	vst.idx.msk $0xff, v1  }
0x191: {  	v1, v2, _ =	vpop (xrf1);
	[tilespmem:v14+s19+$0x0] =	vst.idx.msk $0xff, v3  }
0x192: {  	[tilespmem:v16+s18+$0x0] =	vst.idx.msk $0xff, v1  }
0x193: {  	[tilespmem:v16+s19+$0x0] =	vst.idx.msk $0xff, v2;
	v1, v2, _ =	vpop (xrf1)  }
0x194: {  	[tilespmem:v30+s18+$0x0] =	vst.idx.msk $0xff, v1  }
0x195: {  	[tilespmem:v30+s19+$0x0] =	vst.idx.msk $0xff, v2;
	v1, v3, _ =	vpop (xrf1)  }
0x196: {  	[tilespmem:v29+s18+$0x0] =	vst.idx.msk $0xff, v1  }
0x197: {  	s21 =	simm.s32 $0x0;
	[tilespmem:v29+s19+$0x0] =	vst.idx.msk $0xff, v3  }
0x198: {  	[hbm4b:s6+s21] =	stream.linear.scatter [tilespmem:s18], [sflag:$0x1], $0x400, $0x38;
	[tilespmem:$0x6780] =	vst v63  }
0x199: {  	_ =	swait.ge [sflag:s16], $0x400  }
0x19a: {  	[sflag:s16] =	ssyncset.done $0x0  }
0x19b: {  	[sflag:s16] =	ssyncadd.s32 $0xFFFFFC00  }
0x19c: {  	[hbm4b:s7+s21] =	stream.linear.scatter [tilespmem:s19], [sflag:$0x1], $0x400, $0x38;
	[tilespmem:$0x6780] =	vst v63  }
0x19d: {  	_ =	swait.ge [sflag:s16], $0x400  }
0x19e: {  	[sflag:s16] =	ssyncset.done $0x0  }
0x19f: {  	s28 =	simm.s32 $0x7;
	v18 =	vor.u32 s21, v0;
	[sflag:s16] =	ssyncadd.s32 $0xFFFFFC00  }
0x1a0: {  	v1 =	vor.u32 s21, v4;
	[tilespmem:s21], [sflag:$0x1] =	stream.linear.gather [hbm4b:s8+s21], $0x1000, $0x38;
	[tilespmem:$0x6780] =	vst v63  }
0x1a1: {  	s29 =	simm.s32 $0x1;
	v22 =	vor.u32 s28, v0;
	_ =	swait.ge [sflag:s16], $0x1000  }
0x1a2: {  	s30 =	simm.s32 $0x2;
	v20 =	vor.u32 s29, v0;
	[sflag:s16] =	ssyncset.done $0x0  }
0x1a3: {  	s31 =	simm.s32 $0x3;
	v7 =	vor.u32 s30, v4;
	v61 =	vld [tilespmem:$0x1FFF0];
	[sflag:s16] =	ssyncadd.s32 $0xFFFFF000  }
0x1a4: {  	v11 =	vor.u32 s31, v4;
	v8 =	vld.idx.msk [tilespmem:v18+s2+$0x0], $0xffff  }
0x1a5: {  	v29 =	vor.u32 s31, v0;
	v10 =	vld.idx.msk [tilespmem:v1+s2+$0x0], $0xffff  }
0x1a6: {  	v1 =	vor.u32 s28, v4;
	v30 =	vld.idx.msk [tilespmem:v22+s2+$0x0], $0xffff  }
0x1a7: {  	v9 =	vld.idx.msk [tilespmem:v20+s2+$0x0], $0xffff  }
0x1a8: {  	v12 =	vld.idx.msk [tilespmem:v7+s2+$0x0], $0xffff  }
0x1a9: {  	v24 =	vld.idx.msk [tilespmem:v11+s2+$0x0], $0xffff;
	v2 =	vor.u32 s21, v61  }
0x1aa: {  	v14 =	vld.idx.msk [tilespmem:v29+s2+$0x0], $0xffff;
	v5 =	vor.u32 s28, v61  }
0x1ab: {  	v13 =	vor.u32 s31, v61;
	v1 =	vld.idx.msk [tilespmem:v1+s2+$0x0], $0xffff  }
0x1ac: {  	v3 =	vld.idx.msk [tilespmem:v8+s15+$0x0], $0xffff  }
0x1ad: {  	v7 =	vor.u32 s29, v61;
	v6 =	vld.idx.msk [tilespmem:v10+s15+$0x0], $0xffff  }
0x1ae: {  	v2 =	vld.idx.msk [tilespmem:v2+s17+$0x0], $0xffff  }
0x1af: {  	s25 =	simm.s32 $0x4;
	v19 =	vor.u32 s30, v61;
	v25 =	vld.idx.msk [tilespmem:v5+s17+$0x0], $0xffff  }
0x1b0: {  	v15 =	vor.u32 s25, v0;
	v31 =	vld.idx.msk [tilespmem:v13+s17+$0x0], $0xffff  }
0x1b1: {  	v26 =	vld.idx.msk [tilespmem:v30+s15+$0x0], $0xffff  }
0x1b2: {  	v7 =	vld.idx.msk [tilespmem:v7+s17+$0x0], $0xffff  }
0x1b3: {  	s22 =	simm.s32 $0x5;
	v5 =	vor.u32 s29, v4;
	v27 =	vld.idx.msk [tilespmem:v12+s15+$0x0], $0xffff  }
0x1b4: {  	v13 =	vor.u32 s22, v4;
	v21 =	vld.idx.msk [tilespmem:v19+s17+$0x0], $0xffff  }
0x1b5: {  	v23 =	vor.u32 s22, v0;
	v19 =	vld.idx.msk [tilespmem:v15+s2+$0x0], $0xffff  }
0x1b6: {  	v11 =	vld.idx.msk [tilespmem:v1+s15+$0x0], $0xffff  }
0x1b7: {  	s26 =	simm.s32 $0x8;
	v46 =	vor.u32 s22, v61;
	v62 =	vld.idx.msk [tilespmem:v9+s15+$0x0], $0xffff;
	v3 =	vadd.f32 v2, v3  }
0x1b8: {  	s24 =	simm.s32 $0x6;
	v59 =	vor.u32 s26, v4;
	v28 =	vor.u32 s25, v4;
	v16 =	vld.idx.msk [tilespmem:v5+s2+$0x0], $0xffff  }
0x1b9: {  	v47 =	vor.u32 s24, v4;
	v2 =	vadd.f32 v2, v6;
	v13 =	vld.idx.msk [tilespmem:v13+s2+$0x0], $0xffff;
	v6 =	vmul.f32 $9.999999770e-03, v3  }
0x1ba: {  	v17 =	vld.idx.msk [tilespmem:v23+s2+$0x0], $0xffff;
	v63 =	vor.u32 s24, v61;
	v42 =	vor.u32 s26, v61;
	vm1 =	vgt.f32 v3, $0.0e+00  }
0x1bb: {  	v50 =	vld.idx.msk [tilespmem:v24+s15+$0x0], $0xffff;
	v5 =	vor.u32 s30, v0;
	v3 =	vsel vm1, v3, v6;
	v11 =	vadd.f32 v25, v11  }
0x1bc: {  	v34 =	vld.idx.msk [tilespmem:v46+s17+$0x0], $0xffff;
	v32 =	vadd.f32 v7, v62;
	v38 =	vadd.f32 v21, v27;
	v3 =	vmul.f32 $1.442695020e+00, v3  }
0x1bd: {  	v58 =	vld.idx.msk [tilespmem:v14+s15+$0x0], $0xffff;
	v25 =	vadd.f32 v25, v26;
	v26 =	vor.u32 s25, v61;
	v6 =	vmul.f32 $9.999999770e-03, v11  }
0x1be: {  	vm2 =	vgt.f32 v2, $0.0e+00;
	v54 =	vld.idx.msk [tilespmem:v19+s15+$0x0], $0xffff;
	vm1 =	vgt.f32 v11, $0.0e+00;
	(erf) = vpow2.f32 v3  }
0x1bf: {  	v3 =	vmul.f32 $9.999999770e-03, v25;
	v6 =	vsel vm1, v11, v6;
	v11 =	vld.idx.msk [tilespmem:v28+s2+$0x0], $0xffff;
	v28 =	vor.u32 s24, v0  }
0x1c0: {  	v48 =	vmul.f32 $9.999999770e-03, v2;
	v27 =	vmul.f32 $9.999999770e-03, v32;
	v49 =	vld.idx.msk [tilespmem:v16+s15+$0x0], $0xffff;
	vm1 =	vgt.f32 v25, $0.0e+00  }
0x1c1: {  	v39 =	vmul.f32 $9.999999770e-03, v38;
	v51 =	vld.idx.msk [tilespmem:v13+s15+$0x0], $0xffff;
	v6 =	vmul.f32 $1.442695020e+00, v6;
	v3 =	vsel vm1, v25, v3  }
0x1c2: {  	v2 =	vsel vm2, v2, v48;
	vm1 =	vgt.f32 v32, $0.0e+00;
	v52 =	vld.idx.msk [tilespmem:v26+s17+$0x0], $0xffff;
	v3 =	vmul.f32 $1.442695020e+00, v3  }
0x1c3: {  	v26 =	vsel vm1, v32, v27;
	v27 =	vadd.f32 v31, v50;
	(erf) = vpow2.f32 v6;
	v6 =	vld.idx.msk [tilespmem:v17+s15+$0x0], $0xffff  }
0x1c4: {  	v2 =	vmul.f32 $1.442695020e+00, v2;
	v31 =	vadd.f32 v31, v58;
	v55 =	vmul.f32 $1.442695020e+00, v26;
	v25 =	vld.idx.msk [tilespmem:v28+s2+$0x0], $0xffff  }
0x1c5: {  	s28 =	simm.s32 $0xF;
	v32 =	vld.idx.msk [tilespmem:v47+s2+$0x0], $0xffff;
	v7 =	vadd.f32 v7, v49;
	vm2 =	vgt.f32 v27, $0.0e+00;
	(erf) = vpow2.f32 v3  }
0x1c6: {  	v37 =	vadd.f32 v34, v51;
	v57 =	vmul.f32 $9.999999770e-03, v27;
	v51 =	vor.u32 s28, v4  }
0x1c7: {  	(erf) = vpow2.f32 v2;
	v53 =	vmul.f32 $9.999999770e-03, v7;
	vm1 =	vgt.f32 v7, $0.0e+00  }
0x1c8: {  	v26 =	vld.idx.msk [tilespmem:v5+s2+$0x0], $0xffff;
	v2 =	vadd.f32 v52, v54;
	v27 =	vsel vm2, v27, v57;
	v3 =	vadd.f32 v34, v6  }
0x1c9: {  	s30 =	simm.s32 $0xA;
	vm2 =	vgt.f32 v37, $0.0e+00;
	(erf) = vpow2.f32 v55;
	v6 =	vor.u32 s26, v0;
	v56 =	vld.idx.msk [tilespmem:v11+s15+$0x0], $0xffff  }
0x1ca: {  	v48 =	vmul.f32 $9.999999770e-03, v37;
	v55 =	vor.u32 s30, v4;
	v60 =	vmul.f32 $9.999999770e-03, v3  }
0x1cb: {  	s31 =	simm.s32 $0xB;
	v33 =	vld.idx.msk [tilespmem:v63+s17+$0x0], $0xffff;
	v27 =	vmul.f32 $1.442695020e+00, v27;
	v63 =	vpop (erf);
	v7 =	vsel vm1, v7, v53;
	vm1 =	vgt.f32 v3, $0.0e+00  }
0x1cc: {  	v50 =	vmul.f32 $9.999999770e-03, v2;
	v7 =	vmul.f32 $1.442695020e+00, v7;
	v3 =	vsel vm1, v3, v60;
	v49 =	vpop (erf);
	v62 =	vld.idx.msk [tilespmem:v25+s15+$0x0], $0xffff;
	[tilespmem:$0x1FF60] =	vst v6  }
0x1cd: {  	v57 =	vor.u32 s31, v4;
	(erf) = vpow2.f32 v27;
	v3 =	vmul.f32 $1.442695020e+00, v3;
	(xrf1) =	vsort.ascd.msk.f32 $0xffff, v49, v1;
	v1 =	vld.idx.msk [tilespmem:v32+s15+$0x0], $0xffff  }
0x1ce: {  	v37 =	vsel vm2, v37, v48;
	(erf) = vpow2.f32 v7;
	v35 =	vadd.f32 v52, v56;
	v34 =	vld.idx.msk [tilespmem:v6+s2+$0x0], $0xffff  }
0x1cf: {  	v37 =	vmul.f32 $1.442695020e+00, v37;
	vm1 =	vgt.f32 v2, $0.0e+00;
	v27 =	vld.idx.msk [tilespmem:v59+s2+$0x0], $0xffff;
	(erf) = vpow2.f32 v3  }
0x1d0: {  	v2 =	vsel vm1, v2, v50;
	v59 =	vor.u32 s31, v61;
	v7 =	vmul.f32 $9.999999770e-03, v35  }
0x1d1: {  	vm2 =	vgt.f32 v31, $0.0e+00;
	v52 =	vld.idx.msk [tilespmem:v26+s15+$0x0], $0xffff;
	v2 =	vmul.f32 $1.442695020e+00, v2;
	vm3 =	vgt.f32 v35, $0.0e+00;
	v3 =	vpop (erf)  }
0x1d2: {  	v7 =	vsel vm3, v35, v7;
	(erf) = vpow2.f32 v37;
	(xrf1) =	vsort.dscd.msk.f32 $0xffff, v3, v30;
	v30 =	vpop (erf);
	v1 =	vadd.f32 v33, v1  }
0x1d3: {  	v3 =	vmul.f32 $9.999999770e-03, v31;
	v35 =	vmul.f32 $1.442695020e+00, v7;
	v7 =	vor.u32 s28, v0;
	(xrf1) =	vsort.ascd.msk.f32 $0xffff, v30, v10;
	v30 =	vld.idx.msk [tilespmem:v51+s2+$0x0], $0xffff  }
0x1d4: {  	s29 =	simm.s32 $0x9;
	v56 =	vor.u32 s28, v61;
	v42 =	vld.idx.msk [tilespmem:v42+s17+$0x0], $0xffff;
	v36 =	vadd.f32 v33, v62;
	(xrf1) =	vsort.dscd.msk.f32 $0xffff, v63, v8;
	v8 =	vmul.f32 $9.999999770e-03, v1  }
0x1d5: {  	(erf) = vpow2.f32 v2;
	v10 =	vor.u32 s29, v0;
	v54 =	vpop (erf);
	v33 =	vld.idx.msk [tilespmem:v59+s17+$0x0], $0xffff;
	v3 =	vsel vm2, v31, v3  }
0x1d6: {  	v62 =	vor.u32 s30, v0;
	v41 =	vpop (erf);
	(erf) = vpow2.f32 v35;
	v3 =	vmul.f32 $1.442695020e+00, v3;
	v37 =	vld.idx.msk [tilespmem:v34+s15+$0x0], $0xffff  }
0x1d7: {  	v53 =	vmul.f32 $9.999999770e-03, v36;
	vm2 =	vgt.f32 v36, $0.0e+00;
	vm1 =	vgt.f32 v1, $0.0e+00;
	v58 =	vpop (erf);
	(xrf1) =	vsort.dscd.msk.f32 $0xffff, v54, v9;
	v2 =	vld.idx.msk [tilespmem:v27+s15+$0x0], $0xffff  }
0x1d8: {  	v31 =	vld.idx.msk [tilespmem:v7+s2+$0x0], $0xffff;
	v1 =	vsel vm1, v1, v8;
	(erf) = vpow2.f32 v3;
	v3 =	vadd.f32 v21, v52;
	v8 =	vpop (erf)  }
0x1d9: {  	v63 =	vor.u32 s31, v0;
	v9 =	vsel vm2, v36, v53;
	v36 =	vld.idx.msk [tilespmem:v56+s17+$0x0], $0xffff;
	v1 =	vmul.f32 $1.442695020e+00, v1;
	(xrf1) =	vsort.dscd.msk.f32 $0xffff, v8, v17  }
0x1da: {  	v21 =	vmul.f32 $1.442695020e+00, v9;
	vm1 =	vgt.f32 v38, $0.0e+00;
	v35 =	vld.idx.msk [tilespmem:v10+s2+$0x0], $0xffff;
	v51 =	vmul.f32 $9.999999770e-03, v3;
	(xrf1) =	vsort.ascd.msk.f32 $0xffff, v58, v16  }
0x1db: {  	(erf) = vpow2.f32 v1;
	v1 =	vsel vm1, v38, v39;
	vm1 =	vgt.f32 v3, $0.0e+00;
	v54 =	vld.idx.msk [tilespmem:v30+s15+$0x0], $0xffff  }
0x1dc: {  	v50 =	vpop (erf);
	v16 =	vld.idx.msk [tilespmem:v55+s2+$0x0], $0xffff;
	(erf) = vpow2.f32 v21;
	v55 =	vor.u32 s29, v61;
	v3 =	vsel vm1, v3, v51  }
0x1dd: {  	v17 =	vld.idx.msk [tilespmem:v57+s2+$0x0], $0xffff;
	v53, v52, _ =	vpop (xrf1);
	v37 =	vadd.f32 v42, v37;
	v1 =	vmul.f32 $1.442695020e+00, v1;
	v3 =	vmul.f32 $1.442695020e+00, v3  }
0x1de: {  	v43 =	vor.u32 s29, v4;
	v21 =	vld.idx.msk [tilespmem:v62+s2+$0x0], $0xffff;
	(xrf1) =	vsort.ascd.msk.f32 $0xffff, v50, v13;
	v13 =	vpop (erf)  }
0x1df: {  	s24 =	simm.s32 $0xC;
	v2 =	vadd.f32 v42, v2;
	v58 =	vmul.f32 $9.999999770e-03, v37;
	(xrf1) =	vsort.dscd.msk.f32 $0xffff, v13, v19;
	v19 =	vld.idx.msk [tilespmem:v63+s2+$0x0], $0xffff;
	v60 =	vpop (erf);
	(erf) = vpow2.f32 v3  }
0x1e0: {  	(xrf1) =	vsort.ascd.msk.f32 $0xffff, v60, v11;
	v11 =	vor.u32 s24, v0;
	v49 =	vld.idx.msk [tilespmem:v31+s15+$0x0], $0xffff;
	(erf) = vpow2.f32 v1;
	v57, v56, _ =	vpop (xrf1);
	v3 =	vadd.f32 v36, v54  }
0x1e1: {  	s25 =	simm.s32 $0xD;
	v1 =	vpop (erf);
	v39 =	vld.idx.msk [tilespmem:v55+s17+$0x0], $0xffff;
	v13 =	vsel vm0, v57, v53;
	v59 =	vsel vm0, v56, v52;
	v52 =	vor.u32 s30, v61  }
0x1e2: {  	vm1 =	vgt.f32 v37, $0.0e+00;
	v42 =	vld.idx.msk [tilespmem:v35+s15+$0x0], $0xffff;
	v47, v48, _ =	vpop (xrf1);
	(xrf1) =	vsort.dscd.msk.f32 $0xffff, v13, v59;
	v13 =	vor.u32 s25, v0;
	v55 =	vmul.f32 $9.999999770e-03, v3  }
0x1e3: {  	v44 =	vor.u32 s24, v4;
	s26 =	simm.s32 $0xE;
	v53 =	vsel vm1, v37, v58;
	v37 =	vld.idx.msk [tilespmem:v43+s2+$0x0], $0xffff;
	(xrf1) =	vsort.ascd.msk.f32 $0xffff, v41, v24;
	v24, v43, _ =	vpop (xrf1)  }
0x1e4: {  	v54 =	vmul.f32 $1.442695020e+00, v53;
	v53 =	vor.u32 s26, v4;
	v45 =	vld.idx.msk [tilespmem:v16+s15+$0x0], $0xffff;
	v56 =	vpop (erf)  }
0x1e5: {  	vm1 =	vgt.f32 v3, $0.0e+00;
	v41 =	vor.u32 s25, v4;
	v38 =	vld.idx.msk [tilespmem:v11+s2+$0x0], $0xffff;
	v57 =	vpop (erf);
	(xrf1) =	vsort.ascd.msk.f32 $0xffff, v56, v32  }
0x1e6: {  	v3 =	vsel vm1, v3, v55;
	v59, v58, _ =	vpop (xrf1);
	(xrf1) =	vsort.dscd.msk.f32 $0xffff, v57, v25;
	v25 =	vmul.f32 $9.999999770e-03, v2;
	v51 =	vld.idx.msk [tilespmem:v52+s17+$0x0], $0xffff  }
0x1e7: {  	vm1 =	vgt.f32 v2, $0.0e+00;
	v3 =	vmul.f32 $1.442695020e+00, v3;
	v40 =	vld.idx.msk [tilespmem:v13+s2+$0x0], $0xffff;
	v60, v55, _ =	vpop (xrf1)  }
0x1e8: {  	(erf) = vpow2.f32 v54;
	v32 =	vor.u32 s25, v61;
	(xrf1) =	vsort.dscd.msk.f32 $0xffff, v1, v14;
	v2 =	vsel vm1, v2, v25;
	v25 =	vld.idx.msk [tilespmem:v44+s2+$0x0], $0xffff;
	v14, v57, _ =	vpop (xrf1)  }
0x1e9: {  	v47 =	vsel vm0, v24, v47;
	(erf) = vpow2.f32 v3;
	v24 =	vld.idx.msk [tilespmem:v53+s2+$0x0], $0xffff;
	v3 =	vsel vm0, v59, v14  }
0x1ea: {  	v36 =	vadd.f32 v36, v49;
	v41 =	vld.idx.msk [tilespmem:v41+s2+$0x0], $0xffff  }
0x1eb: {  	v1 =	vor.u32 s24, v61;
	v49 =	vld.idx.msk [tilespmem:v37+s15+$0x0], $0xffff;
	v14 =	vsel vm0, v58, v57  }
0x1ec: {  	v58 =	vmul.f32 $9.999999770e-03, v36;
	(xrf1) =	vsort.dscd.msk.f32 $0xffff, v3, v14;
	v14 =	vsel vm0, v43, v48;
	v43 =	vadd.f32 v39, v42;
	v3 =	vpop (erf)  }
0x1ed: {  	vm1 =	vgt.f32 v36, $0.0e+00;
	v46 =	vld.idx.msk [tilespmem:v32+s17+$0x0], $0xffff;
	v59 =	vpop (erf)  }
0x1ee: {  	v44 =	vadd.f32 v51, v45;
	v36 =	vsel vm1, v36, v58;
	v52 =	vmul.f32 $9.999999770e-03, v43;
	(xrf1) =	vsort.dscd.msk.f32 $0xffff, v3, v26;
	v3, v26, _ =	vpop (xrf1)  }
0x1ef: {  	vm1 =	vgt.f32 v43, $0.0e+00;
	(xrf1) =	vsort.ascd.msk.f32 $0xffff, v59, v12;
	v3 =	vsel vm0, v60, v3;
	v32, v48, _ =	vpop (xrf1);
	v26 =	vsel vm0, v55, v26  }
0x1f0: {  	v45 =	vld.idx.msk [tilespmem:v17+s15+$0x0], $0xffff;
	v54 =	vmul.f32 $9.999999770e-03, v44;
	vm2 =	vgt.f32 v44, $0.0e+00;
	v12 =	vor.u32 s26, v0;
	v60, v57, _ =	vpop (xrf1);
	(xrf1) =	vsort.dscd.msk.f32 $0xffff, v3, v26  }
0x1f1: {  	v1 =	vld.idx.msk [tilespmem:v1+s17+$0x0], $0xffff;
	v36 =	vmul.f32 $1.442695020e+00, v36;
	v3 =	vadd.f32 v39, v49;
	v26 =	vsel vm1, v43, v52  }
0x1f2: {  	s28 =	simm.s32 $0x10;
	v42 =	vpop (erf);
	v39 =	vld.idx.msk [tilespmem:v40+s15+$0x0], $0xffff;
	v43 =	vsel vm0, v32, v60;
	v60 =	vsel vm2, v44, v54;
	v48 =	vsel vm0, v48, v57  }
0x1f3: {  	v6 =	vor.u32 s28, v0;
	v2 =	vmul.f32 $1.442695020e+00, v2;
	v44 =	vld.idx.msk [tilespmem:v41+s15+$0x0], $0xffff;
	v49, v52, _ =	vpop (xrf1)  }
0x1f4: {  	v50 =	vor.u32 s26, v61;
	(erf) = vpow2.f32 v36;
	v57 =	vmul.f32 $1.442695020e+00, v26;
	(xrf1) =	vsort.dscd.msk.f32 $0xffff, v43, v48;
	v43 =	vld.idx.msk [tilespmem:v19+s15+$0x0], $0xffff;
	v54, v56, _ =	vpop (xrf1)  }
0x1f5: {  	v45 =	vadd.f32 v33, v45;
	v32 =	vmul.f32 $1.442695020e+00, v60;
	v59 =	vmul.f32 $9.999999770e-03, v3;
	v26 =	vld.idx.msk [tilespmem:v12+s2+$0x0], $0xffff;
	v60 =	vpop (erf)  }
0x1f6: {  	v55 =	vld.idx.msk [tilespmem:v38+s15+$0x0], $0xffff;
	(erf) = vpow2.f32 v2;
	vm2 =	vgt.f32 v3, $0.0e+00;
	[tilespmem:v22+s18+$0x0] =	vst.idx.msk $0xff, v49;
	(xrf1) =	vsort.ascd.msk.f32 $0xffff, v60, v30;
	v30, v48, _ =	vpop (xrf1)  }
0x1f7: {  	vm1 =	vgt.f32 v45, $0.0e+00;
	(erf) = vpow2.f32 v57;
	v3 =	vsel vm2, v3, v59;
	(xrf1) =	vsort.dscd.msk.f32 $0xffff, v47, v14;
	v14, v36, _ =	vpop (xrf1);
	v47 =	vld.idx.msk [tilespmem:v25+s15+$0x0], $0xffff  }
0x1f8: {  	v39 =	vadd.f32 v46, v39;
	v30 =	vsel vm0, v14, v30;
	v36 =	vsel vm0, v36, v48  }
0x1f9: {  	[tilespmem:v22+s19+$0x0] =	vst.idx.msk $0xff, v52;
	v22 =	vmul.f32 $9.999999770e-03, v45;
	v3 =	vmul.f32 $1.442695020e+00, v3;
	(xrf1) =	vsort.dscd.msk.f32 $0xffff, v30, v36;
	v36 =	vld.idx.msk [tilespmem:v21+s15+$0x0], $0xffff  }
0x1fa: {  	v44 =	vadd.f32 v46, v44;
	v60, v58, _ =	vpop (xrf1);
	vm4 =	vgt.f32 v39, $0.0e+00;
	v43 =	vadd.f32 v33, v43  }
0x1fb: {  	v50 =	vld.idx.msk [tilespmem:v50+s17+$0x0], $0xffff;
	v46 =	vsel vm0, v60, v54;
	v54 =	vadd.f32 v1, v55;
	v30 =	vmul.f32 $9.999999770e-03, v39;
	v2, v49, _ =	vpop (xrf1)  }
0x1fc: {  	v52 =	vsel vm0, v58, v56;
	[tilespmem:v20+s18+$0x0] =	vst.idx.msk $0xff, v2;
	v1 =	vadd.f32 v1, v47;
	v47 =	vld.idx.msk [tilespmem:v24+s15+$0x0], $0xffff;
	v55, v56, _ =	vpop (xrf1)  }
0x1fd: {  	v48 =	vor.u32 s28, v4;
	v33 =	vsel vm1, v45, v22;
	v30 =	vsel vm4, v39, v30;
	v2 =	vld.idx.msk [tilespmem:v26+s15+$0x0], $0xffff;
	[tilespmem:$0x1FF70] =	vst v6;
	v39, v60, _ =	vpop (xrf1)  }
0x1fe: {  	v33 =	vmul.f32 $1.442695020e+00, v33;
	(xrf1) =	vsort.dscd.msk.f32 $0xffff, v46, v52;
	v57 =	vadd.f32 v51, v36;
	[tilespmem:v20+s19+$0x0] =	vst.idx.msk $0xff, v49;
	v20, v36, _ =	vpop (xrf1)  }
0x1ff: {  	v56 =	vsel vm0, v56, v60;
	v60 =	vmul.f32 $9.999999770e-03, v44;
	[tilespmem:v23+s18+$0x0] =	vst.idx.msk $0xff, v20;
	v20 =	vsel vm0, v55, v39  }
0x200: {  	vm3 =	vgt.f32 v44, $0.0e+00;
	(erf) = vpow2.f32 v33;
	v58 =	vmul.f32 $1.442695020e+00, v30  }
0x201: {  	(erf) = vpow2.f32 v3;
	v44 =	vsel vm3, v44, v60  }
0x202: {  	v59 =	vpop (erf);
	(erf) = vpow2.f32 v58;
	v60 =	vmul.f32 $1.442695020e+00, v44  }
0x203: {  	v53 =	vor.u32 s28, v61;
	v22 =	vld.idx.msk [tilespmem:v48+s2+$0x0], $0xffff;
	v52 =	vmul.f32 $9.999999770e-03, v1;
	(xrf1) =	vsort.dscd.msk.f32 $0xffff, v20, v56;
	v3, v20, _ =	vpop (xrf1)  }
0x204: {  	s22 =	simm.s32 $0x16;
	vm1 =	vgt.f32 v43, $0.0e+00;
	vm2 =	vgt.f32 v54, $0.0e+00;
	v30 =	vld.idx.msk [tilespmem:v6+s2+$0x0], $0xffff;
	vm15 =	vgt.f32 v1, $0.0e+00;
	(xrf1) =	vsort.dscd.msk.f32 $0xffff, v59, v31;
	v55, v56, _ =	vpop (xrf1)  }
0x205: {  	s25 =	simm.s32 $0x12;
	v46 =	vmul.f32 $9.999999770e-03, v54;
	v33 =	vor.u32 s22, v61;
	v1 =	vsel vm15, v1, v52;
	[tilespmem:v15+s18+$0x0] =	vst.idx.msk $0xff, v3;
	v3 =	vpop (erf)  }
0x206: {  	v58 =	vor.u32 s25, v4;
	[tilespmem:v23+s19+$0x0] =	vst.idx.msk $0xff, v36;
	v1 =	vmul.f32 $1.442695020e+00, v1;
	v45 =	vadd.f32 v50, v47;
	v59, v47, _ =	vpop (xrf1)  }
0x207: {  	s23 =	simm.s32 $0x14;
	s29 =	simm.s32 $0x17;
	v44 =	vmul.f32 $9.999999770e-03, v43;
	v31 =	vsel vm2, v54, v46;
	(erf) = vpow2.f32 v60;
	(xrf1) =	vsort.ascd.msk.f32 $0xffff, v3, v27;
	v3, v60, _ =	vpop (xrf1)  }
0x208: {  	s30 =	simm.s32 $0x11;
	v39 =	vor.u32 s23, v4;
	v36 =	vor.u32 s29, v4;
	v51 =	vmul.f32 $1.442695020e+00, v31;
	[tilespmem:v28+s18+$0x0] =	vst.idx.msk $0xff, v3;
	v3 =	vpop (erf)  }
0x209: {  	s26 =	simm.s32 $0x13;
	v52 =	vor.u32 s30, v4;
	v23 =	vor.u32 s29, v0;
	v2 =	vadd.f32 v50, v2;
	v50 =	vld.idx.msk [tilespmem:v53+s17+$0x0], $0xffff;
	v53 =	vpop (erf)  }
0x20a: {  	v54 =	vor.u32 s29, v61;
	v31 =	vor.u32 s26, v0;
	(xrf1) =	vsort.dscd.msk.f32 $0xffff, v42, v34;
	(erf) = vpow2.f32 v51;
	v34 =	vpop (erf)  }
0x20b: {  	vm3 =	vgt.f32 v45, $0.0e+00;
	v49 =	vld.idx.msk [tilespmem:v22+s15+$0x0], $0xffff;
	(xrf1) =	vsort.dscd.msk.f32 $0xffff, v3, v35;
	v35 =	vmul.f32 $9.999999770e-03, v45;
	(erf) = vpow2.f32 v1;
	v1 =	vpop (erf)  }
0x20c: {  	v48 =	vld.idx.msk [tilespmem:v30+s15+$0x0], $0xffff;
	[tilespmem:v15+s19+$0x0] =	vst.idx.msk $0xff, v20;
	v3 =	vsel vm1, v43, v44;
	(xrf1) =	vsort.dscd.msk.f32 $0xffff, v1, v40;
	v1, v44, _ =	vpop (xrf1)  }
0x20d: {  	vm2 =	vgt.f32 v2, $0.0e+00;
	v20 =	vor.u32 s30, v0;
	v36 =	vld.idx.msk [tilespmem:v36+s2+$0x0], $0xffff;
	[tilespmem:v29+s18+$0x0] =	vst.idx.msk $0xff, v1;
	v1 =	vsel vm3, v45, v35  }
0x20e: {  	v46 =	vmul.f32 $9.999999770e-03, v2;
	[tilespmem:v18+s18+$0x0] =	vst.idx.msk $0xff, v59;
	v59 =	vor.u32 s26, v4;
	v1 =	vmul.f32 $1.442695020e+00, v1  }
0x20f: {  	v15 =	vor.u32 s23, v0;
	v27 =	vor.u32 s25, v0;
	v54 =	vld.idx.msk [tilespmem:v54+s17+$0x0], $0xffff;
	[tilespmem:v18+s19+$0x0] =	vst.idx.msk $0xff, v47;
	v3 =	vmul.f32 $1.442695020e+00, v3  }
0x210: {  	[tilespmem:v28+s19+$0x0] =	vst.idx.msk $0xff, v60;
	v60 =	vor.u32 s26, v61;
	v42 =	vadd.f32 v50, v49;
	(xrf1) =	vsort.ascd.msk.f32 $0xffff, v34, v37;
	v47 =	vpop (erf)  }
0x211: {  	v28 =	vld.idx.msk [tilespmem:v23+s2+$0x0], $0xffff;
	v43 =	vadd.f32 v50, v48;
	(erf) = vpow2.f32 v3;
	v3 =	vmul.f32 $9.999999770e-03, v57;
	(xrf1) =	vsort.ascd.msk.f32 $0xffff, v47, v41;
	v50, v41, _ =	vpop (xrf1)  }
0x212: {  	v2 =	vsel vm2, v2, v46;
	vm1 =	vgt.f32 v57, $0.0e+00;
	v40 =	vld.idx.msk [tilespmem:v20+s2+$0x0], $0xffff;
	[tilespmem:v29+s19+$0x0] =	vst.idx.msk $0xff, v44;
	(erf) = vpow2.f32 v1;
	v1, v29, _ =	vpop (xrf1)  }
0x213: {  	v37 =	vld.idx.msk [tilespmem:v59+s2+$0x0], $0xffff;
	v45 =	vsel vm1, v57, v3;
	v57 =	vsel vm0, v1, v55;
	v1 =	vmul.f32 $9.999999770e-03, v43  }
0x214: {  	s31 =	simm.s32 $0x15;
	v46 =	vor.u32 s25, v61;
	v2 =	vmul.f32 $1.442695020e+00, v2;
	v34 =	vld.idx.msk [tilespmem:v58+s2+$0x0], $0xffff;
	vm1 =	vgt.f32 v43, $0.0e+00  }
0x215: {  	v18 =	vor.u32 s31, v0;
	v47 =	vld.idx.msk [tilespmem:v36+s15+$0x0], $0xffff;
	v59 =	vsel vm1, v43, v1;
	v43 =	vor.u32 s30, v61  }
0x216: {  	v51 =	vor.u32 s31, v4;
	v48 =	vor.u32 s31, v61;
	v3 =	vmul.f32 $9.999999770e-03, v42;
	v35 =	vld.idx.msk [tilespmem:v60+s17+$0x0], $0xffff  }
0x217: {  	v49 =	vor.u32 s22, v4;
	vm2 =	vgt.f32 v42, $0.0e+00;
	v44 =	vld.idx.msk [tilespmem:v31+s2+$0x0], $0xffff;
	[tilespmem:v5+s18+$0x0] =	vst.idx.msk $0xff, v50;
	(erf) = vpow2.f32 v2;
	v1 =	vpop (erf)  }
0x218: {  	s21 =	simm.s32 $0x18;
	v50 =	vsel vm2, v42, v3;
	v58 =	vsel vm0, v29, v56;
	v29 =	vld.idx.msk [tilespmem:v27+s2+$0x0], $0xffff;
	v55, v56, _ =	vpop (xrf1);
	(xrf1) =	vsort.dscd.msk.f32 $0xffff, v1, v38  }
.LBB2_4:
0x219: {  	_ = 	snop  }
0x21a: {  	v2 =	vmul.f32 $1.442695020e+00, v45;
	v45 =	vmov v30;
	v30 =	vld.idx.msk [tilespmem:v43+s17+$0x0], $0xffff;
	v3 =	vpop (erf)  }
0x21b: {  	[tilespmem:v5+s19+$0x0] =	vst.idx.msk $0xff, v41;
	v5 =	vmov v27;
	v41 =	vld.idx.msk [tilespmem:v52+s2+$0x0], $0xffff;
	(xrf1) =	vsort.ascd.msk.f32 $0xffff, v3, v25  }
0x21c: {  	v8 =	vmul.f32 $1.442695020e+00, v59;
	v27 =	vld.idx.msk [tilespmem:v46+s17+$0x0], $0xffff;
	(erf) = vpow2.f32 v2;
	(xrf1) =	vsort.dscd.msk.f32 $0xffff, v57, v58;
	v3 =	vadd.f32 v54, v47  }
0x21d: {  	v14 =	vmov v31;
	(erf) = vpow2.f32 v32;
	v1 =	vld.idx.msk [tilespmem:v28+s15+$0x0], $0xffff;
	(xrf1) =	vsort.ascd.msk.f32 $0xffff, v53, v17;
	v31 =	vpop (erf)  }
0x21e: {  	v32 =	vld.idx.msk [tilespmem:v40+s15+$0x0], $0xffff;
	(erf) = vpow2.f32 v8;
	v59 =	vmul.f32 $9.999999770e-03, v3;
	v52, v60, _ =	vpop (xrf1)  }
0x21f: {  	v25 =	vld.idx.msk [tilespmem:v34+s15+$0x0], $0xffff;
	vm1 =	vgt.f32 v3, $0.0e+00;
	v2 =	vpop (erf)  }
0x220: {  	v6 =	vmov v62;
	v8 =	vsel vm1, v3, v59;
	v62 =	vpop (erf);
	(xrf1) =	vsort.ascd.msk.f32 $0xffff, v2, v24  }
0x221: {  	v38 =	vmov v63;
	v58 =	vor.u32 s23, v61;
	v3, v63, _ =	vpop (xrf1);
	v8 =	vmul.f32 $1.442695020e+00, v8;
	(xrf1) =	vsort.dscd.msk.f32 $0xffff, v62, v26  }
0x222: {  	v47 =	vld.idx.msk [tilespmem:v18+s2+$0x0], $0xffff;
	v1 =	vadd.f32 v54, v1;
	v54 =	vsel vm0, v60, v56;
	(xrf1) =	vsort.dscd.msk.f32 $0xffff, v31, v19;
	v31, v57, _ =	vpop (xrf1)  }
0x223: {  	v53 =	vld.idx.msk [tilespmem:v41+s15+$0x0], $0xffff;
	v32 =	vadd.f32 v30, v32;
	v19 =	vmov v44;
	(erf) = vpow2.f32 v8;
	v2, v59, _ =	vpop (xrf1)  }
0x224: {  	v44 =	vld.idx.msk [tilespmem:v51+s2+$0x0], $0xffff;
	v51 =	vadd.f32 v27, v25;
	v26 =	vmul.f32 $9.999999770e-03, v1;
	vm1 =	vgt.f32 v1, $0.0e+00;
	v60, v62, _ =	vpop (xrf1)  }
0x225: {  	v42 =	vld.idx.msk [tilespmem:v15+s2+$0x0], $0xffff;
	v8 =	vsel vm0, v3, v2;
	v3 =	vsel vm0, v63, v59;
	v2 =	vpop (erf);
	v63 =	vmul.f32 $9.999999770e-03, v32  }
0x226: {  	v17 =	vmov v37;
	(xrf1) =	vsort.dscd.msk.f32 $0xffff, v8, v3;
	v1 =	vsel vm1, v1, v26;
	v26 =	vsel vm0, v31, v60;
	v31 =	vpop (erf)  }
0x227: {  	v52 =	vsel vm0, v52, v55;
	v24 =	vld.idx.msk [tilespmem:v49+s2+$0x0], $0xffff;
	(xrf1) =	vsort.dscd.msk.f32 $0xffff, v2, v21;
	v37 =	vpop (erf)  }
0x228: {  	v25 =	vld.idx.msk [tilespmem:v39+s2+$0x0], $0xffff;
	vm2 =	vgt.f32 v51, $0.0e+00;
	v21 =	vsel vm0, v57, v62;
	(xrf1) =	vsort.ascd.msk.f32 $0xffff, v31, v16;
	v31, v39, _ =	vpop (xrf1)  }
0x229: {  	vm1 =	vgt.f32 v32, $0.0e+00;
	v2 =	vld.idx.msk [tilespmem:v48+s17+$0x0], $0xffff;
	v48 =	vmul.f32 $9.999999770e-03, v51;
	v62, v60, _ =	vpop (xrf1);
	(xrf1) =	vsort.dscd.msk.f32 $0xffff, v26, v21;
	v21 =	vadd.f32 v30, v53  }
0x22a: {  	v49 =	vld.idx.msk [tilespmem:v58+s17+$0x0], $0xffff;
	v26 =	vsel vm1, v32, v63;
	v31 =	vsel vm0, v31, v62;
	v55, v63, _ =	vpop (xrf1);
	v39 =	vsel vm0, v39, v60  }
0x22b: {  	v3 =	vld.idx.msk [tilespmem:v17+s15+$0x0], $0xffff;
	v58 =	vsel vm2, v51, v48;
	v51, v53, _ =	vpop (xrf1);
	(xrf1) =	vsort.dscd.msk.f32 $0xffff, v31, v39  }
0x22c: {  	v43 =	vmov v40;
	v1 =	vmul.f32 $1.442695020e+00, v1;
	v30 =	vld.idx.msk [tilespmem:v47+s15+$0x0], $0xffff;
	v31 =	vmul.f32 $9.999999770e-03, v21;
	v59 =	vpop (erf)  }
0x22d: {  	v40 =	vor.u32 s22, v0;
	v48 =	vld.idx.msk [tilespmem:v44+s15+$0x0], $0xffff;
	[tilespmem:v7+s18+$0x0] =	vst.idx.msk $0xff, v55;
	vm2 =	vgt.f32 v21, $0.0e+00;
	(xrf1) =	vsort.ascd.msk.f32 $0xffff, v59, v36  }
0x22e: {  	s24 =	smov.u32 s21;
	v55 =	vmul.f32 $1.442695020e+00, v26;
	[tilespmem:v7+s19+$0x0] =	vst.idx.msk $0xff, v63;
	v7 =	vmovc v23;
	v23 =	vmul.f32 $1.442695020e+00, v50;
	v8 =	vsel vm2, v21, v31  }
0x22f: {  	v31 =	vld.idx.msk [tilespmem:v29+s15+$0x0], $0xffff;
	(erf) = vpow2.f32 v1;
	v21 =	vmov v29;
	v29 =	vor.u32 s24, v4;
	v60, v46, _ =	vpop (xrf1);
	(xrf1) =	vsort.dscd.msk.f32 $0xffff, v52, v54  }
0x230: {  	v3 =	vadd.f32 v35, v3;
	v50 =	vor.u32 s24, v61;
	(erf) = vpow2.f32 v23;
	v1, v61, _ =	vpop (xrf1)  }
0x231: {  	v33 =	vld.idx.msk [tilespmem:v33+s17+$0x0], $0xffff;
	v54 =	vmul.f32 $1.442695020e+00, v8;
	v1 =	vsel vm0, v1, v60;
	v8 =	vsel vm0, v61, v46  }
0x232: {  	v56 =	vld.idx.msk [tilespmem:v42+s15+$0x0], $0xffff;
	v16 =	vmov v34;
	v34 =	vor.u32 s24, v0;
	v63, v62, _ =	vpop (xrf1);
	(xrf1) =	vsort.dscd.msk.f32 $0xffff, v1, v8  }
0x233: {  	v39 =	vld.idx.msk [tilespmem:v19+s15+$0x0], $0xffff;
	v30 =	vadd.f32 v2, v30;
	(erf) = vpow2.f32 v55;
	v61 =	vmul.f32 $9.999999770e-03, v3  }
0x234: {  	vm1 =	vgt.f32 v3, $0.0e+00;
	v2 =	vadd.f32 v2, v48;
	v55 =	vld.idx.msk [tilespmem:v29+s2+$0x0], $0xffff;
	v23, v60, _ =	vpop (xrf1)  }
0x235: {  	v9 =	vld [tilespmem:$0x1FF60];
	v1 =	vmul.f32 $9.999999770e-03, v30;
	v3 =	vsel vm1, v3, v61;
	[tilespmem:v10+s18+$0x0] =	vst.idx.msk $0xff, v23;
	v23 =	vsel vm0, v62, v53;
	v53, v62, _ =	vpop (xrf1)  }
0x236: {  	v26 =	vld.idx.msk [tilespmem:v40+s2+$0x0], $0xffff;
	vm4 =	vgt.f32 v30, $0.0e+00;
	v51 =	vsel vm0, v63, v51;
	v8 =	vmul.f32 $1.442695020e+00, v3;
	[tilespmem:v10+s19+$0x0] =	vst.idx.msk $0xff, v60;
	v46, v10, _ =	vpop (xrf1)  }
0x237: {  	v29 =	vadd.f32 v27, v31;
	v1 =	vsel vm4, v30, v1;
	v30 =	vld.idx.msk [tilespmem:v34+s2+$0x0], $0xffff;
	v60 =	vsel vm0, v62, v10;
	v61, v62, _ =	vpop (xrf1)  }
0x238: {  	v27 =	vpop (erf);
	(erf) = vpow2.f32 v8;
	v8 =	vld [tilespmem:$0x1FFF0];
	v10 =	vmov v20;
	v20 =	vmul.f32 $9.999999770e-03, v2;
	[tilespmem:v13+s18+$0x0] =	vst.idx.msk $0xff, v61  }
0x239: {  	v35 =	vadd.f32 v35, v39;
	vm3 =	vgt.f32 v2, $0.0e+00;
	(xrf1) =	vsort.dscd.msk.f32 $0xffff, v51, v23;
	[tilespmem:v13+s19+$0x0] =	vst.idx.msk $0xff, v62;
	v13, v39, _ =	vpop (xrf1)  }
0x23a: {  	v36 =	vld.idx.msk [tilespmem:v25+s15+$0x0], $0xffff;
	v2 =	vsel vm3, v2, v20;
	v20 =	vsel vm0, v53, v46;
	[tilespmem:v11+s18+$0x0] =	vst.idx.msk $0xff, v13;
	v13 =	vpop (erf)  }
0x23b: {  	v63 =	vld.idx.msk [tilespmem:v24+s15+$0x0], $0xffff;
	v3, v59, _ =	vpop (xrf1);
	(xrf1) =	vsort.dscd.msk.f32 $0xffff, v20, v60  }
0x23c: {  	s26 =	sadd.s32 $0x7, s24;
	v2 =	vmul.f32 $1.442695020e+00, v2;
	v62 =	vpop (erf);
	(erf) = vpow2.f32 v54;
	v54 =	vld.idx.msk [tilespmem:v55+s15+$0x0], $0xffff;
	(xrf1) =	vsort.dscd.msk.f32 $0xffff, v27, v28  }
0x23d: {  	v1 =	vmul.f32 $1.442695020e+00, v1;
	v20, v28, _ =	vpop (xrf1);
	(xrf1) =	vsort.ascd.msk.f32 $0xffff, v13, v22;
	v22 =	vmov v55;
	v55 =	vor.u32 s26, v8;
	v8 =	vld [tilespmem:$0x1FFF0]  }
0x23e: {  	v48 =	vadd.f32 v49, v56;
	v56 =	vld.idx.msk [tilespmem:v26+s15+$0x0], $0xffff  }
0x23f: {  	v36 =	vadd.f32 v49, v36;
	v61 =	vld.idx.msk [tilespmem:v30+s15+$0x0], $0xffff;
	(erf) = vpow2.f32 v1;
	[tilespmem:v9+s18+$0x0] =	vst.idx.msk $0xff, v20  }
0x240: {  	s28 =	sadd.s32 $0x5, s24;
	s25 =	sadd.s32 $0x1, s24;
	s29 =	sadd.s32 $0x2, s24;
	v32 =	vmul.f32 $1.442695020e+00, v58;
	v58 =	vadd.f32 v33, v63;
	(erf) = vpow2.f32 v2;
	v1 =	vld.idx.msk [tilespmem:v50+s17+$0x0], $0xffff;
	[tilespmem:v9+s19+$0x0] =	vst.idx.msk $0xff, v28;
	v2, v63, _ =	vpop (xrf1)  }
0x241: {  	s23 =	sadd.s32 $0x4, s24;
	s22 =	sadd.s32 $0x6, s24;
	s24 =	sadd.s32 $0x3, s24;
	v9 =	vld [tilespmem:$0x1FF70];
	[tilespmem:v12+s18+$0x0] =	vst.idx.msk $0xff, v2  }
0x242: {  	v52 =	vor.u32 s25, v4;
	v31 =	vmul.f32 $9.999999770e-03, v36;
	[tilespmem:v12+s19+$0x0] =	vst.idx.msk $0xff, v63;
	v63 =	vor.u32 s24, v8;
	v8 =	vld [tilespmem:$0x1FFF0]  }
0x243: {  	vm2 =	vgt.f32 v48, $0.0e+00;
	vm1 =	vgt.f32 v35, $0.0e+00;
	vm15 =	vgt.f32 v36, $0.0e+00  }
0x244: {  	v49 =	vor.u32 s22, v4;
	v23 =	vmul.f32 $9.999999770e-03, v48;
	v31 =	vsel vm15, v36, v31  }
0x245: {  	v36 =	vor.u32 s26, v4;
	v51 =	vor.u32 s28, v4;
	v56 =	vadd.f32 v33, v56  }
0x246: {  	v57 =	vmul.f32 $1.442695020e+00, v31;
	v46 =	vmul.f32 $9.999999770e-03, v35;
	v31 =	vsel vm2, v48, v23  }
0x247: {  	v23 =	vor.u32 s26, v0;
	vm3 =	vgt.f32 v58, $0.0e+00;
	v33 =	vor.u32 s22, v8;
	v8 =	vmovc v9  }
0x248: {  	vm2 =	vgt.f32 v56, $0.0e+00;
	v48 =	vmul.f32 $1.442695020e+00, v31;
	v31 =	vor.u32 s24, v0;
	[tilespmem:$0x1FF60] =	vst v8;
	v8 =	vld [tilespmem:$0x1FFF0]  }
0x249: {  	[tilespmem:v11+s19+$0x0] =	vst.idx.msk $0xff, v39;
	v39 =	vor.u32 s23, v4;
	v60 =	vmul.f32 $9.999999770e-03, v56;
	v20 =	vor.u32 s25, v0  }
0x24a: {  	v11 =	vmovc v15;
	v15 =	vor.u32 s23, v0;
	v27 =	vor.u32 s29, v0;
	v2 =	vor.u32 s24, v4  }
0x24b: {  	v36 =	vld.idx.msk [tilespmem:v36+s2+$0x0], $0xffff;
	v60 =	vsel vm2, v56, v60;
	v53 =	vpop (erf);
	(erf) = vpow2.f32 v48;
	v9 =	vmov v34  }
0x24c: {  	v13 =	vmovc v18;
	v50 =	vor.u32 s29, v4;
	v28 =	vld.idx.msk [tilespmem:v23+s2+$0x0], $0xffff;
	(erf) = vpow2.f32 v57;
	[tilespmem:$0x1FF70] =	vst v9;
	v9 =	vadd.f32 v1, v54  }
0x24d: {  	(xrf1) =	vsort.dscd.msk.f32 $0xffff, v37, v45;
	v37, v57, _ =	vpop (xrf1);
	v1 =	vadd.f32 v1, v61;
	v61 =	vld [tilespmem:$0x1FFF0];
	v48 =	vor.u32 s28, v8;
	v8 =	vmul.f32 $9.999999770e-03, v58  }
0x24e: {  	v18 =	vor.u32 s28, v0;
	v12 =	vmov v40;
	v40 =	vld.idx.msk [tilespmem:v20+s2+$0x0], $0xffff;
	[tilespmem:v38+s18+$0x0] =	vst.idx.msk $0xff, v37;
	v34 =	vsel vm1, v35, v46  }
0x24f: {  	vm2 =	vgt.f32 v29, $0.0e+00;
	v45 =	vpop (erf);
	v37 =	vld.idx.msk [tilespmem:v2+s2+$0x0], $0xffff;
	v34 =	vmul.f32 $1.442695020e+00, v34;
	v2 =	vsel vm3, v58, v8  }
0x250: {  	(xrf1) =	vsort.dscd.msk.f32 $0xffff, v62, v43;
	v62 =	vmovc v5;
	v5 =	vmov v6;
	v35 =	vld.idx.msk [tilespmem:v63+s17+$0x0], $0xffff;
	v63 =	vmov v14;
	v58 =	vmul.f32 $1.442695020e+00, v2  }
0x251: {  	p1 =	slt.u32 s21, $0x78;
	[tilespmem:v38+s19+$0x0] =	vst.idx.msk $0xff, v57;
	vm1 =	vgt.f32 v9, $0.0e+00;
	v8 =	vpop (erf);
	(erf) = vpow2.f32 v34;
	v34 =	vld.idx.msk [tilespmem:v50+s2+$0x0], $0xffff;
	v50 =	vmul.f32 $1.442695020e+00, v60  }
.Ltmp3:
0x252: {  	v54 =	vld.idx.msk [tilespmem:v55+s17+$0x0], $0xffff;
	v55 =	vmul.f32 $9.999999770e-03, v9;
	v46 =	vor.u32 s29, v61;
	v56 =	vpop (erf);
	(xrf1) =	vsort.dscd.msk.f32 $0xffff, v8, v47;
	(erf) = vpow2.f32 v58;
	(pc) =	sbr.rel @p1 .LBB2_4-.Ltmp3, $4  }
0x253: {  	v43 =	vor.u32 s25, v61;
	v8 =	vmul.f32 $9.999999770e-03, v29;
	v47 =	vld.idx.msk [tilespmem:v36+s15+$0x0], $0xffff;
	(xrf1) =	vsort.ascd.msk.f32 $0xffff, v45, v41;
	v60, v41, _ =	vpop (xrf1);
	(erf) = vpow2.f32 v50  }
0x254: {  	v50 =	vsel vm1, v9, v55;
	(xrf1) =	vsort.ascd.msk.f32 $0xffff, v56, v44;
	v2, v44, _ =	vpop (xrf1);
	[tilespmem:v6+s18+$0x0] =	vst.idx.msk $0xff, v60;
	v6 =	vmul.f32 $9.999999770e-03, v1  }
0x255: {  	v45 =	vsel vm2, v29, v8;
	vm2 =	vgt.f32 v1, $0.0e+00;
	v29 =	vld.idx.msk [tilespmem:v27+s2+$0x0], $0xffff;
	v57 =	vsel vm0, v2, v3;
	v2 =	vpop (erf)  }
0x256: {  	s21 =	sadd.s32 $0x8, s21;
	v58 =	vsel vm0, v44, v59;
	v44 =	vld.idx.msk [tilespmem:v31+s2+$0x0], $0xffff;
	v55, v56, _ =	vpop (xrf1);
	v59 =	vsel vm2, v1, v6;
	(xrf1) =	vsort.dscd.msk.f32 $0xffff, v2, v42  }
0x257: {  	v1 =	vmul.f32 $1.442695020e+00, v45;
	_ =	sdelay $0x1  }
0x258: {  	v2 =	vpop (erf)  }
0x259: {  	(xrf1) =	vsort.ascd.msk.f32 $0xffff, v2, v25  }
0x25a: {  	v25 =	vld.idx.msk [tilespmem:v52+s2+$0x0], $0xffff;
	v2 =	vadd.f32 v54, v47;
	(erf) = vpow2.f32 v1;
	v1 =	vpop (erf)  }
0x25b: {  	(xrf1) =	vsort.dscd.msk.f32 $0xffff, v57, v58;
	v58 =	vmul.f32 $1.442695020e+00, v59;
	v3, v8, _ =	vpop (xrf1)  }
0x25c: {  	v38 =	vld.idx.msk [tilespmem:v28+s15+$0x0], $0xffff;
	(erf) = vpow2.f32 v32;
	v42 =	vmul.f32 $9.999999770e-03, v2;
	v9 =	vpop (erf)  }
0x25d: {  	v43 =	vld.idx.msk [tilespmem:v43+s17+$0x0], $0xffff;
	vm1 =	vgt.f32 v2, $0.0e+00;
	v59 =	vpop (erf)  }
0x25e: {  	v57 =	vld.idx.msk [tilespmem:v40+s15+$0x0], $0xffff;
	(xrf1) =	vsort.ascd.msk.f32 $0xffff, v53, v17;
	v2 =	vsel vm1, v2, v42;
	v14, v60, _ =	vpop (xrf1)  }
0x25f: {  	v17 =	vld.idx.msk [tilespmem:v15+s2+$0x0], $0xffff;
	v2 =	vmul.f32 $1.442695020e+00, v2;
	(xrf1) =	vsort.ascd.msk.f32 $0xffff, v9, v24;
	v9, v24, _ =	vpop (xrf1)  }
0x260: {  	v32 =	vld.idx.msk [tilespmem:v18+s2+$0x0], $0xffff;
	(erf) = vpow2.f32 v58;
	(xrf1) =	vsort.dscd.msk.f32 $0xffff, v59, v26;
	v59, v58, _ =	vpop (xrf1)  }
0x261: {  	(erf) = vpow2.f32 v2;
	(xrf1) =	vsort.dscd.msk.f32 $0xffff, v1, v19;
	v19 =	vld.idx.msk [tilespmem:v51+s2+$0x0], $0xffff;
	v1 =	vsel vm0, v14, v59  }
0x262: {  	v61 =	vor.u32 s23, v61;
	v60 =	vsel vm0, v60, v58;
	v14 =	vld.idx.msk [tilespmem:v25+s15+$0x0], $0xffff  }
0x263: {  	v2 =	vadd.f32 v54, v38;
	v38 =	vadd.f32 v43, v57;
	v58, v57, _ =	vpop (xrf1);
	(xrf1) =	vsort.dscd.msk.f32 $0xffff, v1, v60  }
0x264: {  	v47 =	vld.idx.msk [tilespmem:v48+s17+$0x0], $0xffff;
	v1 =	vpop (erf)  }
0x265: {  	v8 =	vsel vm0, v8, v56;
	v54 =	vpop (erf);
	(xrf1) =	vsort.dscd.msk.f32 $0xffff, v1, v21;
	v21 =	vld.idx.msk [tilespmem:v39+s2+$0x0], $0xffff  }
0x266: {  	v3 =	vsel vm0, v3, v55;
	vm1 =	vgt.f32 v2, $0.0e+00;
	v60, v59, _ =	vpop (xrf1);
	v1 =	vmul.f32 $9.999999770e-03, v2;
	v39 =	vld.idx.msk [tilespmem:v37+s15+$0x0], $0xffff;
	(xrf1) =	vsort.ascd.msk.f32 $0xffff, v54, v16  }
0x267: {  	v42 =	vld.idx.msk [tilespmem:v61+s17+$0x0], $0xffff;
	v61 =	vmul.f32 $9.999999770e-03, v38;
	v24 =	vsel vm0, v24, v57;
	v43 =	vadd.f32 v43, v14;
	v57, v14, _ =	vpop (xrf1)  }
0x268: {  	v51 =	vld.idx.msk [tilespmem:v17+s15+$0x0], $0xffff;
	v1 =	vsel vm1, v2, v1;
	v2 =	vsel vm0, v9, v58;
	v48 =	vsel vm0, v59, v14  }
0x269: {  	v16 =	vor.u32 s22, v0;
	v45 =	vpop (erf);
	v9 =	vsel vm0, v60, v57;
	v60 =	vmul.f32 $1.442695020e+00, v50;
	(xrf1) =	vsort.dscd.msk.f32 $0xffff, v2, v24;
	v2 =	vld.idx.msk [tilespmem:v32+s15+$0x0], $0xffff  }
0x26a: {  	vm1 =	vgt.f32 v38, $0.0e+00;
	v59 =	vpop (erf);
	v1 =	vmul.f32 $1.442695020e+00, v1;
	v54 =	vld.idx.msk [tilespmem:v19+s15+$0x0], $0xffff;
	v58 =	vmul.f32 $9.999999770e-03, v43  }
0x26b: {  	v26, v24, _ =	vpop (xrf1);
	v38 =	vsel vm1, v38, v61;
	vm1 =	vgt.f32 v43, $0.0e+00;
	v39 =	vadd.f32 v35, v39  }
0x26c: {  	(xrf1) =	vsort.dscd.msk.f32 $0xffff, v9, v48;
	v38 =	vmul.f32 $1.442695020e+00, v38;
	v43 =	vsel vm1, v43, v58;
	(erf) = vpow2.f32 v1;
	v9, v48, _ =	vpop (xrf1)  }
0x26d: {  	v51 =	vadd.f32 v42, v51;
	v1 =	vld.idx.msk [tilespmem:v49+s2+$0x0], $0xffff;
	(xrf1) =	vsort.ascd.msk.f32 $0xffff, v59, v36;
	v43 =	vmul.f32 $1.442695020e+00, v43;
	v61, v50, _ =	vpop (xrf1);
	v36 =	vmul.f32 $9.999999770e-03, v39  }
0x26e: {  	v52 =	vld.idx.msk [tilespmem:v16+s2+$0x0], $0xffff;
	(erf) = vpow2.f32 v60;
	vm1 =	vgt.f32 v39, $0.0e+00;
	v59, v14, _ =	vpop (xrf1);
	v2 =	vadd.f32 v47, v2  }
0x26f: {  	v47 =	vadd.f32 v47, v54;
	v54 =	vld.idx.msk [tilespmem:v21+s15+$0x0], $0xffff;
	v49 =	vsel vm0, v59, v61;
	v36 =	vsel vm1, v39, v36  }
0x270: {  	v61, v60, _ =	vpop (xrf1);
	v50 =	vsel vm0, v14, v50;
	v14 =	vmul.f32 $9.999999770e-03, v2;
	v36 =	vmul.f32 $1.442695020e+00, v36  }
0x271: {  	(erf) = vpow2.f32 v38;
	vm1 =	vgt.f32 v2, $0.0e+00;
	v48 =	vsel vm0, v60, v48;
	v39, v57, _ =	vpop (xrf1);
	(xrf1) =	vsort.dscd.msk.f32 $0xffff, v3, v8  }
0x272: {  	v3 =	vsel vm0, v61, v9;
	v61 =	vld.idx.msk [tilespmem:v44+s15+$0x0], $0xffff;
	v2 =	vsel vm1, v2, v14;
	(erf) = vpow2.f32 v36  }
0x273: {  	v14 =	vmul.f32 $9.999999770e-03, v47;
	vm1 =	vgt.f32 v47, $0.0e+00;
	v2 =	vmul.f32 $1.442695020e+00, v2;
	v53, v58, _ =	vpop (xrf1);
	(xrf1) =	vsort.dscd.msk.f32 $0xffff, v49, v50  }
0x274: {  	(erf) = vpow2.f32 v43;
	v49 =	vadd.f32 v42, v54;
	v54 =	vmul.f32 $9.999999770e-03, v51;
	v60, v59, _ =	vpop (xrf1);
	(xrf1) =	vsort.dscd.msk.f32 $0xffff, v3, v48;
	v3 =	vld.idx.msk [tilespmem:v33+s17+$0x0], $0xffff  }
0x275: {  	v55 =	vsel vm1, v47, v14;
	vm1 =	vgt.f32 v51, $0.0e+00;
	v48 =	vld.idx.msk [tilespmem:v1+s15+$0x0], $0xffff;
	v9 =	vsel vm0, v58, v59  }
0x276: {  	v8 =	vsel vm0, v53, v60;
	v53 =	vpop (erf);
	(erf) = vpow2.f32 v2;
	v2 =	vld.idx.msk [tilespmem:v52+s15+$0x0], $0xffff;
	v56 =	vmul.f32 $9.999999770e-03, v49  }
0x277: {  	v59 =	vadd.f32 v35, v61;
	(xrf1) =	vsort.dscd.msk.f32 $0xffff, v8, v9;
	v9 =	vmul.f32 $1.442695020e+00, v55;
	v8 =	vsel vm1, v51, v54  }
0x278: {  	vm2 =	vgt.f32 v49, $0.0e+00;
	v58 =	vpop (erf);
	(xrf1) =	vsort.dscd.msk.f32 $0xffff, v53, v28;
	v8 =	vmul.f32 $1.442695020e+00, v8  }
0x279: {  	v42, v43, _ =	vpop (xrf1);
	v28 =	vsel vm2, v49, v56;
	v60 =	vmul.f32 $9.999999770e-03, v59;
	(erf) = vpow2.f32 v9  }
0x27a: {  	v61 =	vld.idx.msk [tilespmem:v29+s15+$0x0], $0xffff;
	vm1 =	vgt.f32 v59, $0.0e+00;
	v14 =	vpop (erf);
	(xrf1) =	vsort.ascd.msk.f32 $0xffff, v58, v22;
	v36 =	vadd.f32 v3, v48;
	(erf) = vpow2.f32 v8  }
0x27b: {  	v22, v33, _ =	vpop (xrf1);
	(xrf1) =	vsort.dscd.msk.f32 $0xffff, v45, v30;
	v35 =	vsel vm1, v59, v60;
	v2 =	vadd.f32 v3, v2;
	v3 =	vmul.f32 $1.442695020e+00, v28  }
0x27c: {  	v9 =	vld.idx.msk [tilespmem:v46+s17+$0x0], $0xffff;
	v38, v46, _ =	vpop (xrf1);
	v35 =	vmul.f32 $1.442695020e+00, v35;
	(xrf1) =	vsort.dscd.msk.f32 $0xffff, v14, v40;
	v54 =	vmul.f32 $9.999999770e-03, v36  }
0x27d: {  	v53 =	vld.idx.msk [tilespmem:v34+s15+$0x0], $0xffff;
	v45 =	vpop (erf);
	vm1 =	vgt.f32 v36, $0.0e+00  }
0x27e: {  	v56 =	vpop (erf);
	(erf) = vpow2.f32 v3;
	v3 =	vsel vm1, v36, v54  }
0x27f: {  	v55 =	vmul.f32 $9.999999770e-03, v2;
	v58 =	vpop (erf);
	v3 =	vmul.f32 $1.442695020e+00, v3  }
0x280: {  	vm2 =	vgt.f32 v2, $0.0e+00;
	v28, v36, _ =	vpop (xrf1);
	(xrf1) =	vsort.dscd.msk.f32 $0xffff, v58, v32  }
0x281: {  	v2 =	vsel vm2, v2, v55;
	(erf) = vpow2.f32 v35;
	v32, v35, _ =	vpop (xrf1);
	(xrf1) =	vsort.ascd.msk.f32 $0xffff, v56, v25  }
0x282: {  	v59 =	vadd.f32 v9, v61;
	v9 =	vadd.f32 v9, v53;
	v2 =	vmul.f32 $1.442695020e+00, v2;
	v25, v30, _ =	vpop (xrf1)  }
0x283: {  	(erf) = vpow2.f32 v3;
	v3 =	vpop (erf)  }
0x284: {  	(erf) = vpow2.f32 v2;
	v2 =	vmul.f32 $9.999999770e-03, v9;
	v14 =	vpop (erf)  }
0x285: {  	v60 =	vmul.f32 $9.999999770e-03, v59;
	vm2 =	vgt.f32 v9, $0.0e+00;
	v47, v48, _ =	vpop (xrf1)  }
0x286: {  	vm1 =	vgt.f32 v59, $0.0e+00;
	v2 =	vsel vm2, v9, v2;
	v61, v50, _ =	vpop (xrf1)  }
0x287: {  	v8 =	vsel vm1, v59, v60;
	v2 =	vmul.f32 $1.442695020e+00, v2;
	v58 =	vpop (erf)  }
0x288: {  	v8 =	vmul.f32 $1.442695020e+00, v8;
	v56, v51, _ =	vpop (xrf1);
	(xrf1) =	vsort.ascd.msk.f32 $0xffff, v3, v19  }
0x289: {  	(xrf1) =	vsort.dscd.msk.f32 $0xffff, v14, v17;
	v3, v59, _ =	vpop (xrf1)  }
0x28a: {  	(erf) = vpow2.f32 v8;
	v60 =	vsel vm0, v61, v38;
	v61 =	vsel vm0, v50, v46;
	(xrf1) =	vsort.ascd.msk.f32 $0xffff, v58, v21;
	v49, v46, _ =	vpop (xrf1)  }
0x28b: {  	[tilespmem:v5+s19+$0x0] =	vst.idx.msk $0xff, v41;
	(erf) = vpow2.f32 v2;
	v2 =	vpop (erf)  }
0x28c: {  	[tilespmem:v7+s18+$0x0] =	vst.idx.msk $0xff, v26;
	(xrf1) =	vsort.dscd.msk.f32 $0xffff, v60, v61;
	v14 =	vpop (erf)  }
0x28d: {  	[tilespmem:v7+s19+$0x0] =	vst.idx.msk $0xff, v24;
	(xrf1) =	vsort.ascd.msk.f32 $0xffff, v45, v37;
	v38 =	vpop (erf)  }
0x28e: {  	[tilespmem:v10+s18+$0x0] =	vst.idx.msk $0xff, v39;
	(xrf1) =	vsort.ascd.msk.f32 $0xffff, v14, v1;
	v1, v19, _ =	vpop (xrf1)  }
0x28f: {  	[tilespmem:v10+s19+$0x0] =	vst.idx.msk $0xff, v57;
	(xrf1) =	vsort.dscd.msk.f32 $0xffff, v38, v52;
	v52, v50, _ =	vpop (xrf1)  }
0x290: {  	[tilespmem:v13+s18+$0x0] =	vst.idx.msk $0xff, v42;
	(xrf1) =	vsort.dscd.msk.f32 $0xffff, v2, v44;
	v2 =	vsel vm0, v49, v52  }
0x291: {  	[tilespmem:v13+s19+$0x0] =	vst.idx.msk $0xff, v43  }
0x292: {  	[tilespmem:v11+s18+$0x0] =	vst.idx.msk $0xff, v22;
	v53 =	vsel vm0, v46, v50  }
0x293: {  	[tilespmem:v11+s19+$0x0] =	vst.idx.msk $0xff, v33;
	(xrf1) =	vsort.dscd.msk.f32 $0xffff, v2, v53;
	v2 =	vpop (erf)  }
0x294: {  	v6 =	vld [tilespmem:$0x1FF60];
	v5 =	vpop (erf)  }
0x295: {  	(xrf1) =	vsort.dscd.msk.f32 $0xffff, v2, v29  }
0x296: {  	(xrf1) =	vsort.ascd.msk.f32 $0xffff, v5, v34;
	v2, v5, _ =	vpop (xrf1)  }
0x297: {  	v7, v54, _ =	vpop (xrf1);
	v1 =	vsel vm0, v1, v2;
	v2 =	vsel vm0, v19, v5  }
0x298: {  	v5, v55, _ =	vpop (xrf1);
	(xrf1) =	vsort.dscd.msk.f32 $0xffff, v1, v2  }
0x299: {  	v5 =	vsel vm0, v7, v5;
	v7 =	vsel vm0, v54, v55  }
0x29a: {  	(xrf1) =	vsort.dscd.msk.f32 $0xffff, v5, v7  }
0x29b: {  	[tilespmem:v12+s18+$0x0] =	vst.idx.msk $0xff, v32  }
0x29c: {  	[tilespmem:v6+s18+$0x0] =	vst.idx.msk $0xff, v28;
	v1, v2, _ =	vpop (xrf1)  }
0x29d: {  	[tilespmem:v12+s19+$0x0] =	vst.idx.msk $0xff, v35;
	v9, v10, _ =	vpop (xrf1)  }
0x29e: {  	[tilespmem:v63+s18+$0x0] =	vst.idx.msk $0xff, v25;
	v5, v7, _ =	vpop (xrf1)  }
0x29f: {  	[tilespmem:v6+s19+$0x0] =	vst.idx.msk $0xff, v36;
	v8 =	vsel vm0, v59, v51;
	v3 =	vsel vm0, v3, v56;
	v56, v57, _ =	vpop (xrf1)  }
0x2a0: {  	[tilespmem:v63+s19+$0x0] =	vst.idx.msk $0xff, v30;
	(xrf1) =	vsort.dscd.msk.f32 $0xffff, v3, v8;
	v3 =	vsel vm0, v56, v5  }
0x2a1: {  	[tilespmem:v62+s18+$0x0] =	vst.idx.msk $0xff, v47;
	v7 =	vsel vm0, v57, v7  }
0x2a2: {  	[tilespmem:v62+s19+$0x0] =	vst.idx.msk $0xff, v48;
	v5, v58, _ =	vpop (xrf1)  }
0x2a3: {  	[tilespmem:v23+s18+$0x0] =	vst.idx.msk $0xff, v1;
	(xrf1) =	vsort.dscd.msk.f32 $0xffff, v3, v7;
	v3, v6, _ =	vpop (xrf1)  }
0x2a4: {  	[tilespmem:v23+s19+$0x0] =	vst.idx.msk $0xff, v2;
	v7, v59, _ =	vpop (xrf1)  }
0x2a5: {  	[tilespmem:v20+s18+$0x0] =	vst.idx.msk $0xff, v3;
	v60, v61, _ =	vpop (xrf1)  }
0x2a6: {  	v5 =	vsel vm0, v5, v9;
	v8 =	vsel vm0, v58, v10;
	[tilespmem:v20+s19+$0x0] =	vst.idx.msk $0xff, v6;
	v1, v2, _ =	vpop (xrf1)  }
0x2a7: {  	(xrf1) =	vsort.dscd.msk.f32 $0xffff, v5, v8;
	[tilespmem:v18+s18+$0x0] =	vst.idx.msk $0xff, v1  }
0x2a8: {  	v10 =	vsel vm0, v59, v61;
	v5 =	vsel vm0, v7, v60;
	[tilespmem:v18+s19+$0x0] =	vst.idx.msk $0xff, v2;
	v1, v2, _ =	vpop (xrf1)  }
0x2a9: {  	(xrf1) =	vsort.dscd.msk.f32 $0xffff, v5, v10;
	[tilespmem:v15+s18+$0x0] =	vst.idx.msk $0xff, v1  }
0x2aa: {  	[tilespmem:v15+s19+$0x0] =	vst.idx.msk $0xff, v2  }
0x2ab: {  	v5 =	vld [tilespmem:$0x1FF70];
	_ =	sdelay $0x6  }
0x2ac: {  	v1, v3, _ =	vpop (xrf1)  }
0x2ad: {  	[tilespmem:v5+s18+$0x0] =	vst.idx.msk $0xff, v1;
	v1, v2, _ =	vpop (xrf1)  }
0x2ae: {  	[tilespmem:v16+s18+$0x0] =	vst.idx.msk $0xff, v1  }
0x2af: {  	[tilespmem:v5+s19+$0x0] =	vst.idx.msk $0xff, v3  }
0x2b0: {  	[tilespmem:v16+s19+$0x0] =	vst.idx.msk $0xff, v2;
	v1, v2, _ =	vpop (xrf1)  }
0x2b1: {  	[tilespmem:v31+s18+$0x0] =	vst.idx.msk $0xff, v1;
	v1, v3, _ =	vpop (xrf1)  }
0x2b2: {  	[tilespmem:v27+s18+$0x0] =	vst.idx.msk $0xff, v1  }
0x2b3: {  	[tilespmem:v31+s19+$0x0] =	vst.idx.msk $0xff, v2  }
0x2b4: {  	[tilespmem:v27+s19+$0x0] =	vst.idx.msk $0xff, v3  }
0x2b5: {  	[hbm4b:s9+s2] =	stream.linear.scatter [tilespmem:s18], [sflag:$0x1], $0x400, $0x38;
	[tilespmem:$0x6780] =	vst v63  }
0x2b6: {  	_ =	swait.ge [sflag:s16], $0x400  }
0x2b7: {  	[sflag:s16] =	ssyncset.done $0x0  }
.Ltmp4:
0x2b8: {  	[sflag:s16] =	ssyncadd.s32 $0xFFFFFC00;
	(pc) =	sbr.rel @p0 .LBB2_9-.Ltmp4, $4  }
0x2b9: {  	[hbm4b:s10+s2] =	stream.linear.scatter [tilespmem:s19], [sflag:$0x1], $0x400, $0x38;
	[tilespmem:$0x6780] =	vst v63  }
0x2ba: {  	_ =	swait.ge [sflag:s16], $0x400  }
0x2bb: {  	[sflag:s16] =	ssyncset.done $0x0  }
0x2bc: {  	[sflag:s16] =	ssyncadd.s32 $0xFFFFFC00  }
0x2bd: {  	s21 =	simm.s32 $0x0  }
0x2be: {  	v27 =	vor.u32 s21, v0;
	[tilespmem:s21], [sflag:$0x1] =	stream.linear.gather [hbm4b:s11+s21], $0x1000, $0x38;
	[tilespmem:$0x6780] =	vst v63  }
0x2bf: {  	v1 =	vor.u32 s21, v4;
	_ =	swait.ge [sflag:s16], $0x1000  }
0x2c0: {  	v63 =	vld [tilespmem:$0x1FFD0]  }
0x2c1: {  	s22 =	simm.s32 $0x7;
	[sflag:s16] =	ssyncset.done $0x0  }
0x2c2: {  	s28 =	simm.s32 $0x1;
	v21 =	vor.u32 s22, v0;
	[sflag:s16] =	ssyncadd.s32 $0xFFFFF000  }
0x2c3: {  	v15 =	vor.u32 s28, v0;
	v7 =	vld.idx.msk [tilespmem:v27+s2+$0x0], $0xffff  }
0x2c4: {  	v9 =	vld.idx.msk [tilespmem:v1+s2+$0x0], $0xffff;
	v1 =	vor.u32 s22, v4  }
0x2c5: {  	v2 =	vor.u32 s21, v63;
	_ =	sdelay $0x1  }
0x2c6: {  	v23 =	vld.idx.msk [tilespmem:v21+s2+$0x0], $0xffff  }
0x2c7: {  	s23 =	simm.s32 $0x2;
	v8 =	vld.idx.msk [tilespmem:v15+s2+$0x0], $0xffff;
	v5 =	vor.u32 s22, v63  }
0x2c8: {  	s29 =	simm.s32 $0x3;
	v10 =	vor.u32 s23, v4;
	v1 =	vld.idx.msk [tilespmem:v1+s2+$0x0], $0xffff  }
0x2c9: {  	v11 =	vor.u32 s29, v4;
	v2 =	vld.idx.msk [tilespmem:v2+s17+$0x0], $0xffff  }
0x2ca: {  	v14 =	vor.u32 s29, v0;
	v12 =	vor.u32 s29, v63;
	v3 =	vld.idx.msk [tilespmem:v7+s15+$0x0], $0xffff  }
0x2cb: {  	v6 =	vld.idx.msk [tilespmem:v9+s15+$0x0], $0xffff;
	[tilespmem:$0x1FF50] =	vst v14  }
0x2cc: {  	v24 =	vld.idx.msk [tilespmem:v5+s17+$0x0], $0xffff  }
0x2cd: {  	v13 =	vld.idx.msk [tilespmem:v10+s2+$0x0], $0xffff  }
0x2ce: {  	v22 =	vld.idx.msk [tilespmem:v11+s2+$0x0], $0xffff  }
0x2cf: {  	s31 =	simm.s32 $0x4;
	v5 =	vor.u32 s28, v4;
	v29 =	vld.idx.msk [tilespmem:v12+s17+$0x0], $0xffff  }
0x2d0: {  	v26 =	vor.u32 s31, v4;
	v14 =	vld.idx.msk [tilespmem:v14+s2+$0x0], $0xffff  }
0x2d1: {  	v10 =	vor.u32 s28, v63;
	v25 =	vld.idx.msk [tilespmem:v23+s15+$0x0], $0xffff  }
0x2d2: {  	s30 =	simm.s32 $0x5;
	v12 =	vor.u32 s23, v63;
	v31 =	vld.idx.msk [tilespmem:v8+s15+$0x0], $0xffff  }
0x2d3: {  	v19 =	vor.u32 s30, v4;
	v17 =	vld.idx.msk [tilespmem:v1+s15+$0x0], $0xffff  }
0x2d4: {  	v20 =	vor.u32 s30, v0;
	v11 =	vld.idx.msk [tilespmem:v5+s2+$0x0], $0xffff  }
0x2d5: {  	v18 =	vor.u32 s31, v0;
	v26 =	vld.idx.msk [tilespmem:v26+s2+$0x0], $0xffff  }
0x2d6: {  	v6 =	vadd.f32 v2, v6;
	v2 =	vadd.f32 v2, v3;
	v10 =	vld.idx.msk [tilespmem:v10+s17+$0x0], $0xffff  }
0x2d7: {  	s24 =	simm.s32 $0x6;
	v16 =	vld.idx.msk [tilespmem:v12+s17+$0x0], $0xffff  }
0x2d8: {  	v35 =	vor.u32 s24, v4;
	v32 =	vor.u32 s30, v63;
	v12 =	vld.idx.msk [tilespmem:v19+s2+$0x0], $0xffff;
	v34 =	vmul.f32 $9.999999770e-03, v2  }
0x2d9: {  	s25 =	simm.s32 $0xF;
	v37 =	vor.u32 s31, v63;
	vm2 =	vgt.f32 v2, $0.0e+00;
	v33 =	vadd.f32 v24, v17;
	v17 =	vld.idx.msk [tilespmem:v20+s2+$0x0], $0xffff  }
0x2da: {  	v46 =	vor.u32 s25, v63;
	v19 =	vld.idx.msk [tilespmem:v18+s2+$0x0], $0xffff;
	v38 =	vmul.f32 $9.999999770e-03, v6;
	v2 =	vsel vm2, v2, v34  }
0x2db: {  	vm1 =	vgt.f32 v6, $0.0e+00;
	v30 =	vld.idx.msk [tilespmem:v13+s15+$0x0], $0xffff;
	v2 =	vmul.f32 $1.442695020e+00, v2;
	v24 =	vadd.f32 v24, v25  }
0x2dc: {  	v3 =	vor.u32 s24, v63;
	v6 =	vsel vm1, v6, v38;
	v36 =	vmul.f32 $9.999999770e-03, v33;
	v39 =	vld.idx.msk [tilespmem:v11+s15+$0x0], $0xffff  }
0x2dd: {  	v55 =	vld.idx.msk [tilespmem:v32+s17+$0x0], $0xffff;
	vm2 =	vgt.f32 v33, $0.0e+00;
	(erf) = vpow2.f32 v2;
	v2 =	vmul.f32 $9.999999770e-03, v24  }
0x2de: {  	v54 =	vld.idx.msk [tilespmem:v22+s15+$0x0], $0xffff;
	v34 =	vor.u32 s24, v0;
	vm1 =	vgt.f32 v24, $0.0e+00;
	v25 =	vsel vm2, v33, v36  }
0x2df: {  	v43 =	vld.idx.msk [tilespmem:v14+s15+$0x0], $0xffff;
	v31 =	vadd.f32 v10, v31;
	v2 =	vsel vm1, v24, v2;
	v25 =	vmul.f32 $1.442695020e+00, v25  }
0x2e0: {  	v5 =	vor.u32 s23, v0;
	v38 =	vadd.f32 v16, v30;
	v30 =	vld.idx.msk [tilespmem:v37+s17+$0x0], $0xffff;
	v2 =	vmul.f32 $1.442695020e+00, v2  }
0x2e1: {  	s24 =	simm.s32 $0x8;
	v24 =	vmul.f32 $9.999999770e-03, v31;
	(erf) = vpow2.f32 v25;
	v56 =	vld.idx.msk [tilespmem:v17+s15+$0x0], $0xffff;
	v10 =	vadd.f32 v10, v39  }
0x2e2: {  	v59 =	vor.u32 s24, v4;
	vm2 =	vgt.f32 v31, $0.0e+00;
	v41 =	vld.idx.msk [tilespmem:v19+s15+$0x0], $0xffff;
	(erf) = vpow2.f32 v2  }
0x2e3: {  	v32 =	vld.idx.msk [tilespmem:v35+s2+$0x0], $0xffff;
	v33 =	vadd.f32 v29, v54;
	v24 =	vsel vm2, v31, v24;
	v31 =	vmul.f32 $9.999999770e-03, v10  }
0x2e4: {  	v43 =	vadd.f32 v29, v43;
	vm1 =	vgt.f32 v38, $0.0e+00;
	v25 =	vld.idx.msk [tilespmem:v34+s2+$0x0], $0xffff;
	vm2 =	vgt.f32 v10, $0.0e+00  }
0x2e5: {  	v42 =	vmul.f32 $1.442695020e+00, v24;
	v24 =	vmul.f32 $1.442695020e+00, v6;
	v6 =	vsel vm2, v10, v31;
	v31 =	vld.idx.msk [tilespmem:v26+s15+$0x0], $0xffff  }
0x2e6: {  	v40 =	vld.idx.msk [tilespmem:v12+s15+$0x0], $0xffff;
	v58 =	vmul.f32 $9.999999770e-03, v33;
	v2 =	vor.u32 s24, v63;
	v57 =	vadd.f32 v55, v56  }
0x2e7: {  	(erf) = vpow2.f32 v24;
	v41 =	vadd.f32 v30, v41;
	vm2 =	vgt.f32 v33, $0.0e+00  }
0x2e8: {  	v10 =	vmul.f32 $1.442695020e+00, v6;
	v33 =	vsel vm2, v33, v58;
	v44 =	vmul.f32 $9.999999770e-03, v57  }
0x2e9: {  	v3 =	vld.idx.msk [tilespmem:v3+s17+$0x0], $0xffff;
	v61 =	vpop (erf);
	v6 =	vor.u32 s24, v0;
	vm3 =	vgt.f32 v57, $0.0e+00;
	v33 =	vmul.f32 $1.442695020e+00, v33  }
0x2ea: {  	v24 =	vld.idx.msk [tilespmem:v5+s2+$0x0], $0xffff;
	(erf) = vpow2.f32 v42;
	v62 =	vpop (erf);
	v44 =	vsel vm3, v57, v44;
	v30 =	vadd.f32 v30, v31  }
0x2eb: {  	v29 =	vld.idx.msk [tilespmem:v59+s2+$0x0], $0xffff;
	v36 =	vadd.f32 v55, v40;
	(erf) = vpow2.f32 v33;
	(xrf1) =	vsort.ascd.msk.f32 $0xffff, v62, v1;
	v1 =	vpop (erf);
	v31 =	vmul.f32 $1.442695020e+00, v44  }
0x2ec: {  	v60 =	vld.idx.msk [tilespmem:v25+s15+$0x0], $0xffff;
	(erf) = vpow2.f32 v10;
	(xrf1) =	vsort.dscd.msk.f32 $0xffff, v1, v23;
	v23 =	vor.u32 s25, v4;
	v10 =	vmul.f32 $9.999999770e-03, v30  }
0x2ed: {  	v48 =	vld.idx.msk [tilespmem:v32+s15+$0x0], $0xffff;
	v45 =	vmul.f32 $9.999999770e-03, v36;
	vm2 =	vgt.f32 v36, $0.0e+00;
	vm3 =	vgt.f32 v30, $0.0e+00  }
0x2ee: {  	v28 =	vld.idx.msk [tilespmem:v6+s2+$0x0], $0xffff;
	(erf) = vpow2.f32 v31;
	v31 =	vmul.f32 $9.999999770e-03, v41;
	v10 =	vsel vm3, v30, v10  }
0x2ef: {  	s28 =	simm.s32 $0xB;
	v39 =	vmul.f32 $9.999999770e-03, v38;
	vm4 =	vgt.f32 v41, $0.0e+00;
	v49 =	vsel vm2, v36, v45  }
0x2f0: {  	v55 =	vor.u32 s28, v4;
	v1 =	vmul.f32 $1.442695020e+00, v49;
	v31 =	vsel vm4, v41, v31  }
0x2f1: {  	v50 =	vadd.f32 v3, v60;
	v51 =	vmul.f32 $1.442695020e+00, v10;
	v52 =	vmul.f32 $1.442695020e+00, v31;
	v31 =	vld.idx.msk [tilespmem:v23+s2+$0x0], $0xffff;
	v10 =	vpop (erf)  }
0x2f2: {  	vm2 =	vgt.f32 v43, $0.0e+00;
	v3 =	vadd.f32 v3, v48;
	(erf) = vpow2.f32 v1;
	v1 =	vld.idx.msk [tilespmem:v24+s15+$0x0], $0xffff;
	(xrf1) =	vsort.ascd.msk.f32 $0xffff, v10, v9  }
0x2f3: {  	s26 =	simm.s32 $0x9;
	v30 =	vmul.f32 $9.999999770e-03, v43;
	v37 =	vmul.f32 $9.999999770e-03, v50;
	v9 =	vor.u32 s25, v0  }
0x2f4: {  	v40 =	vld.idx.msk [tilespmem:v29+s15+$0x0], $0xffff;
	vm3 =	vgt.f32 v50, $0.0e+00;
	v10 =	vor.u32 s26, v0;
	(xrf1) =	vsort.dscd.msk.f32 $0xffff, v61, v7;
	v7 =	vmul.f32 $9.999999770e-03, v3  }
0x2f5: {  	v2 =	vld.idx.msk [tilespmem:v2+s17+$0x0], $0xffff;
	v23 =	vsel vm2, v43, v30;
	vm2 =	vgt.f32 v3, $0.0e+00;
	v54 =	vpop (erf);
	(erf) = vpow2.f32 v52  }
0x2f6: {  	v23 =	vmul.f32 $1.442695020e+00, v23;
	v53 =	vld.idx.msk [tilespmem:v28+s15+$0x0], $0xffff;
	v42 =	vpop (erf);
	(erf) = vpow2.f32 v51;
	v3 =	vsel vm2, v3, v7  }
0x2f7: {  	s29 =	simm.s32 $0xA;
	v56 =	vpop (erf);
	(xrf1) =	vsort.dscd.msk.f32 $0xffff, v54, v8;
	v8 =	vsel vm3, v50, v37;
	v3 =	vmul.f32 $1.442695020e+00, v3;
	v1 =	vadd.f32 v16, v1  }
0x2f8: {  	v57 =	vor.u32 s29, v4;
	v16 =	vmul.f32 $1.442695020e+00, v8;
	v7 =	vpop (erf);
	v30 =	vld.idx.msk [tilespmem:v9+s2+$0x0], $0xffff;
	(erf) = vpow2.f32 v23  }
0x2f9: {  	v23 =	vor.u32 s28, v63;
	v37 =	vld.idx.msk [tilespmem:v10+s2+$0x0], $0xffff;
	(xrf1) =	vsort.dscd.msk.f32 $0xffff, v7, v17;
	v7 =	vor.u32 s29, v0;
	v58 =	vmul.f32 $9.999999770e-03, v1  }
0x2fa: {  	v62 =	vld.idx.msk [tilespmem:v31+s15+$0x0], $0xffff;
	(erf) = vpow2.f32 v3;
	(xrf1) =	vsort.ascd.msk.f32 $0xffff, v56, v11;
	v11 =	vsel vm1, v38, v39;
	vm1 =	vgt.f32 v1, $0.0e+00  }
0x2fb: {  	v59, v60, _ =	vpop (xrf1);
	v17 =	vld.idx.msk [tilespmem:v55+s2+$0x0], $0xffff;
	(erf) = vpow2.f32 v16;
	v1 =	vsel vm1, v1, v58  }
0x2fc: {  	v39 =	vld.idx.msk [tilespmem:v46+s17+$0x0], $0xffff;
	v3 =	vpop (erf);
	v1 =	vmul.f32 $1.442695020e+00, v1  }
0x2fd: {  	v8 =	vor.u32 s28, v0;
	v16 =	vld.idx.msk [tilespmem:v57+s2+$0x0], $0xffff;
	(xrf1) =	vsort.ascd.msk.f32 $0xffff, v3, v12;
	v3, v47, _ =	vpop (xrf1)  }
0x2fe: {  	v49 =	vpop (erf);
	v33 =	vld.idx.msk [tilespmem:v23+s17+$0x0], $0xffff;
	[tilespmem:$0x1FF30] =	vst v7;
	(erf) = vpow2.f32 v1;
	v1 =	vsel vm0, v3, v59;
	v3 =	vsel vm0, v47, v60  }
0x2ff: {  	v61 =	vor.u32 s26, v4;
	(xrf1) =	vsort.dscd.msk.f32 $0xffff, v49, v19;
	v57 =	vpop (erf);
	v23 =	vld.idx.msk [tilespmem:v7+s2+$0x0], $0xffff;
	[tilespmem:$0x1FF40] =	vst v8  }
0x300: {  	v48 =	vor.u32 s26, v63;
	v41 =	vadd.f32 v2, v53;
	v53, v54, _ =	vpop (xrf1);
	(xrf1) =	vsort.ascd.msk.f32 $0xffff, v57, v26;
	v26 =	vld.idx.msk [tilespmem:v30+s15+$0x0], $0xffff  }
0x301: {  	s25 =	simm.s32 $0xD;
	v51 =	vor.u32 s29, v63;
	v58 =	vadd.f32 v39, v62;
	v44 =	vpop (erf)  }
0x302: {  	v38 =	vmul.f32 $1.442695020e+00, v11;
	v52 =	vmul.f32 $9.999999770e-03, v41;
	v12 =	vor.u32 s25, v0;
	(xrf1) =	vsort.dscd.msk.f32 $0xffff, v1, v3;
	v1, v3, _ =	vpop (xrf1)  }
0x303: {  	v2 =	vadd.f32 v2, v40;
	vm1 =	vgt.f32 v41, $0.0e+00;
	v60 =	vmul.f32 $9.999999770e-03, v58;
	(xrf1) =	vsort.ascd.msk.f32 $0xffff, v42, v22;
	v22 =	vpop (erf)  }
0x304: {  	v59 =	vsel vm1, v41, v52;
	(erf) = vpow2.f32 v38;
	v35 =	vld.idx.msk [tilespmem:v61+s2+$0x0], $0xffff;
	vm2 =	vgt.f32 v58, $0.0e+00;
	v61 =	vpop (erf);
	(xrf1) =	vsort.ascd.msk.f32 $0xffff, v22, v32  }
0x305: {  	v46 =	vld.idx.msk [tilespmem:v48+s17+$0x0], $0xffff;
	v62, v57, _ =	vpop (xrf1);
	(xrf1) =	vsort.dscd.msk.f32 $0xffff, v61, v25;
	v25 =	vadd.f32 v39, v26;
	v26 =	vsel vm2, v58, v60  }
0x306: {  	s30 =	simm.s32 $0xC;
	v45 =	vor.u32 s25, v4;
	v40 =	vmul.f32 $1.442695020e+00, v59;
	v51 =	vld.idx.msk [tilespmem:v51+s17+$0x0], $0xffff  }
0x307: {  	v11 =	vor.u32 s30, v0;
	v41 =	vld.idx.msk [tilespmem:v12+s2+$0x0], $0xffff;
	v22 =	vmul.f32 $9.999999770e-03, v2  }
0x308: {  	s31 =	simm.s32 $0xE;
	vm1 =	vgt.f32 v2, $0.0e+00;
	(erf) = vpow2.f32 v40;
	v48 =	vld.idx.msk [tilespmem:v16+s15+$0x0], $0xffff;
	v59, v58, _ =	vpop (xrf1)  }
0x309: {  	v36 =	vor.u32 s31, v63;
	v49 =	vld.idx.msk [tilespmem:v17+s15+$0x0], $0xffff;
	v2 =	vsel vm1, v2, v22;
	(xrf1) =	vsort.dscd.msk.f32 $0xffff, v44, v14;
	v22 =	vmul.f32 $1.442695020e+00, v26;
	v14, v26, _ =	vpop (xrf1)  }
0x30a: {  	v50 =	vor.u32 s30, v4;
	v47 =	vor.u32 s25, v63;
	v32 =	vld.idx.msk [tilespmem:v37+s15+$0x0], $0xffff;
	v14 =	vsel vm0, v62, v14  }
0x30b: {  	v55 =	vor.u32 s31, v4;
	v43 =	vld.idx.msk [tilespmem:v45+s2+$0x0], $0xffff;
	v3 =	vsel vm0, v3, v54;
	v1 =	vsel vm0, v1, v53  }
0x30c: {  	v42 =	vld.idx.msk [tilespmem:v11+s2+$0x0], $0xffff;
	v61 =	vor.u32 s30, v63;
	v60 =	vmul.f32 $9.999999770e-03, v25;
	v26 =	vsel vm0, v57, v26  }
0x30d: {  	v48 =	vadd.f32 v51, v48;
	vm1 =	vgt.f32 v25, $0.0e+00;
	(erf) = vpow2.f32 v22;
	v22 =	vld.idx.msk [tilespmem:v35+s15+$0x0], $0xffff;
	(xrf1) =	vsort.dscd.msk.f32 $0xffff, v14, v26;
	v14 =	vpop (erf)  }
0x30e: {  	v19 =	vld.idx.msk [tilespmem:v8+s2+$0x0], $0xffff;
	v49 =	vadd.f32 v33, v49;
	v2 =	vmul.f32 $1.442695020e+00, v2;
	v44 =	vsel vm1, v25, v60;
	v62 =	vpop (erf)  }
0x30f: {  	v39 =	vld.idx.msk [tilespmem:v47+s17+$0x0], $0xffff;
	vm2 =	vgt.f32 v48, $0.0e+00;
	v44 =	vmul.f32 $1.442695020e+00, v44;
	v26 =	vadd.f32 v46, v32;
	(xrf1) =	vsort.dscd.msk.f32 $0xffff, v14, v24;
	v14, v24, _ =	vpop (xrf1)  }
0x310: {  	v25 =	vld.idx.msk [tilespmem:v50+s2+$0x0], $0xffff;
	v14 =	vsel vm0, v59, v14;
	v24 =	vsel vm0, v58, v24;
	v38, v57, _ =	vpop (xrf1);
	v59 =	vmul.f32 $9.999999770e-03, v48  }
0x311: {  	v45 =	vld.idx.msk [tilespmem:v61+s17+$0x0], $0xffff;
	(erf) = vpow2.f32 v44;
	(xrf1) =	vsort.ascd.msk.f32 $0xffff, v62, v13;
	v13 =	vor.u32 s31, v0;
	v58 =	vmul.f32 $9.999999770e-03, v26;
	v40 =	vpop (erf)  }
0x312: {  	vm1 =	vgt.f32 v26, $0.0e+00;
	(erf) = vpow2.f32 v2;
	v61, v60, _ =	vpop (xrf1);
	(xrf1) =	vsort.dscd.msk.f32 $0xffff, v14, v24;
	v14 =	vadd.f32 v46, v22;
	v46 =	vld.idx.msk [tilespmem:v41+s15+$0x0], $0xffff  }
0x313: {  	v22 =	vsel vm1, v26, v58;
	v62 =	vsel vm0, v38, v61;
	v26 =	vsel vm2, v48, v59;
	v48 =	vld.idx.msk [tilespmem:v43+s15+$0x0], $0xffff;
	v24, v53, _ =	vpop (xrf1)  }
0x314: {  	v52 =	vld.idx.msk [tilespmem:v42+s15+$0x0], $0xffff;
	v47 =	vsel vm0, v57, v60;
	v22 =	vmul.f32 $1.442695020e+00, v22;
	v57 =	vmul.f32 $9.999999770e-03, v14;
	v54, v56, _ =	vpop (xrf1)  }
0x315: {  	s26 =	simm.s32 $0x10;
	vm1 =	vgt.f32 v49, $0.0e+00;
	v32 =	vmul.f32 $1.442695020e+00, v26;
	vm2 =	vgt.f32 v14, $0.0e+00;
	[tilespmem:v21+s18+$0x0] =	vst.idx.msk $0xff, v24;
	v24 =	vld.idx.msk [tilespmem:v55+s2+$0x0], $0xffff;
	v58, v59, _ =	vpop (xrf1)  }
0x316: {  	v26 =	vld.idx.msk [tilespmem:v13+s2+$0x0], $0xffff;
	(xrf1) =	vsort.dscd.msk.f32 $0xffff, v62, v47;
	v47 =	vor.u32 s26, v63;
	v14 =	vsel vm2, v14, v57;
	(erf) = vpow2.f32 v22;
	v38, v50, _ =	vpop (xrf1)  }
0x317: {  	v55 =	vpop (erf);
	v57 =	vld.idx.msk [tilespmem:v19+s15+$0x0], $0xffff;
	v60 =	vmul.f32 $1.442695020e+00, v14;
	v46 =	vadd.f32 v39, v46;
	v44 =	vsel vm0, v38, v58  }
0x318: {  	v14 =	vor.u32 s26, v0;
	v61, v62, _ =	vpop (xrf1);
	v39 =	vadd.f32 v39, v48;
	v59 =	vsel vm0, v50, v59;
	(xrf1) =	vsort.ascd.msk.f32 $0xffff, v55, v31  }
0x319: {  	v31 =	vor.u32 s26, v4;
	v50 =	vadd.f32 v45, v52;
	v52 =	vsel vm0, v61, v54;
	(xrf1) =	vsort.dscd.msk.f32 $0xffff, v1, v3  }
0x31a: {  	[tilespmem:v21+s19+$0x0] =	vst.idx.msk $0xff, v53;
	v58 =	vld.idx.msk [tilespmem:v25+s15+$0x0], $0xffff;
	s26 =	simm.s32 $0x13;
	v1 =	vmul.f32 $9.999999770e-03, v46;
	v61 =	vmul.f32 $9.999999770e-03, v49;
	vm15 =	vgt.f32 v46, $0.0e+00  }
0x31b: {  	v21 =	vld.idx.msk [tilespmem:v36+s17+$0x0], $0xffff;
	v48 =	vsel vm0, v62, v56;
	v7 =	vor.u32 s26, v63;
	vm2 =	vgt.f32 v39, $0.0e+00;
	v2, v3, _ =	vpop (xrf1);
	(xrf1) =	vsort.dscd.msk.f32 $0xffff, v44, v59  }
0x31c: {  	v54 =	vld.idx.msk [tilespmem:v23+s15+$0x0], $0xffff;
	vm3 =	vgt.f32 v50, $0.0e+00;
	v1 =	vsel vm15, v46, v1;
	v57 =	vadd.f32 v33, v57  }
0x31d: {  	s22 =	simm.s32 $0x16;
	v59 =	vsel vm1, v49, v61;
	v61 =	vmul.f32 $9.999999770e-03, v39;
	v1 =	vmul.f32 $1.442695020e+00, v1;
	v56 =	vld.idx.msk [tilespmem:v24+s15+$0x0], $0xffff  }
0x31e: {  	s29 =	simm.s32 $0x11;
	s31 =	simm.s32 $0x15;
	v49 =	vor.u32 s22, v4;
	v33 =	vmul.f32 $1.442695020e+00, v59;
	[tilespmem:v15+s18+$0x0] =	vst.idx.msk $0xff, v2;
	v2 =	vmul.f32 $9.999999770e-03, v50;
	v46 =	vld.idx.msk [tilespmem:v26+s15+$0x0], $0xffff  }
0x31f: {  	s30 =	simm.s32 $0x12;
	(xrf1) =	vsort.dscd.msk.f32 $0xffff, v52, v48;
	v52 =	vor.u32 s29, v4;
	v48 =	vor.u32 s31, v63;
	v45 =	vadd.f32 v45, v58;
	v55, v62, _ =	vpop (xrf1)  }
0x320: {  	v39 =	vsel vm2, v39, v61;
	vm2 =	vgt.f32 v57, $0.0e+00;
	v58 =	vor.u32 s30, v4;
	v36, v22, _ =	vpop (xrf1)  }
0x321: {  	v61 =	vor.u32 s26, v4;
	v51 =	vadd.f32 v51, v54;
	v53 =	vsel vm0, v62, v22;
	v22 =	vld.idx.msk [tilespmem:v31+s2+$0x0], $0xffff  }
0x322: {  	[tilespmem:v15+s19+$0x0] =	vst.idx.msk $0xff, v3;
	v44 =	vmul.f32 $1.442695020e+00, v39;
	(erf) = vpow2.f32 v33;
	v3, v15, _ =	vpop (xrf1);
	v36 =	vsel vm0, v55, v36  }
0x323: {  	s23 =	simm.s32 $0x14;
	v31 =	vld.idx.msk [tilespmem:v14+s2+$0x0], $0xffff;
	[tilespmem:v20+s18+$0x0] =	vst.idx.msk $0xff, v3;
	v55 =	vadd.f32 v21, v56;
	v46 =	vadd.f32 v21, v46;
	v21 =	vpop (erf)  }
0x324: {  	s28 =	simm.s32 $0x17;
	v2 =	vsel vm3, v50, v2;
	v39 =	vor.u32 s23, v4;
	(xrf1) =	vsort.dscd.msk.f32 $0xffff, v36, v53;
	[tilespmem:v20+s19+$0x0] =	vst.idx.msk $0xff, v15;
	v15, v50, _ =	vpop (xrf1)  }
0x325: {  	v33 =	vor.u32 s22, v63;
	v36 =	vor.u32 s28, v4;
	(erf) = vpow2.f32 v60;
	(xrf1) =	vsort.dscd.msk.f32 $0xffff, v21, v30;
	v30 =	vpop (erf)  }
0x326: {  	vm1 =	vgt.f32 v45, $0.0e+00;
	v62 =	vmul.f32 $9.999999770e-03, v45;
	(erf) = vpow2.f32 v1;
	[tilespmem:v18+s18+$0x0] =	vst.idx.msk $0xff, v15;
	v38, v59, _ =	vpop (xrf1)  }
0x327: {  	v2 =	vmul.f32 $1.442695020e+00, v2;
	(xrf1) =	vsort.ascd.msk.f32 $0xffff, v30, v29;
	(erf) = vpow2.f32 v44;
	[tilespmem:v18+s19+$0x0] =	vst.idx.msk $0xff, v50;
	v30, v44, _ =	vpop (xrf1)  }
0x328: {  	v47 =	vld.idx.msk [tilespmem:v47+s17+$0x0], $0xffff;
	v3 =	vsel vm1, v45, v62;
	v45 =	vmul.f32 $9.999999770e-03, v57;
	v20 =	vor.u32 s29, v0;
	[tilespmem:v27+s18+$0x0] =	vst.idx.msk $0xff, v30  }
0x329: {  	v62 =	vor.u32 s28, v63;
	v3 =	vmul.f32 $1.442695020e+00, v3;
	v21 =	vor.u32 s28, v0;
	v53 =	vld.idx.msk [tilespmem:v22+s15+$0x0], $0xffff;
	v18, v54, _ =	vpop (xrf1);
	[tilespmem:v27+s19+$0x0] =	vst.idx.msk $0xff, v44  }
0x32a: {  	vm3 =	vgt.f32 v55, $0.0e+00;
	vm1 =	vgt.f32 v46, $0.0e+00;
	v56 =	vmul.f32 $9.999999770e-03, v46;
	v36 =	vld.idx.msk [tilespmem:v36+s2+$0x0], $0xffff;
	[tilespmem:v34+s18+$0x0] =	vst.idx.msk $0xff, v18  }
0x32b: {  	v15 =	vor.u32 s23, v0;
	v29 =	vor.u32 s30, v0;
	v1 =	vpop (erf);
	(erf) = vpow2.f32 v2;
	v60 =	vld.idx.msk [tilespmem:v31+s15+$0x0], $0xffff;
	[tilespmem:v34+s19+$0x0] =	vst.idx.msk $0xff, v54  }
0x32c: {  	v50 =	vor.u32 s31, v4;
	v2 =	vmul.f32 $9.999999770e-03, v55;
	(xrf1) =	vsort.dscd.msk.f32 $0xffff, v40, v28;
	(erf) = vpow2.f32 v3;
	v8 =	vld [tilespmem:$0x1FF50]  }
0x32d: {  	(xrf1) =	vsort.dscd.msk.f32 $0xffff, v1, v37;
	v37 =	vld.idx.msk [tilespmem:v61+s2+$0x0], $0xffff;
	v61 =	vmov v63;
	v46 =	vsel vm1, v46, v56;
	vm1 =	vgt.f32 v51, $0.0e+00;
	v3, v28, _ =	vpop (xrf1)  }
0x32e: {  	v40 =	vld.idx.msk [tilespmem:v20+s2+$0x0], $0xffff;
	v30 =	vor.u32 s26, v0;
	v54 =	vpop (erf);
	v44 =	vadd.f32 v47, v53;
	v53 =	vsel vm2, v57, v45  }
0x32f: {  	v2 =	vsel vm3, v55, v2;
	v46 =	vmul.f32 $1.442695020e+00, v46;
	v27 =	vld.idx.msk [tilespmem:v21+s2+$0x0], $0xffff;
	v57 =	vpop (erf);
	v34 =	vmul.f32 $1.442695020e+00, v53  }
0x330: {  	v2 =	vmul.f32 $1.442695020e+00, v2;
	v18 =	vor.u32 s31, v0;
	v60 =	vadd.f32 v47, v60;
	v53 =	vld.idx.msk [tilespmem:v62+s17+$0x0], $0xffff;
	v1 =	vpop (erf)  }
0x331: {  	v45 =	vor.u32 s30, v63;
	v55 =	vpop (erf);
	(xrf1) =	vsort.dscd.msk.f32 $0xffff, v1, v41;
	v1 =	vmul.f32 $9.999999770e-03, v51;
	(erf) = vpow2.f32 v34;
	v34 =	vld.idx.msk [tilespmem:v58+s2+$0x0], $0xffff  }
0x332: {  	v47 =	vor.u32 s29, v63;
	vm2 =	vgt.f32 v44, $0.0e+00;
	v62, v41, _ =	vpop (xrf1);
	v63 =	vmul.f32 $9.999999770e-03, v60;
	(xrf1) =	vsort.ascd.msk.f32 $0xffff, v57, v35;
	v57 =	vld.idx.msk [tilespmem:v36+s15+$0x0], $0xffff  }
0x333: {  	[tilespmem:v5+s18+$0x0] =	vst.idx.msk $0xff, v62;
	(xrf1) =	vsort.ascd.msk.f32 $0xffff, v55, v43;
	(erf) = vpow2.f32 v2;
	v43 =	vsel vm1, v51, v1  }
0x334: {  	v35 =	vld.idx.msk [tilespmem:v7+s17+$0x0], $0xffff;
	vm1 =	vgt.f32 v60, $0.0e+00;
	v2, v62, _ =	vpop (xrf1);
	(erf) = vpow2.f32 v46;
	[tilespmem:v8+s18+$0x0] =	vst.idx.msk $0xff, v3;
	v3 =	vmul.f32 $9.999999770e-03, v44  }
0x335: {  	v60 =	vsel vm1, v60, v63;
	v58 =	vsel vm0, v2, v38;
	v1 =	vpop (erf);
	[tilespmem:v8+s19+$0x0] =	vst.idx.msk $0xff, v28;
	v28 =	vld.idx.msk [tilespmem:v29+s2+$0x0], $0xffff  }
0x336: {  	s21 =	simm.s32 $0x18;
	v59 =	vsel vm0, v62, v59;
	v55, v56, _ =	vpop (xrf1);
	(xrf1) =	vsort.dscd.msk.f32 $0xffff, v1, v42;
	v51 =	vsel vm2, v44, v3;
	v44 =	vld.idx.msk [tilespmem:v30+s2+$0x0], $0xffff  }
.LBB2_7:
0x337: {  	v3 =	vpop (erf)  }
0x338: {  	v7 =	vld [tilespmem:$0x1FF30];
	(xrf1) =	vsort.ascd.msk.f32 $0xffff, v3, v25;
	v3 =	vmov v29  }
0x339: {  	[tilespmem:$0x1FF30] =	vst v3;
	v3 =	vld [tilespmem:$0x1FF40];
	_ =	sdelay $0x2  }
0x33a: {  	v2 =	vmul.f32 $1.442695020e+00, v43  }
0x33b: {  	v1 =	vld.idx.msk [tilespmem:v27+s15+$0x0], $0xffff  }
0x33c: {  	[tilespmem:v5+s19+$0x0] =	vst.idx.msk $0xff, v41;
	v41 =	vld.idx.msk [tilespmem:v52+s2+$0x0], $0xffff;
	(erf) = vpow2.f32 v2;
	v38 =	vmov v3;
	v3 =	vmov v30  }
0x33d: {  	(xrf1) =	vsort.dscd.msk.f32 $0xffff, v58, v59;
	v5 =	vmovc v7;
	v7 =	vmul.f32 $1.442695020e+00, v60;
	[tilespmem:$0x1FF40] =	vst v3;
	v3 =	vadd.f32 v53, v57  }
0x33e: {  	v46 =	vmov v31;
	v31 =	vld.idx.msk [tilespmem:v47+s17+$0x0], $0xffff;
	(erf) = vpow2.f32 v32;
	(xrf1) =	vsort.ascd.msk.f32 $0xffff, v54, v17;
	v52, v60, _ =	vpop (xrf1)  }
0x33f: {  	v32 =	vld.idx.msk [tilespmem:v40+s15+$0x0], $0xffff;
	v30 =	vpop (erf);
	(erf) = vpow2.f32 v7;
	v59 =	vmul.f32 $9.999999770e-03, v3  }
0x340: {  	v2 =	vpop (erf);
	vm1 =	vgt.f32 v3, $0.0e+00  }
0x341: {  	v62 =	vpop (erf);
	(xrf1) =	vsort.ascd.msk.f32 $0xffff, v2, v24;
	v7 =	vsel vm1, v3, v59  }
0x342: {  	v25 =	vld.idx.msk [tilespmem:v34+s15+$0x0], $0xffff;
	v3, v63, _ =	vpop (xrf1);
	(xrf1) =	vsort.dscd.msk.f32 $0xffff, v62, v26;
	v7 =	vmul.f32 $1.442695020e+00, v7  }
0x343: {  	v29 =	vld.idx.msk [tilespmem:v45+s17+$0x0], $0xffff;
	v58 =	vor.u32 s23, v61;
	v17 =	vmov v37;
	v1 =	vadd.f32 v53, v1;
	(xrf1) =	vsort.dscd.msk.f32 $0xffff, v30, v19;
	v30, v57, _ =	vpop (xrf1)  }
0x344: {  	v47 =	vld.idx.msk [tilespmem:v18+s2+$0x0], $0xffff;
	v54 =	vsel vm0, v60, v56;
	v32 =	vadd.f32 v31, v32;
	(erf) = vpow2.f32 v7;
	v2, v59, _ =	vpop (xrf1)  }
0x345: {  	v53 =	vld.idx.msk [tilespmem:v41+s15+$0x0], $0xffff;
	v26 =	vmul.f32 $9.999999770e-03, v1;
	vm1 =	vgt.f32 v1, $0.0e+00;
	v19 =	vmov v44;
	v60, v62, _ =	vpop (xrf1)  }
0x346: {  	v24 =	vld.idx.msk [tilespmem:v49+s2+$0x0], $0xffff;
	v7 =	vsel vm0, v3, v2;
	v3 =	vsel vm0, v63, v59;
	v2 =	vpop (erf);
	v63 =	vmul.f32 $9.999999770e-03, v32  }
0x347: {  	v44 =	vld.idx.msk [tilespmem:v50+s2+$0x0], $0xffff;
	v1 =	vsel vm1, v1, v26;
	(xrf1) =	vsort.dscd.msk.f32 $0xffff, v7, v3;
	v26 =	vsel vm0, v30, v60;
	v30 =	vpop (erf)  }
0x348: {  	v50 =	vadd.f32 v29, v25;
	v25 =	vld.idx.msk [tilespmem:v39+s2+$0x0], $0xffff;
	(xrf1) =	vsort.dscd.msk.f32 $0xffff, v2, v23;
	v37 =	vpop (erf)  }
0x349: {  	v52 =	vsel vm0, v52, v55;
	v3 =	vld.idx.msk [tilespmem:v17+s15+$0x0], $0xffff;
	(xrf1) =	vsort.ascd.msk.f32 $0xffff, v30, v16;
	v30, v39, _ =	vpop (xrf1)  }
0x34a: {  	vm1 =	vgt.f32 v32, $0.0e+00;
	v2 =	vld.idx.msk [tilespmem:v48+s17+$0x0], $0xffff;
	v23 =	vsel vm0, v57, v62;
	v48 =	vmul.f32 $9.999999770e-03, v50;
	v62, v60, _ =	vpop (xrf1)  }
0x34b: {  	vm2 =	vgt.f32 v50, $0.0e+00;
	(xrf1) =	vsort.dscd.msk.f32 $0xffff, v26, v23;
	v23 =	vadd.f32 v31, v53;
	v26 =	vsel vm1, v32, v63;
	v55, v63, _ =	vpop (xrf1)  }
0x34c: {  	v49 =	vld.idx.msk [tilespmem:v58+s17+$0x0], $0xffff;
	v58 =	vsel vm2, v50, v48;
	v30 =	vsel vm0, v30, v62;
	v39 =	vsel vm0, v39, v60;
	v50, v53, _ =	vpop (xrf1)  }
0x34d: {  	v1 =	vmul.f32 $1.442695020e+00, v1;
	(xrf1) =	vsort.dscd.msk.f32 $0xffff, v30, v39;
	v59 =	vpop (erf)  }
0x34e: {  	v42 =	vld.idx.msk [tilespmem:v15+s2+$0x0], $0xffff;
	v30 =	vmul.f32 $9.999999770e-03, v23;
	(xrf1) =	vsort.ascd.msk.f32 $0xffff, v59, v36  }
0x34f: {  	s24 =	smov.u32 s21;
	v31 =	vld.idx.msk [tilespmem:v47+s15+$0x0], $0xffff;
	[tilespmem:v9+s18+$0x0] =	vst.idx.msk $0xff, v55;
	v3 =	vadd.f32 v35, v3;
	vm2 =	vgt.f32 v23, $0.0e+00;
	(erf) = vpow2.f32 v1  }
0x350: {  	v60, v45, _ =	vpop (xrf1);
	v7 =	vsel vm2, v23, v30;
	v30 =	vld.idx.msk [tilespmem:v28+s15+$0x0], $0xffff;
	v23 =	vmov v28;
	v28 =	vor.u32 s24, v4;
	(xrf1) =	vsort.dscd.msk.f32 $0xffff, v52, v54  }
0x351: {  	v48 =	vld.idx.msk [tilespmem:v44+s15+$0x0], $0xffff;
	[tilespmem:v9+s19+$0x0] =	vst.idx.msk $0xff, v63;
	v9 =	vmov v21;
	v21 =	vmul.f32 $1.442695020e+00, v51;
	v51 =	vor.u32 s24, v61;
	v1, v61, _ =	vpop (xrf1)  }
0x352: {  	v43 =	vmovc v40;
	v39 =	vld.idx.msk [tilespmem:v19+s15+$0x0], $0xffff;
	v54 =	vmul.f32 $1.442695020e+00, v7;
	v1 =	vsel vm0, v1, v60;
	v7 =	vsel vm0, v61, v45  }
0x353: {  	v40 =	vor.u32 s22, v0;
	v55 =	vmul.f32 $1.442695020e+00, v26;
	v63, v62, _ =	vpop (xrf1);
	v61 =	vmul.f32 $9.999999770e-03, v3;
	(xrf1) =	vsort.dscd.msk.f32 $0xffff, v1, v7  }
0x354: {  	v33 =	vld.idx.msk [tilespmem:v33+s17+$0x0], $0xffff;
	v16 =	vmov v34;
	vm1 =	vgt.f32 v3, $0.0e+00;
	(erf) = vpow2.f32 v21  }
0x355: {  	v31 =	vadd.f32 v2, v31;
	(erf) = vpow2.f32 v55;
	v55 =	vld.idx.msk [tilespmem:v28+s2+$0x0], $0xffff;
	v3 =	vsel vm1, v3, v61;
	v21, v60, _ =	vpop (xrf1)  }
0x356: {  	v56 =	vld.idx.msk [tilespmem:v42+s15+$0x0], $0xffff;
	v34 =	vor.u32 s24, v0;
	v7 =	vmul.f32 $1.442695020e+00, v3;
	[tilespmem:v10+s18+$0x0] =	vst.idx.msk $0xff, v21;
	v21 =	vsel vm0, v62, v53;
	v53, v62, _ =	vpop (xrf1)  }
0x357: {  	v2 =	vadd.f32 v2, v48;
	vm4 =	vgt.f32 v31, $0.0e+00;
	v35 =	vadd.f32 v35, v39;
	[tilespmem:v10+s19+$0x0] =	vst.idx.msk $0xff, v60;
	v45, v10, _ =	vpop (xrf1)  }
0x358: {  	v26 =	vld.idx.msk [tilespmem:v40+s2+$0x0], $0xffff;
	v50 =	vsel vm0, v63, v50;
	v28 =	vadd.f32 v29, v30;
	v29 =	vpop (erf);
	(erf) = vpow2.f32 v7  }
0x359: {  	v7 =	vld [tilespmem:$0x1FFD0];
	v60 =	vsel vm0, v62, v10;
	v10 =	vmov v20;
	v20 =	vmul.f32 $9.999999770e-03, v2;
	v61, v62, _ =	vpop (xrf1)  }
0x35a: {  	v36 =	vld.idx.msk [tilespmem:v25+s15+$0x0], $0xffff;
	v1 =	vmul.f32 $9.999999770e-03, v31;
	vm3 =	vgt.f32 v2, $0.0e+00;
	(xrf1) =	vsort.dscd.msk.f32 $0xffff, v50, v21;
	[tilespmem:v12+s18+$0x0] =	vst.idx.msk $0xff, v61  }
0x35b: {  	v63 =	vld.idx.msk [tilespmem:v24+s15+$0x0], $0xffff;
	v2 =	vsel vm3, v2, v20;
	v20 =	vsel vm0, v53, v45;
	[tilespmem:v12+s19+$0x0] =	vst.idx.msk $0xff, v62;
	v12, v39, _ =	vpop (xrf1)  }
0x35c: {  	v1 =	vsel vm4, v31, v1;
	v31 =	vld.idx.msk [tilespmem:v34+s2+$0x0], $0xffff;
	v3, v59, _ =	vpop (xrf1);
	(xrf1) =	vsort.dscd.msk.f32 $0xffff, v20, v60  }
0x35d: {  	s26 =	sadd.s32 $0x7, s24;
	v2 =	vmul.f32 $1.442695020e+00, v2;
	[tilespmem:v11+s18+$0x0] =	vst.idx.msk $0xff, v12;
	v12 =	vpop (erf);
	v62 =	vld.idx.msk [tilespmem:v55+s15+$0x0], $0xffff;
	(xrf1) =	vsort.dscd.msk.f32 $0xffff, v29, v27  }
0x35e: {  	v1 =	vmul.f32 $1.442695020e+00, v1;
	v20, v27, _ =	vpop (xrf1);
	(xrf1) =	vsort.ascd.msk.f32 $0xffff, v12, v22;
	v22 =	vmov v55;
	v55 =	vor.u32 s26, v7;
	v7 =	vld [tilespmem:$0x1FFD0]  }
0x35f: {  	v32 =	vmul.f32 $1.442695020e+00, v58;
	v61 =	vpop (erf);
	(erf) = vpow2.f32 v54  }
0x360: {  	s25 =	sadd.s32 $0x1, s24;
	v48 =	vadd.f32 v49, v56;
	v56 =	vld.idx.msk [tilespmem:v26+s15+$0x0], $0xffff;
	v36 =	vadd.f32 v49, v36;
	(erf) = vpow2.f32 v1  }
0x361: {  	s28 =	sadd.s32 $0x5, s24;
	s29 =	sadd.s32 $0x2, s24;
	v52 =	vor.u32 s25, v4;
	v57 =	vadd.f32 v33, v63;
	(erf) = vpow2.f32 v2;
	v2, v63, _ =	vpop (xrf1)  }
0x362: {  	s23 =	sadd.s32 $0x4, s24;
	s22 =	sadd.s32 $0x6, s24;
	s24 =	sadd.s32 $0x3, s24;
	vm2 =	vgt.f32 v48, $0.0e+00;
	vm1 =	vgt.f32 v35, $0.0e+00;
	v30 =	vmul.f32 $9.999999770e-03, v36;
	[tilespmem:v13+s18+$0x0] =	vst.idx.msk $0xff, v2  }
0x363: {  	v49 =	vor.u32 s22, v4;
	vm15 =	vgt.f32 v36, $0.0e+00;
	[tilespmem:v13+s19+$0x0] =	vst.idx.msk $0xff, v63;
	v63 =	vor.u32 s24, v7;
	v7 =	vld [tilespmem:$0x1FFD0]  }
0x364: {  	v21 =	vmul.f32 $9.999999770e-03, v48;
	v30 =	vsel vm15, v36, v30;
	v36 =	vor.u32 s26, v4  }
0x365: {  	v50 =	vor.u32 s28, v4;
	v56 =	vadd.f32 v33, v56;
	v45 =	vmul.f32 $9.999999770e-03, v35  }
0x366: {  	v53 =	vmul.f32 $1.442695020e+00, v30;
	v30 =	vsel vm2, v48, v21;
	v21 =	vor.u32 s26, v0;
	v60 =	vld.idx.msk [tilespmem:v31+s15+$0x0], $0xffff;
	[tilespmem:v6+s18+$0x0] =	vst.idx.msk $0xff, v20  }
0x367: {  	vm3 =	vgt.f32 v57, $0.0e+00;
	vm2 =	vgt.f32 v56, $0.0e+00;
	v58 =	vmul.f32 $9.999999770e-03, v56;
	v1 =	vld.idx.msk [tilespmem:v51+s17+$0x0], $0xffff  }
0x368: {  	v48 =	vmul.f32 $1.442695020e+00, v30;
	v20 =	vor.u32 s25, v0;
	v33 =	vor.u32 s22, v7;
	v7 =	vld [tilespmem:$0x1FFD0]  }
0x369: {  	v30 =	vor.u32 s24, v0;
	[tilespmem:v11+s19+$0x0] =	vst.idx.msk $0xff, v39;
	v39 =	vor.u32 s23, v4;
	v11 =	vmovc v15;
	v15 =	vor.u32 s23, v0  }
0x36a: {  	v8 =	vld [tilespmem:$0x1FFD0];
	v56 =	vsel vm2, v56, v58;
	vm2 =	vgt.f32 v28, $0.0e+00;
	v2 =	vor.u32 s24, v4  }
0x36b: {  	v36 =	vld.idx.msk [tilespmem:v36+s2+$0x0], $0xffff;
	v29 =	vor.u32 s29, v0;
	v12 =	vmovc v18;
	v18 =	vor.u32 s28, v0;
	v51 =	vor.u32 s29, v4  }
0x36c: {  	[tilespmem:v6+s19+$0x0] =	vst.idx.msk $0xff, v27;
	v6 =	vmov v14;
	v27 =	vld.idx.msk [tilespmem:v21+s2+$0x0], $0xffff;
	v54 =	vpop (erf);
	(erf) = vpow2.f32 v48;
	v13 =	vmov v40  }
0x36d: {  	(xrf1) =	vsort.dscd.msk.f32 $0xffff, v37, v46;
	v40 =	vld.idx.msk [tilespmem:v20+s2+$0x0], $0xffff;
	v46 =	vadd.f32 v1, v62;
	v37, v62, _ =	vpop (xrf1);
	v48 =	vor.u32 s28, v7;
	v7 =	vmul.f32 $9.999999770e-03, v57  }
0x36e: {  	v14 =	vmov v34;
	v34 =	vsel vm1, v35, v45;
	(xrf1) =	vsort.dscd.msk.f32 $0xffff, v61, v43;
	v61 =	vld [tilespmem:$0x1FFD0];
	[tilespmem:v38+s18+$0x0] =	vst.idx.msk $0xff, v37  }
0x36f: {  	v45 =	vor.u32 s29, v8;
	v34 =	vmul.f32 $1.442695020e+00, v34;
	v37 =	vld.idx.msk [tilespmem:v2+s2+$0x0], $0xffff;
	v2 =	vsel vm3, v57, v7  }
0x370: {  	(erf) = vpow2.f32 v53;
	v53 =	vld.idx.msk [tilespmem:v55+s17+$0x0], $0xffff;
	v1 =	vadd.f32 v1, v60;
	v55 =	vpop (erf);
	v58 =	vmul.f32 $1.442695020e+00, v2  }
0x371: {  	p1 =	slt.u32 s21, $0x78;
	vm1 =	vgt.f32 v46, $0.0e+00;
	v7 =	vpop (erf);
	(erf) = vpow2.f32 v34;
	v34 =	vld.idx.msk [tilespmem:v51+s2+$0x0], $0xffff;
	v51 =	vmul.f32 $1.442695020e+00, v56  }
.Ltmp5:
0x372: {  	v8 =	vmul.f32 $9.999999770e-03, v46;
	v35 =	vld.idx.msk [tilespmem:v63+s17+$0x0], $0xffff;
	[tilespmem:v38+s19+$0x0] =	vst.idx.msk $0xff, v62;
	v60 =	vpop (erf);
	(xrf1) =	vsort.dscd.msk.f32 $0xffff, v7, v47;
	(erf) = vpow2.f32 v58;
	(pc) =	sbr.rel @p1 .LBB2_7-.Ltmp5, $4  }
0x373: {  	v57 =	vld.idx.msk [tilespmem:v36+s15+$0x0], $0xffff;
	v7 =	vmul.f32 $9.999999770e-03, v28;
	v47 =	vor.u32 s25, v61;
	(xrf1) =	vsort.ascd.msk.f32 $0xffff, v55, v41;
	v55, v41, _ =	vpop (xrf1);
	(erf) = vpow2.f32 v51  }
0x374: {  	v51 =	vsel vm1, v46, v8;
	(xrf1) =	vsort.ascd.msk.f32 $0xffff, v60, v44;
	v2, v44, _ =	vpop (xrf1);
	[tilespmem:v5+s18+$0x0] =	vst.idx.msk $0xff, v55;
	v60 =	vmul.f32 $9.999999770e-03, v1  }
0x375: {  	v43 =	vsel vm2, v28, v7;
	vm2 =	vgt.f32 v1, $0.0e+00;
	v28 =	vld.idx.msk [tilespmem:v29+s2+$0x0], $0xffff;
	v58 =	vsel vm0, v2, v3;
	v2 =	vpop (erf)  }
0x376: {  	s21 =	sadd.s32 $0x8, s21;
	v59 =	vsel vm0, v44, v59;
	v44 =	vld.idx.msk [tilespmem:v30+s2+$0x0], $0xffff;
	v55, v56, _ =	vpop (xrf1);
	v60 =	vsel vm2, v1, v60;
	(xrf1) =	vsort.dscd.msk.f32 $0xffff, v2, v42  }
.Ltmp6:
0x377: {  	_ = 	snop;
	(pc) =	sbr.rel .LBB2_8-.Ltmp6, $1  }
0x378: {  	_ =	sdelay $0x3  }
.LBB2_10:
0x379: {  	_ =	sfence.sel $0x180000  }
0x37a: {  	[bflag:$0x0] =	sbarrier.arrive $0xFFFF  }
0x37b: {  	p0 =	sne.s32 s1, $0x0;
	_ =	strace $0x90000047  }
0x37c: {  	s0 =	sadd.s32 @!p0 $0x100000, s0;
	[bflag:$0x2] =	sbarrier.arrive $0xFFFF  }
0x37d: {  	[sflag:s0] =	ssyncadd.tile.s32 @!p0 $0x1;
	_ =	shalt  }
.Lfunc_end2:
_tile_overlayer_lowered:
.L_overlay_start_2:
0x37e: {  	(tag) =	ssettag $0x2  }
0x37f: {  	s0 =	rddreg [dreg:$0x0];
	s2 =	stileid.u32  }
0x380: {  	s1 =	rddreg [dreg:$0x1];
	p0 =	sne.s32 s2, $0x0  }
0x381: {  	s3 =	rddreg [dreg:$0x2];
	[bflag:$0x3] =	sbarrier.arrive $0xFFFF;
	s2 =	simm.s32 @!p0 $0x1C01  }
0x382: {  	[timem:s3], [sflag:s2] =	dma.local @!p0 [hbm:s0], s1  }
0x383: {  	s0 =	simm.s32 @!p0 $0x1  }
0x384: {  	_ =	swait.ge @!p0 [sflag:s0], s1  }
0x385: {  	s1 =	ssub.s32 @!p0 $0x0, s1;
	[sflag:s0] =	ssyncset.done @!p0 $0x0  }
0x386: {  	[sflag:s0] =	ssyncadd.s32 @!p0 s1  }
0x387: {  	[bflag:$0x3] =	sbarrier.arrive $0xFFFF  }
0x388: {  	_ =	shalt  }

</sc_bundles>
